<compile_context>
chip_gen: v7x
topology: tpu7x:2x2x1
jax: 0.10.2.dev20260603
libtpu: 0.0.44.dev20260713+nightly
codegen_flags: <defaults>
</compile_context>

<pallas_src>
import functools

import jax
import jax.numpy as jnp
from jax import lax
from jax.experimental import pallas as pl
from jax.experimental.pallas import tpu as pltpu
from jax.experimental.pallas import tpu_sc as plsc

K = 8
BETA = 0.9
NB = 128
CE = 2048
SC_CH = 128
SC_ALIGN = 32 * SC_CH

_ANY = pl.BlockSpec(memory_space=pl.ANY)


def _gmat(d, dtype=jnp.float32):
    di = lax.broadcasted_iota(jnp.int32, (d, K), 0)
    ki = lax.broadcasted_iota(jnp.int32, (d, K), 1)
    return (di // (d // K) == ki).astype(dtype)


def _gmat_t(d, dtype=jnp.float32):
    ki = lax.broadcasted_iota(jnp.int32, (K, d), 0)
    di = lax.broadcasted_iota(jnp.int32, (K, d), 1)
    return (di // (d // K) == ki).astype(dtype)




def _norm_body(x_ref, o_ref):
    x = x_ref[...]
    d = x.shape[1]
    ss = jnp.dot(x * x, _gmat(d), preferred_element_type=jnp.float32)
    inv = 1.0 / jnp.maximum(jnp.sqrt(ss), 1e-12)
    o_ref[...] = x * jnp.dot(inv, _gmat_t(d), preferred_element_type=jnp.float32)


def _normalize_caps(x):
    n_pad, d = x.shape
    return pl.pallas_call(
        _norm_body,
        grid=(n_pad // NB,),
        in_specs=[pl.BlockSpec((NB, d), lambda i: (i, 0))],
        out_specs=pl.BlockSpec((NB, d), lambda i: (i, 0)),
        out_shape=jax.ShapeDtypeStruct((n_pad, d), jnp.float32),
    )(x)




def _sc_gather(table, idx):
    ep = idx.shape[0]
    d = table.shape[1]
    info = plsc.get_sparse_core_info()
    nc, ns = info.num_cores, info.num_subcores
    nw = nc * ns
    bpw = ep // nw
    nch = bpw // SC_CH
    mesh = plsc.VectorSubcoreMesh(core_axis_name="c", subcore_axis_name="s")

    @functools.partial(
        pl.kernel,
        out_type=jax.ShapeDtypeStruct((ep, d), jnp.float32),
        mesh=mesh,
        scratch_types=[
            pltpu.VMEM((SC_CH,), jnp.int32),
            pltpu.VMEM((SC_CH, d), jnp.float32),
            pltpu.SemaphoreType.DMA,
        ],
    )
    def gk(table_hbm, idx_hbm, out_hbm, idx_v, rows_v, sem):
        wid = lax.axis_index("s") * nc + lax.axis_index("c")
        base = wid * bpw

        def body(j, carry):
            off = base + j * SC_CH
            pltpu.sync_copy(idx_hbm.at[pl.ds(off, SC_CH)], idx_v)
            pltpu.async_copy(table_hbm.at[idx_v], rows_v, sem).wait()
            pltpu.sync_copy(rows_v, out_hbm.at[pl.ds(off, SC_CH)])
            return carry

        lax.fori_loop(0, nch, body, 0)

    return gk(table, idx)




def _chunk_S(row_v, n0, s, t, e0):
    lrow = row_v[...] - n0
    eidx = e0 + lax.broadcasted_iota(jnp.int32, (CE, 1), 0)
    valid = (eidx >= s) & (eidx < t)
    nbi = lax.broadcasted_iota(jnp.int32, (CE, NB), 1)
    sb = (lrow == nbi) & valid
    return sb.astype(jnp.float32), valid


def _seg_gather(S, stat):
    return lax.dot_general(S, stat, (((1,), (1,)), ((), ())),
                           preferred_element_type=jnp.float32)


def _seg_sum_to(S, vals):
    return lax.dot_general(vals, S, (((0,), (0,)), ((), ())),
                           preferred_element_type=jnp.float32)


def _chunk_bounds(off_ref, b):
    n0 = b * NB
    s = off_ref[n0]
    t = off_ref[n0 + NB]
    j0 = s // CE
    j1 = lax.select(t > s, (t - 1) // CE + 1, j0)
    return n0, s, t, j0, j1




def _init_body(off_ref, z_hbm, row_hbm, ppr_hbm, u_ref,
               z_v, row_v, ppr_v, acc, sz, sr, sp):
    n0, s, t, j0, j1 = _chunk_bounds(off_ref, pl.program_id(0))
    d = u_ref.shape[1]
    acc[...] = jnp.zeros((NB, d), jnp.float32)

    def cp_z(j, sl):
        return pltpu.make_async_copy(
            z_hbm.at[pl.ds(j * CE, CE), :], z_v.at[sl], sz.at[sl])

    def cp_r(j, sl):
        return pltpu.make_async_copy(
            row_hbm.at[pl.ds(j * CE, CE), :], row_v.at[sl], sr.at[sl])

    def cp_p(j, sl):
        return pltpu.make_async_copy(
            ppr_hbm.at[pl.ds(j * CE, CE), :], ppr_v.at[sl], sp.at[sl])

    @pl.when(j1 > j0)
    def _():
        cp_z(j0, 0).start(); cp_r(j0, 0).start(); cp_p(j0, 0).start()

    def body(j, carry):
        sl = lax.rem(j - j0, 2)
        cp_z(j, sl).wait(); cp_r(j, sl).wait(); cp_p(j, sl).wait()

        @pl.when(j + 1 < j1)
        def _():
            nsl = 1 - sl
            cp_z(j + 1, nsl).start()
            cp_r(j + 1, nsl).start()
            cp_p(j + 1, nsl).start()

        S, valid = _chunk_S(row_v.at[sl], n0, s, t, j * CE)
        zw = jnp.where(valid, z_v[sl] * ppr_v[sl], 0.0)
        acc[...] += lax.dot_general(S, zw, (((0,), (0,)), ((), ())),
                                    preferred_element_type=jnp.float32)
        return carry

    lax.fori_loop(j0, j1, body, 0)
    u_ref[...] = acc[...]


def _init_u(off, z, row2, ppr2, n_pad, d):
    return pl.pallas_call(
        _init_body,
        grid_spec=pltpu.PrefetchScalarGridSpec(
            num_scalar_prefetch=1,
            grid=(n_pad // NB,),
            in_specs=[_ANY, _ANY, _ANY],
            out_specs=pl.BlockSpec((NB, d), lambda i, off: (i, 0)),
            scratch_shapes=[
                pltpu.VMEM((2, CE, d), jnp.float32),
                pltpu.VMEM((2, CE, 1), jnp.int32),
                pltpu.VMEM((2, CE, 1), jnp.float32),
                pltpu.VMEM((NB, d), jnp.float32),
                pltpu.SemaphoreType.DMA((2,)),
                pltpu.SemaphoreType.DMA((2,)),
                pltpu.SemaphoreType.DMA((2,)),
            ],
        ),
        out_shape=jax.ShapeDtypeStruct((n_pad, d), jnp.float32),
    )(off, z, row2, ppr2)




def _iter_body(off_ref, flag_ref, u_ref, z_hbm, row_hbm, ppr_hbm,
               uo_ref, pbuf_hbm,
               z_v, row_v, ppr_v, p_v, po_v, m_s, s1_s, s2_s, acc,
               sz, sr, sp, sq, so):
    n0, s, t, j0, j1 = _chunk_bounds(off_ref, pl.program_id(0))
    d = u_ref.shape[1]
    G = _gmat(d)
    Gt = _gmat_t(d)
    u = u_ref[...]
    uu = lax.dot_general(G, u * u, (((0,), (1,)), ((), ())),
                         preferred_element_type=jnp.float32)
    m_s[...] = jnp.sqrt(uu)
    s1_s[...] = jnp.zeros((K, NB), jnp.float32)
    s2_s[...] = jnp.zeros((K, NB), jnp.float32)
    acc[...] = jnp.zeros((NB, d), jnp.float32)

    def cp_z(j, sl):
        return pltpu.make_async_copy(
            z_hbm.at[pl.ds(j * CE, CE), :], z_v.at[sl], sz.at[sl])

    def cp_r(j, sl):
        return pltpu.make_async_copy(
            row_hbm.at[pl.ds(j * CE, CE), :], row_v.at[sl], sr.at[sl])

    def cp_p(j, sl):
        return pltpu.make_async_copy(
            ppr_hbm.at[pl.ds(j * CE, CE), :], ppr_v.at[sl], sp.at[sl])

    def cp_q(j, sl):
        return pltpu.make_async_copy(
            pbuf_hbm.at[pl.ds(j * CE, CE), :], p_v.at[sl], sq.at[sl])

    @pl.when(j1 > j0)
    def _():
        cp_z(j0, 0).start(); cp_r(j0, 0).start()

    def pass_a(j, carry):
        sl = lax.rem(j - j0, 2)
        cp_z(j, sl).wait(); cp_r(j, sl).wait()

        @pl.when(j + 1 < j1)
        def _():
            nsl = 1 - sl
            cp_z(j + 1, nsl).start(); cp_r(j + 1, nsl).start()

        S, valid = _chunk_S(row_v.at[sl], n0, s, t, j * CE)
        g = jnp.dot(S, u, preferred_element_type=jnp.float32)
        p = jnp.dot(g * z_v[sl], G, preferred_element_type=jnp.float32)
        po_v[...] = p
        co = pltpu.make_async_copy(po_v, pbuf_hbm.at[pl.ds(j * CE, CE), :], so)
        co.start()
        c_e = _seg_gather(S, m_s[...])
        e1 = jnp.where(valid, jnp.exp(p - c_e), 0.0)
        s1_s[...] += _seg_sum_to(S, e1)
        co.wait()
        return carry

    lax.fori_loop(j0, j1, pass_a, 0)

    @pl.when(j1 > j0)
    def _():
        cp_q(j0, 0).start(); cp_r(j0, 0).start(); cp_p(j0, 0).start()

    def pass_b(j, carry):
        sl = lax.rem(j - j0, 2)
        cp_q(j, sl).wait(); cp_r(j, sl).wait(); cp_p(j, sl).wait()

        @pl.when(j + 1 < j1)
        def _():
            nsl = 1 - sl
            cp_q(j + 1, nsl).start(); cp_r(j + 1, nsl).start()
            cp_p(j + 1, nsl).start()

        S, valid = _chunk_S(row_v.at[sl], n0, s, t, j * CE)
        c_e = _seg_gather(S, m_s[...])
        s1_e = _seg_gather(S, s1_s[...])
        e1 = jnp.where(valid, jnp.exp(p_v[sl] - c_e), 0.0)
        p1 = e1 / jnp.where(valid, s1_e, 1.0)
        q = BETA * p1 + (1.0 - BETA) * ppr_v[sl]
        eq = jnp.where(valid, jnp.exp(q), 0.0)
        s2_s[...] += _seg_sum_to(S, eq)
        return carry

    lax.fori_loop(j0, j1, pass_b, 0)

    @pl.when(j1 > j0)
    def _():
        cp_z(j0, 0).start(); cp_q(j0, 0).start()
        cp_r(j0, 0).start(); cp_p(j0, 0).start()

    def pass_c(j, carry):
        sl = lax.rem(j - j0, 2)
        cp_z(j, sl).wait(); cp_q(j, sl).wait()
        cp_r(j, sl).wait(); cp_p(j, sl).wait()

        @pl.when(j + 1 < j1)
        def _():
            nsl = 1 - sl
            cp_z(j + 1, nsl).start(); cp_q(j + 1, nsl).start()
            cp_r(j + 1, nsl).start(); cp_p(j + 1, nsl).start()

        S, valid = _chunk_S(row_v.at[sl], n0, s, t, j * CE)
        c_e = _seg_gather(S, m_s[...])
        s1_e = _seg_gather(S, s1_s[...])
        s2_e = _seg_gather(S, s2_s[...])
        e1 = jnp.where(valid, jnp.exp(p_v[sl] - c_e), 0.0)
        p1 = e1 / jnp.where(valid, s1_e, 1.0)
        q = BETA * p1 + (1.0 - BETA) * ppr_v[sl]
        eq = jnp.where(valid, jnp.exp(q), 0.0)
        w = eq / jnp.where(valid, s2_e, 1.0)
        wf = jnp.dot(w, Gt, preferred_element_type=jnp.float32)
        zw = jnp.where(valid, z_v[sl] * wf, 0.0)
        acc[...] += lax.dot_general(S, zw, (((0,), (0,)), ((), ())),
                                    preferred_element_type=jnp.float32)
        return carry

    lax.fori_loop(j0, j1, pass_c, 0)

    un = acc[...]
    ss = jnp.dot(un * un, G, preferred_element_type=jnp.float32)
    inv = 1.0 / jnp.maximum(jnp.sqrt(ss), 1e-12)
    unn = un * jnp.dot(inv, Gt, preferred_element_type=jnp.float32)
    uo_ref[...] = jnp.where(flag_ref[0] != 0, unn, un)


def _route_iter(off, flag, u, z, row2, ppr2):
    n_pad, d = u.shape
    ep = row2.shape[0]
    out = pl.pallas_call(
        _iter_body,
        grid_spec=pltpu.PrefetchScalarGridSpec(
            num_scalar_prefetch=2,
            grid=(n_pad // NB,),
            in_specs=[
                pl.BlockSpec((NB, d), lambda i, off, fl: (i, 0)),
                _ANY, _ANY, _ANY,
            ],
            out_specs=[
                pl.BlockSpec((NB, d), lambda i, off, fl: (i, 0)),
                _ANY,
            ],
            scratch_shapes=[
                pltpu.VMEM((2, CE, d), jnp.float32),
                pltpu.VMEM((2, CE, 1), jnp.int32),
                pltpu.VMEM((2, CE, 1), jnp.float32),
                pltpu.VMEM((2, CE, K), jnp.float32),
                pltpu.VMEM((CE, K), jnp.float32),
                pltpu.VMEM((K, NB), jnp.float32),
                pltpu.VMEM((K, NB), jnp.float32),
                pltpu.VMEM((K, NB), jnp.float32),
                pltpu.VMEM((NB, d), jnp.float32),
                pltpu.SemaphoreType.DMA((2,)),
                pltpu.SemaphoreType.DMA((2,)),
                pltpu.SemaphoreType.DMA((2,)),
                pltpu.SemaphoreType.DMA((2,)),
                pltpu.SemaphoreType.DMA,
            ],
        ),
        out_shape=[
            jax.ShapeDtypeStruct((n_pad, d), jnp.float32),
            jax.ShapeDtypeStruct((ep, K), jnp.float32),
        ],
    )(off, flag, u, z, row2, ppr2)
    return out[0]




def kernel(x_nb, ppr, row_idx, col_idx, x_idx, max_iter):
    n, d = x_nb.shape
    e = ppr.shape[0]
    n_pad = -(-n // NB) * NB
    ep = -(-e // SC_ALIGN) * SC_ALIGN

    x_p = jnp.pad(x_nb.astype(jnp.float32), ((0, n_pad - n), (0, 0)))
    x_norm = _normalize_caps(x_p)
    col_p = jnp.pad(col_idx.astype(jnp.int32), (0, ep - e))
    z = _sc_gather(x_norm, col_p)

    off = jnp.searchsorted(
        row_idx.astype(jnp.int32),
        jnp.arange(n_pad + 1, dtype=jnp.int32)).astype(jnp.int32)
    row2 = jnp.pad(row_idx.astype(jnp.int32), (0, ep - e),
                   constant_values=jnp.int32(2**30)).reshape(ep, 1)
    ppr2 = jnp.pad(ppr.astype(jnp.float32), (0, ep - e)).reshape(ep, 1)

    u = _init_u(off, z, row2, ppr2, n_pad, d)
    mi = jnp.asarray(max_iter, jnp.int32)
    for it in range(3):
        flag = (it < mi - 1).astype(jnp.int32).reshape(1)
        u = _route_iter(off, flag, u, z, row2, ppr2)
    return u[:n]

# --- scband reference (transcript-rebuilt; emitter-appended) ---
"""Pipeline reference for scband-routing-layer-33981781246134 (READ-ONLY COPY).

The authoritative reference and input builder live on the scoring server;
editing this copy changes nothing except your own understanding.
"""

import jax, jax.numpy as jnp
import numpy as np

N = 10000
E = 320000
D = 128
K = 8
BETA = 0.9


def _normalize(x, axis):
    n = jnp.sqrt(jnp.sum(x * x, axis=axis, keepdims=True))
    return x / jnp.maximum(n, 1e-12)


def _seg_softmax(p, seg, num_seg):
    m = jax.ops.segment_max(p, seg, num_segments=num_seg)
    e = jnp.exp(p - m[seg])
    s = jax.ops.segment_sum(e, seg, num_segments=num_seg)
    return e / s[seg]


def setup_inputs(seed: int = 0) -> dict:
    key = jax.random.key(seed)
    k1, k2, k3, k4 = jax.random.split(key, 4)
    x_nb = jax.random.normal(k1, (N, D), dtype=jnp.float32)
    ppr = jax.random.uniform(k2, (E,), dtype=jnp.float32)
    row_idx = jnp.sort(jax.random.randint(k3, (E,), 0, N))
    col_idx = jax.random.randint(k4, (E,), 0, N)
    x_idx = jnp.arange(N)
    return {
        "x_nb": x_nb,
        "ppr": ppr,
        "row_idx": row_idx,
        "col_idx": col_idx,
        "x_idx": x_idx,
        "max_iter": 3,
    }


def reference(x_nb, ppr, row_idx, col_idx, x_idx, max_iter):
    d, k = D, K
    delta_d = d // k
    n = x_nb.shape[0]
    max_iter_static = 3
    # is_xNorm: per-capsule L2 normalization of features
    x_nb = _normalize(x_nb.reshape(-1, k, delta_d), 2).reshape(-1, d)
    z = x_nb[col_idx]  # gathered neighbor features, (E, d)
    # init_mtd == 2: ppr-weighted scatter-sum initialization
    u = jax.ops.segment_sum(z * ppr[:, None], row_idx, num_segments=n)
    for clus_iter in range(max_iter_static):
        p = (u[row_idx] * z).reshape(-1, k, delta_d).sum(2)  # (E, k)
        # attention == 1: scatter softmax then blend with ppr
        p = _seg_softmax(p, row_idx, n)
        p = BETA * p + (1.0 - BETA) * ppr[:, None]
        p = _seg_softmax(p, row_idx, n)
        u3 = jax.ops.segment_sum(
            z.reshape(-1, k, delta_d) * p[:, :, None], row_idx, num_segments=n
        )  # (n, k, delta_d)
        u3 = jnp.where(clus_iter < max_iter - 1, _normalize(u3, 2), u3)
        u = u3.reshape(-1, d)
    return u.reshape(-1, d)

if __name__ == "__main__":
    import jax
    _d = setup_inputs()
    print(jax.jit(kernel)(*tuple(_d.values())))

</pallas_src>

<mosaic_0001>
#map = affine_map<(d0, d1) -> (0, 0)>
#map1 = affine_map<(d0, d1) -> (0)>
module attributes {stable_mosaic.version = 14 : i64} {
  func.func @gk(%arg0: i32, %arg1: i32, %arg2: memref<10112x128xf32, #tpu.memory_space<hbm>>, %arg3: memref<323584xi32, #tpu.memory_space<hbm>>, %arg4: memref<323584x128xf32, #tpu.memory_space<hbm>>, %arg5: memref<128xi32, #tpu.memory_space<vmem>>, %arg6: memref<128x128xf32, #tpu.memory_space<vmem>>, %arg7: memref<!tpu.dma_semaphore, #tpu.memory_space<semaphore_mem>>) attributes {dimension_semantics = [#tpu.dimension_semantics<core_parallel>, #tpu.dimension_semantics<subcore_parallel>], iteration_bounds = array<i64: 2, 16>, scalar_prefetch = 0 : i64, scratch_operands = 3 : i64, tpu.core_type = #tpu.core_type<sc_vector_subcore>, window_params = [{transform_indices = #map}, {transform_indices = #map1}, {transform_indices = #map}]} {
    %mul3A = arith.constant 2 : i32
    %mul3A_0 = arith.muli %arg1, %mul3A : i32
    %add3A = arith.addi %mul3A_0, %arg0 : i32
    %mul3A_1 = arith.constant 10112 : i32
    %mul3A_2 = arith.muli %add3A, %mul3A_1 : i32
    %scan3A = arith.constant 0 : i32
    %scan3A_3 = arith.constant 0 : i32
    %scan3A_4 = arith.constant 79 : i32
    %scan3A_5 = arith.addi %scan3A_3, %scan3A_4 : i32
    %scan3A_6 = arith.constant 1 : i32
    scf.for %scan3A_8 = %scan3A_3 to %scan3A_5 step %scan3A_6  : i32 {
      %mul3A_9 = arith.constant 128 : i32
      %mul3A_10 = arith.muli %scan3A_8, %mul3A_9 : i32
      %add3A_11 = arith.addi %mul3A_2, %mul3A_10 : i32
      "tpu.region"() ({
        %run_scoped3A = tpu.sem_alloc : memref<!tpu.dma_semaphore, #tpu.memory_space<semaphore_mem>>
        %dma_start3A_16 = tpu.memref_slice %arg3[%add3A_11] : memref<323584xi32, #tpu.memory_space<hbm>> -> memref<128xi32, #tpu.memory_space<hbm>>
        %dma_start3A_17 = tpu.memref_slice %arg3[%add3A_11] : memref<323584xi32, #tpu.memory_space<hbm>> -> memref<128xi32, #tpu.memory_space<hbm>>
        tpu.enqueue_dma source(%dma_start3A_17 : memref<128xi32, #tpu.memory_space<hbm>>) target(%arg5 : memref<128xi32, #tpu.memory_space<vmem>>) target_semaphore(%run_scoped3A : memref<!tpu.dma_semaphore, #tpu.memory_space<semaphore_mem>>)
        %dma_wait3A_18 = tpu.memref_slice %arg3[%add3A_11] : memref<323584xi32, #tpu.memory_space<hbm>> -> memref<128xi32, #tpu.memory_space<hbm>>
        %dma_wait3A_19 = tpu.memref_slice %arg3[%add3A_11] : memref<323584xi32, #tpu.memory_space<hbm>> -> memref<128xi32, #tpu.memory_space<hbm>>
        tpu.wait_dma2 semaphore(%run_scoped3A : memref<!tpu.dma_semaphore, #tpu.memory_space<semaphore_mem>>) src(%dma_wait3A_19 : memref<128xi32, #tpu.memory_space<hbm>>) dst(%arg5 : memref<128xi32, #tpu.memory_space<vmem>>)
        tpu.yield
      }) : () -> ()
      %dma_start3A = arith.constant 0 : i32
      %dma_start3A_12 = arith.constant 0 : i32
      %dma_start3A_13 = tpu.memref_slice %arg2[%dma_start3A, %dma_start3A_12] : memref<10112x128xf32, #tpu.memory_space<hbm>> -> memref<10112x128xf32, #tpu.memory_space<hbm>>
      tpu.enqueue_indirect_dma source(%dma_start3A_13 : memref<10112x128xf32, #tpu.memory_space<hbm>>) target(%arg6 : memref<128x128xf32, #tpu.memory_space<vmem>>) offsets(%arg5 : memref<128xi32, #tpu.memory_space<vmem>>) semaphore(%arg7 : memref<!tpu.dma_semaphore, #tpu.memory_space<semaphore_mem>>)
      %dma_wait3A = arith.constant 0 : i32
      %dma_wait3A_14 = arith.constant 0 : i32
      %dma_wait3A_15 = tpu.memref_slice %arg2[%dma_wait3A, %dma_wait3A_14] : memref<10112x128xf32, #tpu.memory_space<hbm>> -> memref<10112x128xf32, #tpu.memory_space<hbm>>
      tpu.wait_indirect_dma semaphore(%arg7 : memref<!tpu.dma_semaphore, #tpu.memory_space<semaphore_mem>>) src(%dma_wait3A_15 : memref<10112x128xf32, #tpu.memory_space<hbm>>) dst(%arg6 : memref<128x128xf32, #tpu.memory_space<vmem>>)
      "tpu.region"() ({
        %run_scoped3A = tpu.sem_alloc : memref<!tpu.dma_semaphore, #tpu.memory_space<semaphore_mem>>
        %dma_start3A_16 = arith.constant 0 : i32
        %dma_start3A_17 = tpu.memref_slice %arg4[%add3A_11, %dma_start3A_16] : memref<323584x128xf32, #tpu.memory_space<hbm>> -> memref<128x128xf32, #tpu.memory_space<hbm>>
        %dma_start3A_18 = arith.constant 0 : i32
        %dma_start3A_19 = tpu.memref_slice %arg4[%add3A_11, %dma_start3A_18] : memref<323584x128xf32, #tpu.memory_space<hbm>> -> memref<128x128xf32, #tpu.memory_space<hbm>>
        tpu.enqueue_dma source(%arg6 : memref<128x128xf32, #tpu.memory_space<vmem>>) target(%dma_start3A_19 : memref<128x128xf32, #tpu.memory_space<hbm>>) target_semaphore(%run_scoped3A : memref<!tpu.dma_semaphore, #tpu.memory_space<semaphore_mem>>)
        %dma_wait3A_20 = arith.constant 0 : i32
        %dma_wait3A_21 = tpu.memref_slice %arg4[%add3A_11, %dma_wait3A_20] : memref<323584x128xf32, #tpu.memory_space<hbm>> -> memref<128x128xf32, #tpu.memory_space<hbm>>
        %dma_wait3A_22 = arith.constant 0 : i32
        %dma_wait3A_23 = tpu.memref_slice %arg4[%add3A_11, %dma_wait3A_22] : memref<323584x128xf32, #tpu.memory_space<hbm>> -> memref<128x128xf32, #tpu.memory_space<hbm>>
        tpu.wait_dma2 semaphore(%run_scoped3A : memref<!tpu.dma_semaphore, #tpu.memory_space<semaphore_mem>>) src(%arg6 : memref<128x128xf32, #tpu.memory_space<vmem>>) dst(%dma_wait3A_23 : memref<128x128xf32, #tpu.memory_space<hbm>>)
        tpu.yield
      }) : () -> ()
    }
    %scan3A_7 = arith.constant 79 : i32
    return
  }
}

module attributes {stable_mosaic.version = 14 : i64} {
  func.func @_norm_body(%arg0: i32, %arg1: memref<128x128xf32, #tpu.memory_space<vmem>>, %arg2: memref<128x128xf32, #tpu.memory_space<vmem>>) attributes {dimension_semantics = [#tpu.dimension_semantics<arbitrary>], iteration_bounds = array<i64: 79>, scalar_prefetch = 0 : i64, scratch_operands = 0 : i64, tpu.core_type = #tpu.core_type<tc>, window_params = [{transform_indices = @transform_0, window_bounds = array<i64: 128, 128>}, {transform_indices = @transform_1, window_bounds = array<i64: 128, 128>}]} {
    %get3A = arith.constant 0 : index
    %get3A_0 = arith.constant 0 : index
    %get3A_1 = vector.load %arg1[%get3A, %get3A_0] : memref<128x128xf32, #tpu.memory_space<vmem>>, vector<128x128xf32>
    %mul3A = arith.mulf %get3A_1, %get3A_1 : vector<128x128xf32>
    %iota3A = tpu.iota {dimensions = array<i32: 0>} : vector<128x8xi32>
    %iota3A_2 = tpu.iota {dimensions = array<i32: 1>} : vector<128x8xi32>
    %jit3A = arith.constant 16 : i32
    %div3A = vector.broadcast %jit3A : i32 to vector<128x8xi32>
    %div3A_3 = arith.divsi %iota3A, %div3A : vector<128x8xi32>
    %sign3A = arith.constant 0 : i32
    %sign3A_4 = vector.broadcast %sign3A : i32 to vector<128x8xi32>
    %sign3A_5 = arith.cmpi sgt, %iota3A, %sign3A_4 : vector<128x8xi32>
    %sign3A_6 = arith.extui %sign3A_5 : vector<128x8xi1> to vector<128x8xi32>
    %sign3A_7 = arith.constant 0 : i32
    %sign3A_8 = vector.broadcast %sign3A_7 : i32 to vector<128x8xi32>
    %sign3A_9 = arith.cmpi slt, %iota3A, %sign3A_8 : vector<128x8xi32>
    %sign3A_10 = arith.extui %sign3A_9 : vector<128x8xi1> to vector<128x8xi32>
    %sign3A_11 = arith.subi %sign3A_6, %sign3A_10 : vector<128x8xi32>
    %sign3A_12 = arith.constant 0 : i32
    %sign3A_13 = arith.cmpi sgt, %jit3A, %sign3A_12 : i32
    %sign3A_14 = arith.extui %sign3A_13 : i1 to i32
    %sign3A_15 = arith.constant 0 : i32
    %sign3A_16 = arith.cmpi slt, %jit3A, %sign3A_15 : i32
    %sign3A_17 = arith.extui %sign3A_16 : i1 to i32
    %sign3A_18 = arith.subi %sign3A_14, %sign3A_17 : i32
    %ne3A = vector.broadcast %sign3A_18 : i32 to vector<128x8xi32>
    %ne3A_19 = arith.cmpi ne, %sign3A_11, %ne3A : vector<128x8xi32>
    %rem3A = vector.broadcast %jit3A : i32 to vector<128x8xi32>
    %rem3A_20 = arith.remsi %iota3A, %rem3A : vector<128x8xi32>
    %ne3A_21 = arith.constant 0 : i32
    %ne3A_22 = vector.broadcast %ne3A_21 : i32 to vector<128x8xi32>
    %ne3A_23 = arith.cmpi ne, %rem3A_20, %ne3A_22 : vector<128x8xi32>
    %and3A = arith.andi %ne3A_19, %ne3A_23 : vector<128x8xi1>
    %sub3A = arith.constant 1 : i32
    %sub3A_24 = vector.broadcast %sub3A : i32 to vector<128x8xi32>
    %sub3A_25 = arith.subi %div3A_3, %sub3A_24 : vector<128x8xi32>
    %select_n3A = arith.select %and3A, %sub3A_25, %div3A_3 : vector<128x8xi1>, vector<128x8xi32>
    %eq3A = arith.cmpi eq, %select_n3A, %iota3A_2 : vector<128x8xi32>
    %convert_element_type3A = arith.extui %eq3A : vector<128x8xi1> to vector<128x8xi32>
    %convert_element_type3A_26 = arith.sitofp %convert_element_type3A : vector<128x8xi32> to vector<128x8xf32>
    %dot_general3A = arith.constant dense<0.000000e+00> : vector<128x8xf32>
    %dot_general3A_27 = tpu.matmul %mul3A, %convert_element_type3A_26, %dot_general3A {dimension_numbers = #tpu.dot_dimension_numbers<[1], [0], [0], [1], [0, 0, 1, 1], [], []>, transpose_lhs_hint = false} : vector<128x128xf32>, vector<128x8xf32>, vector<128x8xf32> -> vector<128x8xf32>
    %sqrt3A = math.sqrt %dot_general3A_27 : vector<128x8xf32>
    %max3A = arith.constant 9.99999996E-13 : f32
    %max3A_28 = vector.broadcast %max3A : f32 to vector<128x8xf32>
    %max3A_29 = arith.maximumf %sqrt3A, %max3A_28 : vector<128x8xf32>
    %div3A_30 = arith.constant 1.000000e+00 : f32
    %div3A_31 = vector.broadcast %div3A_30 : f32 to vector<128x8xf32>
    %div3A_32 = arith.divf %div3A_31, %max3A_29 : vector<128x8xf32>
    %iota3A_33 = tpu.iota {dimensions = array<i32: 0>} : vector<8x128xi32>
    %iota3A_34 = tpu.iota {dimensions = array<i32: 1>} : vector<8x128xi32>
    %jit3A_35 = arith.constant 16 : i32
    %div3A_36 = vector.broadcast %jit3A_35 : i32 to vector<8x128xi32>
    %div3A_37 = arith.divsi %iota3A_34, %div3A_36 : vector<8x128xi32>
    %sign3A_38 = arith.constant 0 : i32
    %sign3A_39 = vector.broadcast %sign3A_38 : i32 to vector<8x128xi32>
    %sign3A_40 = arith.cmpi sgt, %iota3A_34, %sign3A_39 : vector<8x128xi32>
    %sign3A_41 = arith.extui %sign3A_40 : vector<8x128xi1> to vector<8x128xi32>
    %sign3A_42 = arith.constant 0 : i32
    %sign3A_43 = vector.broadcast %sign3A_42 : i32 to vector<8x128xi32>
    %sign3A_44 = arith.cmpi slt, %iota3A_34, %sign3A_43 : vector<8x128xi32>
    %sign3A_45 = arith.extui %sign3A_44 : vector<8x128xi1> to vector<8x128xi32>
    %sign3A_46 = arith.subi %sign3A_41, %sign3A_45 : vector<8x128xi32>
    %sign3A_47 = arith.constant 0 : i32
    %sign3A_48 = arith.cmpi sgt, %jit3A_35, %sign3A_47 : i32
    %sign3A_49 = arith.extui %sign3A_48 : i1 to i32
    %sign3A_50 = arith.constant 0 : i32
    %sign3A_51 = arith.cmpi slt, %jit3A_35, %sign3A_50 : i32
    %sign3A_52 = arith.extui %sign3A_51 : i1 to i32
    %sign3A_53 = arith.subi %sign3A_49, %sign3A_52 : i32
    %ne3A_54 = vector.broadcast %sign3A_53 : i32 to vector<8x128xi32>
    %ne3A_55 = arith.cmpi ne, %sign3A_46, %ne3A_54 : vector<8x128xi32>
    %rem3A_56 = vector.broadcast %jit3A_35 : i32 to vector<8x128xi32>
    %rem3A_57 = arith.remsi %iota3A_34, %rem3A_56 : vector<8x128xi32>
    %ne3A_58 = arith.constant 0 : i32
    %ne3A_59 = vector.broadcast %ne3A_58 : i32 to vector<8x128xi32>
    %ne3A_60 = arith.cmpi ne, %rem3A_57, %ne3A_59 : vector<8x128xi32>
    %and3A_61 = arith.andi %ne3A_55, %ne3A_60 : vector<8x128xi1>
    %sub3A_62 = arith.constant 1 : i32
    %sub3A_63 = vector.broadcast %sub3A_62 : i32 to vector<8x128xi32>
    %sub3A_64 = arith.subi %div3A_37, %sub3A_63 : vector<8x128xi32>
    %select_n3A_65 = arith.select %and3A_61, %sub3A_64, %div3A_37 : vector<8x128xi1>, vector<8x128xi32>
    %eq3A_66 = arith.cmpi eq, %select_n3A_65, %iota3A_33 : vector<8x128xi32>
    %convert_element_type3A_67 = arith.extui %eq3A_66 : vector<8x128xi1> to vector<8x128xi32>
    %convert_element_type3A_68 = arith.sitofp %convert_element_type3A_67 : vector<8x128xi32> to vector<8x128xf32>
    %dot_general3A_69 = arith.constant dense<0.000000e+00> : vector<128x128xf32>
    %dot_general3A_70 = tpu.matmul %div3A_32, %convert_element_type3A_68, %dot_general3A_69 {dimension_numbers = #tpu.dot_dimension_numbers<[1], [0], [0], [1], [0, 0, 1, 1], [], []>, transpose_lhs_hint = false} : vector<128x8xf32>, vector<8x128xf32>, vector<128x128xf32> -> vector<128x128xf32>
    %mul3A_71 = arith.mulf %get3A_1, %dot_general3A_70 : vector<128x128xf32>
    %swap3A = arith.constant 0 : index
    %swap3A_72 = arith.constant 0 : index
    %swap3A_73 = vector.load %arg2[%swap3A, %swap3A_72] : memref<128x128xf32, #tpu.memory_space<vmem>>, vector<128x128xf32>
    tpu.vector_store %arg2[%swap3A, %swap3A_72], %mul3A_71 {strides = array<i32>} : memref<128x128xf32, #tpu.memory_space<vmem>>, vector<128x128xf32>,
    return
  }
  func.func @transform_0(%arg0: i32) -> (i32, i32) {
    %c0_i32 = arith.constant 0 : i32
    %c0_i32_0 = arith.constant 0 : i32
    return %arg0, %c0_i32 : i32, i32
  }
  func.func @transform_1(%arg0: i32) -> (i32, i32) {
    %c0_i32 = arith.constant 0 : i32
    %c0_i32_0 = arith.constant 0 : i32
    return %arg0, %c0_i32 : i32, i32
  }
}

module attributes {stable_mosaic.version = 14 : i64} {
  func.func @_init_body(%arg0: i32, %arg1: memref<10113xi32, #tpu.memory_space<smem>>, %arg2: memref<323584x128xf32, #tpu.memory_space<any>>, %arg3: memref<323584x1xi32, #tpu.memory_space<any>>, %arg4: memref<323584x1xf32, #tpu.memory_space<any>>, %arg5: memref<128x128xf32, #tpu.memory_space<vmem>>, %arg6: memref<2x2048x128xf32, #tpu.memory_space<vmem>>, %arg7: memref<2x2048x1xi32, #tpu.memory_space<vmem>>, %arg8: memref<2x2048x1xf32, #tpu.memory_space<vmem>>, %arg9: memref<128x128xf32, #tpu.memory_space<vmem>>, %arg10: memref<2x!tpu.dma_semaphore, #tpu.memory_space<semaphore_mem>>, %arg11: memref<2x!tpu.dma_semaphore, #tpu.memory_space<semaphore_mem>>, %arg12: memref<2x!tpu.dma_semaphore, #tpu.memory_space<semaphore_mem>>) attributes {dimension_semantics = [#tpu.dimension_semantics<arbitrary>], iteration_bounds = array<i64: 79>, scalar_prefetch = 1 : i64, scratch_operands = 7 : i64, tpu.core_type = #tpu.core_type<tc>, window_params = [{}, {}, {}, {transform_indices = @transform_3, window_bounds = array<i64: 128, 128>}]} {
    %mul3A = arith.constant 128 : i32
    %mul3A_0 = arith.muli %arg0, %mul3A : i32
    %get3A = arith.index_cast %mul3A_0 : i32 to index
    %get3A_1 = memref.load %arg1[%get3A] : memref<10113xi32, #tpu.memory_space<smem>>
    %add3A = arith.constant 128 : i32
    %add3A_2 = arith.addi %mul3A_0, %add3A : i32
    %get3A_3 = arith.index_cast %add3A_2 : i32 to index
    %get3A_4 = memref.load %arg1[%get3A_3] : memref<10113xi32, #tpu.memory_space<smem>>
    %jit3A = arith.constant 2048 : i32
    %div3A = arith.divsi %get3A_1, %jit3A : i32
    %sign3A = arith.constant 0 : i32
    %sign3A_5 = arith.cmpi sgt, %get3A_1, %sign3A : i32
    %sign3A_6 = arith.extui %sign3A_5 : i1 to i32
    %sign3A_7 = arith.constant 0 : i32
    %sign3A_8 = arith.cmpi slt, %get3A_1, %sign3A_7 : i32
    %sign3A_9 = arith.extui %sign3A_8 : i1 to i32
    %sign3A_10 = arith.subi %sign3A_6, %sign3A_9 : i32
    %sign3A_11 = arith.constant 0 : i32
    %sign3A_12 = arith.cmpi sgt, %jit3A, %sign3A_11 : i32
    %sign3A_13 = arith.extui %sign3A_12 : i1 to i32
    %sign3A_14 = arith.constant 0 : i32
    %sign3A_15 = arith.cmpi slt, %jit3A, %sign3A_14 : i32
    %sign3A_16 = arith.extui %sign3A_15 : i1 to i32
    %sign3A_17 = arith.subi %sign3A_13, %sign3A_16 : i32
    %ne3A = arith.cmpi ne, %sign3A_10, %sign3A_17 : i32
    %rem3A = arith.remsi %get3A_1, %jit3A : i32
    %ne3A_18 = arith.constant 0 : i32
    %ne3A_19 = arith.cmpi ne, %rem3A, %ne3A_18 : i32
    %and3A = arith.andi %ne3A, %ne3A_19 : i1
    %sub3A = arith.constant 1 : i32
    %sub3A_20 = arith.subi %div3A, %sub3A : i32
    %select_n3A = arith.select %and3A, %sub3A_20, %div3A : i32
    %gt3A = arith.cmpi sgt, %get3A_4, %get3A_1 : i32
    %sub3A_21 = arith.constant 1 : i32
    %sub3A_22 = arith.subi %get3A_4, %sub3A_21 : i32
    %jit3A_23 = arith.constant 2048 : i32
    %div3A_24 = arith.divsi %sub3A_22, %jit3A_23 : i32
    %sign3A_25 = arith.constant 0 : i32
    %sign3A_26 = arith.cmpi sgt, %sub3A_22, %sign3A_25 : i32
    %sign3A_27 = arith.extui %sign3A_26 : i1 to i32
    %sign3A_28 = arith.constant 0 : i32
    %sign3A_29 = arith.cmpi slt, %sub3A_22, %sign3A_28 : i32
    %sign3A_30 = arith.extui %sign3A_29 : i1 to i32
    %sign3A_31 = arith.subi %sign3A_27, %sign3A_30 : i32
    %sign3A_32 = arith.constant 0 : i32
    %sign3A_33 = arith.cmpi sgt, %jit3A_23, %sign3A_32 : i32
    %sign3A_34 = arith.extui %sign3A_33 : i1 to i32
    %sign3A_35 = arith.constant 0 : i32
    %sign3A_36 = arith.cmpi slt, %jit3A_23, %sign3A_35 : i32
    %sign3A_37 = arith.extui %sign3A_36 : i1 to i32
    %sign3A_38 = arith.subi %sign3A_34, %sign3A_37 : i32
    %ne3A_39 = arith.cmpi ne, %sign3A_31, %sign3A_38 : i32
    %rem3A_40 = arith.remsi %sub3A_22, %jit3A_23 : i32
    %ne3A_41 = arith.constant 0 : i32
    %ne3A_42 = arith.cmpi ne, %rem3A_40, %ne3A_41 : i32
    %and3A_43 = arith.andi %ne3A_39, %ne3A_42 : i1
    %sub3A_44 = arith.constant 1 : i32
    %sub3A_45 = arith.subi %div3A_24, %sub3A_44 : i32
    %select_n3A_46 = arith.select %and3A_43, %sub3A_45, %div3A_24 : i32
    %add3A_47 = arith.constant 1 : i32
    %add3A_48 = arith.addi %select_n3A_46, %add3A_47 : i32
    %select_n3A_49 = arith.select %gt3A, %add3A_48, %select_n3A : i32
    %broadcast_in_dim3A = arith.constant 0.000000e+00 : f32
    %broadcast_in_dim3A_50 = vector.broadcast %broadcast_in_dim3A : f32 to vector<128x128xf32>
    %swap3A = arith.constant 0 : index
    %swap3A_51 = arith.constant 0 : index
    %swap3A_52 = vector.load %arg9[%swap3A, %swap3A_51] : memref<128x128xf32, #tpu.memory_space<vmem>>, vector<128x128xf32>
    tpu.vector_store %arg9[%swap3A, %swap3A_51], %broadcast_in_dim3A_50 {strides = array<i32>} : memref<128x128xf32, #tpu.memory_space<vmem>>, vector<128x128xf32>,
    %gt3A_53 = arith.cmpi sgt, %select_n3A_49, %select_n3A : i32
    %convert_element_type3A = arith.extui %gt3A_53 : i1 to i32
    %cond3A = arith.constant 0 : i32
    %cond3A_54 = arith.cmpi ne, %convert_element_type3A, %cond3A : i32
    scf.if %cond3A_54 {
      %mul3A_69 = arith.constant 2048 : i32
      %mul3A_70 = arith.muli %select_n3A, %mul3A_69 : i32
      %dma_start3A = arith.constant 0 : i32
      %dma_start3A_71 = arith.constant 0 : i32
      %dma_start3A_72 = tpu.memref_slice %arg10[%dma_start3A_71] : memref<2x!tpu.dma_semaphore, #tpu.memory_space<semaphore_mem>> -> memref<1x!tpu.dma_semaphore, #tpu.memory_space<semaphore_mem>>
      %dma_start3A_73 = tpu.memref_squeeze %dma_start3A_72 : memref<1x!tpu.dma_semaphore, #tpu.memory_space<semaphore_mem>> -> memref<!tpu.dma_semaphore, #tpu.memory_space<semaphore_mem>>
      %dma_start3A_74 = arith.constant 0 : i32
      %dma_start3A_75 = arith.constant 0 : i32
      %dma_start3A_76 = tpu.memref_slice %arg6[%dma_start3A, %dma_start3A_74, %dma_start3A_75] : memref<2x2048x128xf32, #tpu.memory_space<vmem>> -> memref<1x2048x128xf32, #tpu.memory_space<vmem>>
      %dma_start3A_77 = tpu.memref_squeeze %dma_start3A_76 : memref<1x2048x128xf32, #tpu.memory_space<vmem>> -> memref<2048x128xf32, #tpu.memory_space<vmem>>
      %dma_start3A_78 = arith.constant 0 : i32
      %dma_start3A_79 = tpu.memref_slice %arg2[%mul3A_70, %dma_start3A_78] : memref<323584x128xf32, #tpu.memory_space<any>> -> memref<2048x128xf32, #tpu.memory_space<any>>
      tpu.enqueue_dma source(%dma_start3A_79 : memref<2048x128xf32, #tpu.memory_space<any>>) target(%dma_start3A_77 : memref<2048x128xf32, #tpu.memory_space<vmem>>) target_semaphore(%dma_start3A_73 : memref<!tpu.dma_semaphore, #tpu.memory_space<semaphore_mem>>)
      %mul3A_80 = arith.constant 2048 : i32
      %mul3A_81 = arith.muli %select_n3A, %mul3A_80 : i32
      %dma_start3A_82 = arith.constant 0 : i32
      %dma_start3A_83 = arith.constant 0 : i32
      %dma_start3A_84 = tpu.memref_slice %arg11[%dma_start3A_83] : memref<2x!tpu.dma_semaphore, #tpu.memory_space<semaphore_mem>> -> memref<1x!tpu.dma_semaphore, #tpu.memory_space<semaphore_mem>>
      %dma_start3A_85 = tpu.memref_squeeze %dma_start3A_84 : memref<1x!tpu.dma_semaphore, #tpu.memory_space<semaphore_mem>> -> memref<!tpu.dma_semaphore, #tpu.memory_space<semaphore_mem>>
      %dma_start3A_86 = arith.constant 0 : i32
      %dma_start3A_87 = arith.constant 0 : i32
      %dma_start3A_88 = tpu.memref_slice %arg7[%dma_start3A_82, %dma_start3A_86, %dma_start3A_87] : memref<2x2048x1xi32, #tpu.memory_space<vmem>> -> memref<1x2048x1xi32, #tpu.memory_space<vmem>>
      %dma_start3A_89 = tpu.memref_squeeze %dma_start3A_88 : memref<1x2048x1xi32, #tpu.memory_space<vmem>> -> memref<2048x1xi32, #tpu.memory_space<vmem>>
      %dma_start3A_90 = arith.constant 0 : i32
      %dma_start3A_91 = tpu.memref_slice %arg3[%mul3A_81, %dma_start3A_90] : memref<323584x1xi32, #tpu.memory_space<any>> -> memref<2048x1xi32, #tpu.memory_space<any>>
      tpu.enqueue_dma source(%dma_start3A_91 : memref<2048x1xi32, #tpu.memory_space<any>>) target(%dma_start3A_89 : memref<2048x1xi32, #tpu.memory_space<vmem>>) target_semaphore(%dma_start3A_85 : memref<!tpu.dma_semaphore, #tpu.memory_space<semaphore_mem>>)
      %mul3A_92 = arith.constant 2048 : i32
      %mul3A_93 = arith.muli %select_n3A, %mul3A_92 : i32
      %dma_start3A_94 = arith.constant 0 : i32
      %dma_start3A_95 = arith.constant 0 : i32
      %dma_start3A_96 = tpu.memref_slice %arg12[%dma_start3A_95] : memref<2x!tpu.dma_semaphore, #tpu.memory_space<semaphore_mem>> -> memref<1x!tpu.dma_semaphore, #tpu.memory_space<semaphore_mem>>
      %dma_start3A_97 = tpu.memref_squeeze %dma_start3A_96 : memref<1x!tpu.dma_semaphore, #tpu.memory_space<semaphore_mem>> -> memref<!tpu.dma_semaphore, #tpu.memory_space<semaphore_mem>>
      %dma_start3A_98 = arith.constant 0 : i32
      %dma_start3A_99 = arith.constant 0 : i32
      %dma_start3A_100 = tpu.memref_slice %arg8[%dma_start3A_94, %dma_start3A_98, %dma_start3A_99] : memref<2x2048x1xf32, #tpu.memory_space<vmem>> -> memref<1x2048x1xf32, #tpu.memory_space<vmem>>
      %dma_start3A_101 = tpu.memref_squeeze %dma_start3A_100 : memref<1x2048x1xf32, #tpu.memory_space<vmem>> -> memref<2048x1xf32, #tpu.memory_space<vmem>>
      %dma_start3A_102 = arith.constant 0 : i32
      %dma_start3A_103 = tpu.memref_slice %arg4[%mul3A_93, %dma_start3A_102] : memref<323584x1xf32, #tpu.memory_space<any>> -> memref<2048x1xf32, #tpu.memory_space<any>>
      tpu.enqueue_dma source(%dma_start3A_103 : memref<2048x1xf32, #tpu.memory_space<any>>) target(%dma_start3A_101 : memref<2048x1xf32, #tpu.memory_space<vmem>>) target_semaphore(%dma_start3A_97 : memref<!tpu.dma_semaphore, #tpu.memory_space<semaphore_mem>>)
    } else {
    }
    %while3A = arith.constant 0 : i32
    %while3A_55 = arith.subi %select_n3A_49, %select_n3A : i32
    %while3A_56 = arith.addi %select_n3A, %while3A_55 : i32
    %while3A_57 = arith.constant 1 : i32
    %while3A_58 = arith.divsi %while3A_55, %while3A_57 : i32
    %while3A_59 = arith.muli %while3A_58, %while3A_57 : i32
    %while3A_60 = arith.addi %select_n3A, %while3A_59 : i32
    %while3A_61 = arith.constant 1 : i32
    scf.for %while3A_69 = %select_n3A to %while3A_60 step %while3A_61  : i32 {
      %sub3A_70 = arith.subi %while3A_69, %select_n3A : i32
      %rem3A_71 = arith.constant 2 : i32
      %rem3A_72 = arith.remsi %sub3A_70, %rem3A_71 : i32
      %mul3A_73 = arith.constant 2048 : i32
      %mul3A_74 = arith.muli %while3A_69, %mul3A_73 : i32
      %dma_wait3A = tpu.memref_slice %arg10[%rem3A_72] : memref<2x!tpu.dma_semaphore, #tpu.memory_space<semaphore_mem>> -> memref<1x!tpu.dma_semaphore, #tpu.memory_space<semaphore_mem>>
      %dma_wait3A_75 = tpu.memref_squeeze %dma_wait3A : memref<1x!tpu.dma_semaphore, #tpu.memory_space<semaphore_mem>> -> memref<!tpu.dma_semaphore, #tpu.memory_space<semaphore_mem>>
      %dma_wait3A_76 = arith.constant 0 : i32
      %dma_wait3A_77 = arith.constant 0 : i32
      %dma_wait3A_78 = tpu.memref_slice %arg6[%rem3A_72, %dma_wait3A_76, %dma_wait3A_77] : memref<2x2048x128xf32, #tpu.memory_space<vmem>> -> memref<1x2048x128xf32, #tpu.memory_space<vmem>>
      %dma_wait3A_79 = tpu.memref_squeeze %dma_wait3A_78 : memref<1x2048x128xf32, #tpu.memory_space<vmem>> -> memref<2048x128xf32, #tpu.memory_space<vmem>>
      %dma_wait3A_80 = arith.constant 0 : i32
      %dma_wait3A_81 = tpu.memref_slice %arg2[%mul3A_74, %dma_wait3A_80] : memref<323584x128xf32, #tpu.memory_space<any>> -> memref<2048x128xf32, #tpu.memory_space<any>>
      tpu.wait_dma2 semaphore(%dma_wait3A_75 : memref<!tpu.dma_semaphore, #tpu.memory_space<semaphore_mem>>) src(%dma_wait3A_81 : memref<2048x128xf32, #tpu.memory_space<any>>) dst(%dma_wait3A_79 : memref<2048x128xf32, #tpu.memory_space<vmem>>)
      %mul3A_82 = arith.constant 2048 : i32
      %mul3A_83 = arith.muli %while3A_69, %mul3A_82 : i32
      %dma_wait3A_84 = tpu.memref_slice %arg11[%rem3A_72] : memref<2x!tpu.dma_semaphore, #tpu.memory_space<semaphore_mem>> -> memref<1x!tpu.dma_semaphore, #tpu.memory_space<semaphore_mem>>
      %dma_wait3A_85 = tpu.memref_squeeze %dma_wait3A_84 : memref<1x!tpu.dma_semaphore, #tpu.memory_space<semaphore_mem>> -> memref<!tpu.dma_semaphore, #tpu.memory_space<semaphore_mem>>
      %dma_wait3A_86 = arith.constant 0 : i32
      %dma_wait3A_87 = arith.constant 0 : i32
      %dma_wait3A_88 = tpu.memref_slice %arg7[%rem3A_72, %dma_wait3A_86, %dma_wait3A_87] : memref<2x2048x1xi32, #tpu.memory_space<vmem>> -> memref<1x2048x1xi32, #tpu.memory_space<vmem>>
      %dma_wait3A_89 = tpu.memref_squeeze %dma_wait3A_88 : memref<1x2048x1xi32, #tpu.memory_space<vmem>> -> memref<2048x1xi32, #tpu.memory_space<vmem>>
      %dma_wait3A_90 = arith.constant 0 : i32
      %dma_wait3A_91 = tpu.memref_slice %arg3[%mul3A_83, %dma_wait3A_90] : memref<323584x1xi32, #tpu.memory_space<any>> -> memref<2048x1xi32, #tpu.memory_space<any>>
      tpu.wait_dma2 semaphore(%dma_wait3A_85 : memref<!tpu.dma_semaphore, #tpu.memory_space<semaphore_mem>>) src(%dma_wait3A_91 : memref<2048x1xi32, #tpu.memory_space<any>>) dst(%dma_wait3A_89 : memref<2048x1xi32, #tpu.memory_space<vmem>>)
      %mul3A_92 = arith.constant 2048 : i32
      %mul3A_93 = arith.muli %while3A_69, %mul3A_92 : i32
      %dma_wait3A_94 = tpu.memref_slice %arg12[%rem3A_72] : memref<2x!tpu.dma_semaphore, #tpu.memory_space<semaphore_mem>> -> memref<1x!tpu.dma_semaphore, #tpu.memory_space<semaphore_mem>>
      %dma_wait3A_95 = tpu.memref_squeeze %dma_wait3A_94 : memref<1x!tpu.dma_semaphore, #tpu.memory_space<semaphore_mem>> -> memref<!tpu.dma_semaphore, #tpu.memory_space<semaphore_mem>>
      %dma_wait3A_96 = arith.constant 0 : i32
      %dma_wait3A_97 = arith.constant 0 : i32
      %dma_wait3A_98 = tpu.memref_slice %arg8[%rem3A_72, %dma_wait3A_96, %dma_wait3A_97] : memref<2x2048x1xf32, #tpu.memory_space<vmem>> -> memref<1x2048x1xf32, #tpu.memory_space<vmem>>
      %dma_wait3A_99 = tpu.memref_squeeze %dma_wait3A_98 : memref<1x2048x1xf32, #tpu.memory_space<vmem>> -> memref<2048x1xf32, #tpu.memory_space<vmem>>
      %dma_wait3A_100 = arith.constant 0 : i32
      %dma_wait3A_101 = tpu.memref_slice %arg4[%mul3A_93, %dma_wait3A_100] : memref<323584x1xf32, #tpu.memory_space<any>> -> memref<2048x1xf32, #tpu.memory_space<any>>
      tpu.wait_dma2 semaphore(%dma_wait3A_95 : memref<!tpu.dma_semaphore, #tpu.memory_space<semaphore_mem>>) src(%dma_wait3A_101 : memref<2048x1xf32, #tpu.memory_space<any>>) dst(%dma_wait3A_99 : memref<2048x1xf32, #tpu.memory_space<vmem>>)
      %add3A_102 = arith.constant 1 : i32
      %add3A_103 = arith.addi %while3A_69, %add3A_102 : i32
      %lt3A = arith.cmpi slt, %add3A_103, %select_n3A_49 : i32
      %convert_element_type3A_104 = arith.extui %lt3A : i1 to i32
      %cond3A_105 = arith.constant 0 : i32
      %cond3A_106 = arith.cmpi ne, %convert_element_type3A_104, %cond3A_105 : i32
      scf.if %cond3A_106 {
        %sub3A_153 = arith.constant 1 : i32
        %sub3A_154 = arith.subi %sub3A_153, %rem3A_72 : i32
        %add3A_155 = arith.constant 1 : i32
        %add3A_156 = arith.addi %while3A_69, %add3A_155 : i32
        %mul3A_157 = arith.constant 2048 : i32
        %mul3A_158 = arith.muli %add3A_156, %mul3A_157 : i32
        %dma_start3A = tpu.memref_slice %arg10[%sub3A_154] : memref<2x!tpu.dma_semaphore, #tpu.memory_space<semaphore_mem>> -> memref<1x!tpu.dma_semaphore, #tpu.memory_space<semaphore_mem>>
        %dma_start3A_159 = tpu.memref_squeeze %dma_start3A : memref<1x!tpu.dma_semaphore, #tpu.memory_space<semaphore_mem>> -> memref<!tpu.dma_semaphore, #tpu.memory_space<semaphore_mem>>
        %dma_start3A_160 = arith.constant 0 : i32
        %dma_start3A_161 = arith.constant 0 : i32
        %dma_start3A_162 = tpu.memref_slice %arg6[%sub3A_154, %dma_start3A_160, %dma_start3A_161] : memref<2x2048x128xf32, #tpu.memory_space<vmem>> -> memref<1x2048x128xf32, #tpu.memory_space<vmem>>
        %dma_start3A_163 = tpu.memref_squeeze %dma_start3A_162 : memref<1x2048x128xf32, #tpu.memory_space<vmem>> -> memref<2048x128xf32, #tpu.memory_space<vmem>>
        %dma_start3A_164 = arith.constant 0 : i32
        %dma_start3A_165 = tpu.memref_slice %arg2[%mul3A_158, %dma_start3A_164] : memref<323584x128xf32, #tpu.memory_space<any>> -> memref<2048x128xf32, #tpu.memory_space<any>>
        tpu.enqueue_dma source(%dma_start3A_165 : memref<2048x128xf32, #tpu.memory_space<any>>) target(%dma_start3A_163 : memref<2048x128xf32, #tpu.memory_space<vmem>>) target_semaphore(%dma_start3A_159 : memref<!tpu.dma_semaphore, #tpu.memory_space<semaphore_mem>>)
        %add3A_166 = arith.constant 1 : i32
        %add3A_167 = arith.addi %while3A_69, %add3A_166 : i32
        %mul3A_168 = arith.constant 2048 : i32
        %mul3A_169 = arith.muli %add3A_167, %mul3A_168 : i32
        %dma_start3A_170 = tpu.memref_slice %arg11[%sub3A_154] : memref<2x!tpu.dma_semaphore, #tpu.memory_space<semaphore_mem>> -> memref<1x!tpu.dma_semaphore, #tpu.memory_space<semaphore_mem>>
        %dma_start3A_171 = tpu.memref_squeeze %dma_start3A_170 : memref<1x!tpu.dma_semaphore, #tpu.memory_space<semaphore_mem>> -> memref<!tpu.dma_semaphore, #tpu.memory_space<semaphore_mem>>
        %dma_start3A_172 = arith.constant 0 : i32
        %dma_start3A_173 = arith.constant 0 : i32
        %dma_start3A_174 = tpu.memref_slice %arg7[%sub3A_154, %dma_start3A_172, %dma_start3A_173] : memref<2x2048x1xi32, #tpu.memory_space<vmem>> -> memref<1x2048x1xi32, #tpu.memory_space<vmem>>
        %dma_start3A_175 = tpu.memref_squeeze %dma_start3A_174 : memref<1x2048x1xi32, #tpu.memory_space<vmem>> -> memref<2048x1xi32, #tpu.memory_space<vmem>>
        %dma_start3A_176 = arith.constant 0 : i32
        %dma_start3A_177 = tpu.memref_slice %arg3[%mul3A_169, %dma_start3A_176] : memref<323584x1xi32, #tpu.memory_space<any>> -> memref<2048x1xi32, #tpu.memory_space<any>>
        tpu.enqueue_dma source(%dma_start3A_177 : memref<2048x1xi32, #tpu.memory_space<any>>) target(%dma_start3A_175 : memref<2048x1xi32, #tpu.memory_space<vmem>>) target_semaphore(%dma_start3A_171 : memref<!tpu.dma_semaphore, #tpu.memory_space<semaphore_mem>>)
        %add3A_178 = arith.constant 1 : i32
        %add3A_179 = arith.addi %while3A_69, %add3A_178 : i32
        %mul3A_180 = arith.constant 2048 : i32
        %mul3A_181 = arith.muli %add3A_179, %mul3A_180 : i32
        %dma_start3A_182 = tpu.memref_slice %arg12[%sub3A_154] : memref<2x!tpu.dma_semaphore, #tpu.memory_space<semaphore_mem>> -> memref<1x!tpu.dma_semaphore, #tpu.memory_space<semaphore_mem>>
        %dma_start3A_183 = tpu.memref_squeeze %dma_start3A_182 : memref<1x!tpu.dma_semaphore, #tpu.memory_space<semaphore_mem>> -> memref<!tpu.dma_semaphore, #tpu.memory_space<semaphore_mem>>
        %dma_start3A_184 = arith.constant 0 : i32
        %dma_start3A_185 = arith.constant 0 : i32
        %dma_start3A_186 = tpu.memref_slice %arg8[%sub3A_154, %dma_start3A_184, %dma_start3A_185] : memref<2x2048x1xf32, #tpu.memory_space<vmem>> -> memref<1x2048x1xf32, #tpu.memory_space<vmem>>
        %dma_start3A_187 = tpu.memref_squeeze %dma_start3A_186 : memref<1x2048x1xf32, #tpu.memory_space<vmem>> -> memref<2048x1xf32, #tpu.memory_space<vmem>>
        %dma_start3A_188 = arith.constant 0 : i32
        %dma_start3A_189 = tpu.memref_slice %arg4[%mul3A_181, %dma_start3A_188] : memref<323584x1xf32, #tpu.memory_space<any>> -> memref<2048x1xf32, #tpu.memory_space<any>>
        tpu.enqueue_dma source(%dma_start3A_189 : memref<2048x1xf32, #tpu.memory_space<any>>) target(%dma_start3A_187 : memref<2048x1xf32, #tpu.memory_space<vmem>>) target_semaphore(%dma_start3A_183 : memref<!tpu.dma_semaphore, #tpu.memory_space<semaphore_mem>>)
      } else {
      }
      %mul3A_107 = arith.constant 2048 : i32
      %mul3A_108 = arith.muli %while3A_69, %mul3A_107 : i32
      %get3A_109 = arith.index_cast %rem3A_72 : i32 to index
      %get3A_110 = arith.constant 0 : index
      %get3A_111 = arith.constant 0 : index
      %get3A_112 = vector.load %arg7[%get3A_109, %get3A_110, %get3A_111] : memref<2x2048x1xi32, #tpu.memory_space<vmem>>, vector<1x2048x1xi32>
      %get3A_113 = vector.shape_cast %get3A_112 : vector<1x2048x1xi32> to vector<2048x1xi32>
      %sub3A_114 = vector.broadcast %mul3A_0 : i32 to vector<2048x1xi32>
      %sub3A_115 = arith.subi %get3A_113, %sub3A_114 : vector<2048x1xi32>
      %iota3A = tpu.iota {dimensions = array<i32: 0>} : vector<2048x1xi32>
      %add3A_116 = vector.broadcast %mul3A_108 : i32 to vector<2048x1xi32>
      %add3A_117 = arith.addi %add3A_116, %iota3A : vector<2048x1xi32>
      %ge3A = vector.broadcast %get3A_1 : i32 to vector<2048x1xi32>
      %ge3A_118 = arith.cmpi sge, %add3A_117, %ge3A : vector<2048x1xi32>
      %lt3A_119 = vector.broadcast %get3A_4 : i32 to vector<2048x1xi32>
      %lt3A_120 = arith.cmpi slt, %add3A_117, %lt3A_119 : vector<2048x1xi32>
      %and3A_121 = arith.andi %ge3A_118, %lt3A_120 : vector<2048x1xi1>
      %iota3A_122 = tpu.iota {dimensions = array<i32: 1>} : vector<2048x128xi32>
      %eq3A = vector.broadcast %sub3A_115 : vector<2048x1xi32> to vector<2048x128xi32>
      %eq3A_123 = arith.cmpi eq, %eq3A, %iota3A_122 : vector<2048x128xi32>
      %and3A_124 = vector.broadcast %and3A_121 : vector<2048x1xi1> to vector<2048x128xi1>
      %and3A_125 = arith.andi %eq3A_123, %and3A_124 : vector<2048x128xi1>
      %convert_element_type3A_126 = arith.extui %and3A_125 : vector<2048x128xi1> to vector<2048x128xi32>
      %convert_element_type3A_127 = arith.sitofp %convert_element_type3A_126 : vector<2048x128xi32> to vector<2048x128xf32>
      %get3A_128 = arith.index_cast %rem3A_72 : i32 to index
      %get3A_129 = arith.constant 0 : index
      %get3A_130 = arith.constant 0 : index
      %get3A_131 = vector.load %arg6[%get3A_128, %get3A_129, %get3A_130] : memref<2x2048x128xf32, #tpu.memory_space<vmem>>, vector<1x2048x128xf32>
      %get3A_132 = vector.shape_cast %get3A_131 : vector<1x2048x128xf32> to vector<2048x128xf32>
      %get3A_133 = arith.index_cast %rem3A_72 : i32 to index
      %get3A_134 = arith.constant 0 : index
      %get3A_135 = arith.constant 0 : index
      %get3A_136 = vector.load %arg8[%get3A_133, %get3A_134, %get3A_135] : memref<2x2048x1xf32, #tpu.memory_space<vmem>>, vector<1x2048x1xf32>
      %get3A_137 = vector.shape_cast %get3A_136 : vector<1x2048x1xf32> to vector<2048x1xf32>
      %mul3A_138 = vector.broadcast %get3A_137 : vector<2048x1xf32> to vector<2048x128xf32>
      %mul3A_139 = arith.mulf %get3A_132, %mul3A_138 : vector<2048x128xf32>
      %jit3A_140 = arith.constant 0.000000e+00 : f32
      %broadcast_in_dim3A_141 = vector.shape_cast %and3A_121 : vector<2048x1xi1> to vector<2048x1xi1>
      %broadcast_in_dim3A_142 = vector.broadcast %broadcast_in_dim3A_141 : vector<2048x1xi1> to vector<2048x128xi1>
      %broadcast_in_dim3A_143 = vector.broadcast %jit3A_140 : f32 to vector<2048x128xf32>
      %select_n3A_144 = arith.select %broadcast_in_dim3A_142, %mul3A_139, %broadcast_in_dim3A_143 : vector<2048x128xi1>, vector<2048x128xf32>
      %get3A_145 = arith.constant 0 : index
      %get3A_146 = arith.constant 0 : index
      %get3A_147 = vector.load %arg9[%get3A_145, %get3A_146] : memref<128x128xf32, #tpu.memory_space<vmem>>, vector<128x128xf32>
      %dot_general3A = arith.constant dense<0.000000e+00> : vector<128x128xf32>
      %dot_general3A_148 = tpu.matmul %convert_element_type3A_127, %select_n3A_144, %dot_general3A {dimension_numbers = #tpu.dot_dimension_numbers<[0], [0], [1], [1], [0, 1, 1, 1], [], []>, transpose_lhs_hint = false} : vector<2048x128xf32>, vector<2048x128xf32>, vector<128x128xf32> -> vector<128x128xf32>
      %add3A_149 = arith.addf %get3A_147, %dot_general3A_148 : vector<128x128xf32>
      %swap3A_150 = arith.constant 0 : index
      %swap3A_151 = arith.constant 0 : index
      %swap3A_152 = vector.load %arg9[%swap3A_150, %swap3A_151] : memref<128x128xf32, #tpu.memory_space<vmem>>, vector<128x128xf32>
      tpu.vector_store %arg9[%swap3A_150, %swap3A_151], %add3A_149 {strides = array<i32>} : memref<128x128xf32, #tpu.memory_space<vmem>>, vector<128x128xf32>,
    }
    %while3A_62 = arith.constant 1 : i32
    scf.for %while3A_69 = %while3A_60 to %while3A_56 step %while3A_62  : i32 {
      %sub3A_70 = arith.subi %while3A_69, %select_n3A : i32
      %rem3A_71 = arith.constant 2 : i32
      %rem3A_72 = arith.remsi %sub3A_70, %rem3A_71 : i32
      %mul3A_73 = arith.constant 2048 : i32
      %mul3A_74 = arith.muli %while3A_69, %mul3A_73 : i32
      %dma_wait3A = tpu.memref_slice %arg10[%rem3A_72] : memref<2x!tpu.dma_semaphore, #tpu.memory_space<semaphore_mem>> -> memref<1x!tpu.dma_semaphore, #tpu.memory_space<semaphore_mem>>
      %dma_wait3A_75 = tpu.memref_squeeze %dma_wait3A : memref<1x!tpu.dma_semaphore, #tpu.memory_space<semaphore_mem>> -> memref<!tpu.dma_semaphore, #tpu.memory_space<semaphore_mem>>
      %dma_wait3A_76 = arith.constant 0 : i32
      %dma_wait3A_77 = arith.constant 0 : i32
      %dma_wait3A_78 = tpu.memref_slice %arg6[%rem3A_72, %dma_wait3A_76, %dma_wait3A_77] : memref<2x2048x128xf32, #tpu.memory_space<vmem>> -> memref<1x2048x128xf32, #tpu.memory_space<vmem>>
      %dma_wait3A_79 = tpu.memref_squeeze %dma_wait3A_78 : memref<1x2048x128xf32, #tpu.memory_space<vmem>> -> memref<2048x128xf32, #tpu.memory_space<vmem>>
      %dma_wait3A_80 = arith.constant 0 : i32
      %dma_wait3A_81 = tpu.memref_slice %arg2[%mul3A_74, %dma_wait3A_80] : memref<323584x128xf32, #tpu.memory_space<any>> -> memref<2048x128xf32, #tpu.memory_space<any>>
      tpu.wait_dma2 semaphore(%dma_wait3A_75 : memref<!tpu.dma_semaphore, #tpu.memory_space<semaphore_mem>>) src(%dma_wait3A_81 : memref<2048x128xf32, #tpu.memory_space<any>>) dst(%dma_wait3A_79 : memref<2048x128xf32, #tpu.memory_space<vmem>>)
      %mul3A_82 = arith.constant 2048 : i32
      %mul3A_83 = arith.muli %while3A_69, %mul3A_82 : i32
      %dma_wait3A_84 = tpu.memref_slice %arg11[%rem3A_72] : memref<2x!tpu.dma_semaphore, #tpu.memory_space<semaphore_mem>> -> memref<1x!tpu.dma_semaphore, #tpu.memory_space<semaphore_mem>>
      %dma_wait3A_85 = tpu.memref_squeeze %dma_wait3A_84 : memref<1x!tpu.dma_semaphore, #tpu.memory_space<semaphore_mem>> -> memref<!tpu.dma_semaphore, #tpu.memory_space<semaphore_mem>>
      %dma_wait3A_86 = arith.constant 0 : i32
      %dma_wait3A_87 = arith.constant 0 : i32
      %dma_wait3A_88 = tpu.memref_slice %arg7[%rem3A_72, %dma_wait3A_86, %dma_wait3A_87] : memref<2x2048x1xi32, #tpu.memory_space<vmem>> -> memref<1x2048x1xi32, #tpu.memory_space<vmem>>
      %dma_wait3A_89 = tpu.memref_squeeze %dma_wait3A_88 : memref<1x2048x1xi32, #tpu.memory_space<vmem>> -> memref<2048x1xi32, #tpu.memory_space<vmem>>
      %dma_wait3A_90 = arith.constant 0 : i32
      %dma_wait3A_91 = tpu.memref_slice %arg3[%mul3A_83, %dma_wait3A_90] : memref<323584x1xi32, #tpu.memory_space<any>> -> memref<2048x1xi32, #tpu.memory_space<any>>
      tpu.wait_dma2 semaphore(%dma_wait3A_85 : memref<!tpu.dma_semaphore, #tpu.memory_space<semaphore_mem>>) src(%dma_wait3A_91 : memref<2048x1xi32, #tpu.memory_space<any>>) dst(%dma_wait3A_89 : memref<2048x1xi32, #tpu.memory_space<vmem>>)
      %mul3A_92 = arith.constant 2048 : i32
      %mul3A_93 = arith.muli %while3A_69, %mul3A_92 : i32
      %dma_wait3A_94 = tpu.memref_slice %arg12[%rem3A_72] : memref<2x!tpu.dma_semaphore, #tpu.memory_space<semaphore_mem>> -> memref<1x!tpu.dma_semaphore, #tpu.memory_space<semaphore_mem>>
      %dma_wait3A_95 = tpu.memref_squeeze %dma_wait3A_94 : memref<1x!tpu.dma_semaphore, #tpu.memory_space<semaphore_mem>> -> memref<!tpu.dma_semaphore, #tpu.memory_space<semaphore_mem>>
      %dma_wait3A_96 = arith.constant 0 : i32
      %dma_wait3A_97 = arith.constant 0 : i32
      %dma_wait3A_98 = tpu.memref_slice %arg8[%rem3A_72, %dma_wait3A_96, %dma_wait3A_97] : memref<2x2048x1xf32, #tpu.memory_space<vmem>> -> memref<1x2048x1xf32, #tpu.memory_space<vmem>>
      %dma_wait3A_99 = tpu.memref_squeeze %dma_wait3A_98 : memref<1x2048x1xf32, #tpu.memory_space<vmem>> -> memref<2048x1xf32, #tpu.memory_space<vmem>>
      %dma_wait3A_100 = arith.constant 0 : i32
      %dma_wait3A_101 = tpu.memref_slice %arg4[%mul3A_93, %dma_wait3A_100] : memref<323584x1xf32, #tpu.memory_space<any>> -> memref<2048x1xf32, #tpu.memory_space<any>>
      tpu.wait_dma2 semaphore(%dma_wait3A_95 : memref<!tpu.dma_semaphore, #tpu.memory_space<semaphore_mem>>) src(%dma_wait3A_101 : memref<2048x1xf32, #tpu.memory_space<any>>) dst(%dma_wait3A_99 : memref<2048x1xf32, #tpu.memory_space<vmem>>)
      %add3A_102 = arith.constant 1 : i32
      %add3A_103 = arith.addi %while3A_69, %add3A_102 : i32
      %lt3A = arith.cmpi slt, %add3A_103, %select_n3A_49 : i32
      %convert_element_type3A_104 = arith.extui %lt3A : i1 to i32
      %cond3A_105 = arith.constant 0 : i32
      %cond3A_106 = arith.cmpi ne, %convert_element_type3A_104, %cond3A_105 : i32
      scf.if %cond3A_106 {
        %sub3A_153 = arith.constant 1 : i32
        %sub3A_154 = arith.subi %sub3A_153, %rem3A_72 : i32
        %add3A_155 = arith.constant 1 : i32
        %add3A_156 = arith.addi %while3A_69, %add3A_155 : i32
        %mul3A_157 = arith.constant 2048 : i32
        %mul3A_158 = arith.muli %add3A_156, %mul3A_157 : i32
        %dma_start3A = tpu.memref_slice %arg10[%sub3A_154] : memref<2x!tpu.dma_semaphore, #tpu.memory_space<semaphore_mem>> -> memref<1x!tpu.dma_semaphore, #tpu.memory_space<semaphore_mem>>
        %dma_start3A_159 = tpu.memref_squeeze %dma_start3A : memref<1x!tpu.dma_semaphore, #tpu.memory_space<semaphore_mem>> -> memref<!tpu.dma_semaphore, #tpu.memory_space<semaphore_mem>>
        %dma_start3A_160 = arith.constant 0 : i32
        %dma_start3A_161 = arith.constant 0 : i32
        %dma_start3A_162 = tpu.memref_slice %arg6[%sub3A_154, %dma_start3A_160, %dma_start3A_161] : memref<2x2048x128xf32, #tpu.memory_space<vmem>> -> memref<1x2048x128xf32, #tpu.memory_space<vmem>>
        %dma_start3A_163 = tpu.memref_squeeze %dma_start3A_162 : memref<1x2048x128xf32, #tpu.memory_space<vmem>> -> memref<2048x128xf32, #tpu.memory_space<vmem>>
        %dma_start3A_164 = arith.constant 0 : i32
        %dma_start3A_165 = tpu.memref_slice %arg2[%mul3A_158, %dma_start3A_164] : memref<323584x128xf32, #tpu.memory_space<any>> -> memref<2048x128xf32, #tpu.memory_space<any>>
        tpu.enqueue_dma source(%dma_start3A_165 : memref<2048x128xf32, #tpu.memory_space<any>>) target(%dma_start3A_163 : memref<2048x128xf32, #tpu.memory_space<vmem>>) target_semaphore(%dma_start3A_159 : memref<!tpu.dma_semaphore, #tpu.memory_space<semaphore_mem>>)
        %add3A_166 = arith.constant 1 : i32
        %add3A_167 = arith.addi %while3A_69, %add3A_166 : i32
        %mul3A_168 = arith.constant 2048 : i32
        %mul3A_169 = arith.muli %add3A_167, %mul3A_168 : i32
        %dma_start3A_170 = tpu.memref_slice %arg11[%sub3A_154] : memref<2x!tpu.dma_semaphore, #tpu.memory_space<semaphore_mem>> -> memref<1x!tpu.dma_semaphore, #tpu.memory_space<semaphore_mem>>
        %dma_start3A_171 = tpu.memref_squeeze %dma_start3A_170 : memref<1x!tpu.dma_semaphore, #tpu.memory_space<semaphore_mem>> -> memref<!tpu.dma_semaphore, #tpu.memory_space<semaphore_mem>>
        %dma_start3A_172 = arith.constant 0 : i32
        %dma_start3A_173 = arith.constant 0 : i32
        %dma_start3A_174 = tpu.memref_slice %arg7[%sub3A_154, %dma_start3A_172, %dma_start3A_173] : memref<2x2048x1xi32, #tpu.memory_space<vmem>> -> memref<1x2048x1xi32, #tpu.memory_space<vmem>>
        %dma_start3A_175 = tpu.memref_squeeze %dma_start3A_174 : memref<1x2048x1xi32, #tpu.memory_space<vmem>> -> memref<2048x1xi32, #tpu.memory_space<vmem>>
        %dma_start3A_176 = arith.constant 0 : i32
        %dma_start3A_177 = tpu.memref_slice %arg3[%mul3A_169, %dma_start3A_176] : memref<323584x1xi32, #tpu.memory_space<any>> -> memref<2048x1xi32, #tpu.memory_space<any>>
        tpu.enqueue_dma source(%dma_start3A_177 : memref<2048x1xi32, #tpu.memory_space<any>>) target(%dma_start3A_175 : memref<2048x1xi32, #tpu.memory_space<vmem>>) target_semaphore(%dma_start3A_171 : memref<!tpu.dma_semaphore, #tpu.memory_space<semaphore_mem>>)
        %add3A_178 = arith.constant 1 : i32
        %add3A_179 = arith.addi %while3A_69, %add3A_178 : i32
        %mul3A_180 = arith.constant 2048 : i32
        %mul3A_181 = arith.muli %add3A_179, %mul3A_180 : i32
        %dma_start3A_182 = tpu.memref_slice %arg12[%sub3A_154] : memref<2x!tpu.dma_semaphore, #tpu.memory_space<semaphore_mem>> -> memref<1x!tpu.dma_semaphore, #tpu.memory_space<semaphore_mem>>
        %dma_start3A_183 = tpu.memref_squeeze %dma_start3A_182 : memref<1x!tpu.dma_semaphore, #tpu.memory_space<semaphore_mem>> -> memref<!tpu.dma_semaphore, #tpu.memory_space<semaphore_mem>>
        %dma_start3A_184 = arith.constant 0 : i32
        %dma_start3A_185 = arith.constant 0 : i32
        %dma_start3A_186 = tpu.memref_slice %arg8[%sub3A_154, %dma_start3A_184, %dma_start3A_185] : memref<2x2048x1xf32, #tpu.memory_space<vmem>> -> memref<1x2048x1xf32, #tpu.memory_space<vmem>>
        %dma_start3A_187 = tpu.memref_squeeze %dma_start3A_186 : memref<1x2048x1xf32, #tpu.memory_space<vmem>> -> memref<2048x1xf32, #tpu.memory_space<vmem>>
        %dma_start3A_188 = arith.constant 0 : i32
        %dma_start3A_189 = tpu.memref_slice %arg4[%mul3A_181, %dma_start3A_188] : memref<323584x1xf32, #tpu.memory_space<any>> -> memref<2048x1xf32, #tpu.memory_space<any>>
        tpu.enqueue_dma source(%dma_start3A_189 : memref<2048x1xf32, #tpu.memory_space<any>>) target(%dma_start3A_187 : memref<2048x1xf32, #tpu.memory_space<vmem>>) target_semaphore(%dma_start3A_183 : memref<!tpu.dma_semaphore, #tpu.memory_space<semaphore_mem>>)
      } else {
      }
      %mul3A_107 = arith.constant 2048 : i32
      %mul3A_108 = arith.muli %while3A_69, %mul3A_107 : i32
      %get3A_109 = arith.index_cast %rem3A_72 : i32 to index
      %get3A_110 = arith.constant 0 : index
      %get3A_111 = arith.constant 0 : index
      %get3A_112 = vector.load %arg7[%get3A_109, %get3A_110, %get3A_111] : memref<2x2048x1xi32, #tpu.memory_space<vmem>>, vector<1x2048x1xi32>
      %get3A_113 = vector.shape_cast %get3A_112 : vector<1x2048x1xi32> to vector<2048x1xi32>
      %sub3A_114 = vector.broadcast %mul3A_0 : i32 to vector<2048x1xi32>
      %sub3A_115 = arith.subi %get3A_113, %sub3A_114 : vector<2048x1xi32>
      %iota3A = tpu.iota {dimensions = array<i32: 0>} : vector<2048x1xi32>
      %add3A_116 = vector.broadcast %mul3A_108 : i32 to vector<2048x1xi32>
      %add3A_117 = arith.addi %add3A_116, %iota3A : vector<2048x1xi32>
      %ge3A = vector.broadcast %get3A_1 : i32 to vector<2048x1xi32>
      %ge3A_118 = arith.cmpi sge, %add3A_117, %ge3A : vector<2048x1xi32>
      %lt3A_119 = vector.broadcast %get3A_4 : i32 to vector<2048x1xi32>
      %lt3A_120 = arith.cmpi slt, %add3A_117, %lt3A_119 : vector<2048x1xi32>
      %and3A_121 = arith.andi %ge3A_118, %lt3A_120 : vector<2048x1xi1>
      %iota3A_122 = tpu.iota {dimensions = array<i32: 1>} : vector<2048x128xi32>
      %eq3A = vector.broadcast %sub3A_115 : vector<2048x1xi32> to vector<2048x128xi32>
      %eq3A_123 = arith.cmpi eq, %eq3A, %iota3A_122 : vector<2048x128xi32>
      %and3A_124 = vector.broadcast %and3A_121 : vector<2048x1xi1> to vector<2048x128xi1>
      %and3A_125 = arith.andi %eq3A_123, %and3A_124 : vector<2048x128xi1>
      %convert_element_type3A_126 = arith.extui %and3A_125 : vector<2048x128xi1> to vector<2048x128xi32>
      %convert_element_type3A_127 = arith.sitofp %convert_element_type3A_126 : vector<2048x128xi32> to vector<2048x128xf32>
      %get3A_128 = arith.index_cast %rem3A_72 : i32 to index
      %get3A_129 = arith.constant 0 : index
      %get3A_130 = arith.constant 0 : index
      %get3A_131 = vector.load %arg6[%get3A_128, %get3A_129, %get3A_130] : memref<2x2048x128xf32, #tpu.memory_space<vmem>>, vector<1x2048x128xf32>
      %get3A_132 = vector.shape_cast %get3A_131 : vector<1x2048x128xf32> to vector<2048x128xf32>
      %get3A_133 = arith.index_cast %rem3A_72 : i32 to index
      %get3A_134 = arith.constant 0 : index
      %get3A_135 = arith.constant 0 : index
      %get3A_136 = vector.load %arg8[%get3A_133, %get3A_134, %get3A_135] : memref<2x2048x1xf32, #tpu.memory_space<vmem>>, vector<1x2048x1xf32>
      %get3A_137 = vector.shape_cast %get3A_136 : vector<1x2048x1xf32> to vector<2048x1xf32>
      %mul3A_138 = vector.broadcast %get3A_137 : vector<2048x1xf32> to vector<2048x128xf32>
      %mul3A_139 = arith.mulf %get3A_132, %mul3A_138 : vector<2048x128xf32>
      %jit3A_140 = arith.constant 0.000000e+00 : f32
      %broadcast_in_dim3A_141 = vector.shape_cast %and3A_121 : vector<2048x1xi1> to vector<2048x1xi1>
      %broadcast_in_dim3A_142 = vector.broadcast %broadcast_in_dim3A_141 : vector<2048x1xi1> to vector<2048x128xi1>
      %broadcast_in_dim3A_143 = vector.broadcast %jit3A_140 : f32 to vector<2048x128xf32>
      %select_n3A_144 = arith.select %broadcast_in_dim3A_142, %mul3A_139, %broadcast_in_dim3A_143 : vector<2048x128xi1>, vector<2048x128xf32>
      %get3A_145 = arith.constant 0 : index
      %get3A_146 = arith.constant 0 : index
      %get3A_147 = vector.load %arg9[%get3A_145, %get3A_146] : memref<128x128xf32, #tpu.memory_space<vmem>>, vector<128x128xf32>
      %dot_general3A = arith.constant dense<0.000000e+00> : vector<128x128xf32>
      %dot_general3A_148 = tpu.matmul %convert_element_type3A_127, %select_n3A_144, %dot_general3A {dimension_numbers = #tpu.dot_dimension_numbers<[0], [0], [1], [1], [0, 1, 1, 1], [], []>, transpose_lhs_hint = false} : vector<2048x128xf32>, vector<2048x128xf32>, vector<128x128xf32> -> vector<128x128xf32>
      %add3A_149 = arith.addf %get3A_147, %dot_general3A_148 : vector<128x128xf32>
      %swap3A_150 = arith.constant 0 : index
      %swap3A_151 = arith.constant 0 : index
      %swap3A_152 = vector.load %arg9[%swap3A_150, %swap3A_151] : memref<128x128xf32, #tpu.memory_space<vmem>>, vector<128x128xf32>
      tpu.vector_store %arg9[%swap3A_150, %swap3A_151], %add3A_149 {strides = array<i32>} : memref<128x128xf32, #tpu.memory_space<vmem>>, vector<128x128xf32>,
    }
    %get3A_63 = arith.constant 0 : index
    %get3A_64 = arith.constant 0 : index
    %get3A_65 = vector.load %arg9[%get3A_63, %get3A_64] : memref<128x128xf32, #tpu.memory_space<vmem>>, vector<128x128xf32>
    %swap3A_66 = arith.constant 0 : index
    %swap3A_67 = arith.constant 0 : index
    %swap3A_68 = vector.load %arg5[%swap3A_66, %swap3A_67] : memref<128x128xf32, #tpu.memory_space<vmem>>, vector<128x128xf32>
    tpu.vector_store %arg5[%swap3A_66, %swap3A_67], %get3A_65 {strides = array<i32>} : memref<128x128xf32, #tpu.memory_space<vmem>>, vector<128x128xf32>,
    return
  }
  func.func @transform_3(%arg0: i32, %arg1: memref<10113xi32, #tpu.memory_space<smem>>) -> (i32, i32) {
    %c0_i32 = arith.constant 0 : i32
    %c0_i32_0 = arith.constant 0 : i32
    return %arg0, %c0_i32 : i32, i32
  }
}

module attributes {stable_mosaic.version = 14 : i64} {
  func.func @_iter_body(%arg0: i32, %arg1: memref<10113xi32, #tpu.memory_space<smem>>, %arg2: memref<1xi32, #tpu.memory_space<smem>>, %arg3: memref<128x128xf32, #tpu.memory_space<vmem>>, %arg4: memref<323584x128xf32, #tpu.memory_space<any>>, %arg5: memref<323584x1xi32, #tpu.memory_space<any>>, %arg6: memref<323584x1xf32, #tpu.memory_space<any>>, %arg7: memref<128x128xf32, #tpu.memory_space<vmem>>, %arg8: memref<323584x8xf32, #tpu.memory_space<any>>, %arg9: memref<2x2048x128xf32, #tpu.memory_space<vmem>>, %arg10: memref<2x2048x1xi32, #tpu.memory_space<vmem>>, %arg11: memref<2x2048x1xf32, #tpu.memory_space<vmem>>, %arg12: memref<2x2048x8xf32, #tpu.memory_space<vmem>>, %arg13: memref<2048x8xf32, #tpu.memory_space<vmem>>, %arg14: memref<8x128xf32, #tpu.memory_space<vmem>>, %arg15: memref<8x128xf32, #tpu.memory_space<vmem>>, %arg16: memref<8x128xf32, #tpu.memory_space<vmem>>, %arg17: memref<128x128xf32, #tpu.memory_space<vmem>>, %arg18: memref<2x!tpu.dma_semaphore, #tpu.memory_space<semaphore_mem>>, %arg19: memref<2x!tpu.dma_semaphore, #tpu.memory_space<semaphore_mem>>, %arg20: memref<2x!tpu.dma_semaphore, #tpu.memory_space<semaphore_mem>>, %arg21: memref<2x!tpu.dma_semaphore, #tpu.memory_space<semaphore_mem>>, %arg22: memref<!tpu.dma_semaphore, #tpu.memory_space<semaphore_mem>>) attributes {dimension_semantics = [#tpu.dimension_semantics<arbitrary>], iteration_bounds = array<i64: 79>, scalar_prefetch = 2 : i64, scratch_operands = 14 : i64, tpu.core_type = #tpu.core_type<tc>, window_params = [{transform_indices = @transform_0, window_bounds = array<i64: 128, 128>}, {}, {}, {}, {transform_indices = @transform_4, window_bounds = array<i64: 128, 128>}, {}]} {
    %mul3A = arith.constant 128 : i32
    %mul3A_0 = arith.muli %arg0, %mul3A : i32
    %get3A = arith.index_cast %mul3A_0 : i32 to index
    %get3A_1 = memref.load %arg1[%get3A] : memref<10113xi32, #tpu.memory_space<smem>>
    %add3A = arith.constant 128 : i32
    %add3A_2 = arith.addi %mul3A_0, %add3A : i32
    %get3A_3 = arith.index_cast %add3A_2 : i32 to index
    %get3A_4 = memref.load %arg1[%get3A_3] : memref<10113xi32, #tpu.memory_space<smem>>
    %jit3A = arith.constant 2048 : i32
    %div3A = arith.divsi %get3A_1, %jit3A : i32
    %sign3A = arith.constant 0 : i32
    %sign3A_5 = arith.cmpi sgt, %get3A_1, %sign3A : i32
    %sign3A_6 = arith.extui %sign3A_5 : i1 to i32
    %sign3A_7 = arith.constant 0 : i32
    %sign3A_8 = arith.cmpi slt, %get3A_1, %sign3A_7 : i32
    %sign3A_9 = arith.extui %sign3A_8 : i1 to i32
    %sign3A_10 = arith.subi %sign3A_6, %sign3A_9 : i32
    %sign3A_11 = arith.constant 0 : i32
    %sign3A_12 = arith.cmpi sgt, %jit3A, %sign3A_11 : i32
    %sign3A_13 = arith.extui %sign3A_12 : i1 to i32
    %sign3A_14 = arith.constant 0 : i32
    %sign3A_15 = arith.cmpi slt, %jit3A, %sign3A_14 : i32
    %sign3A_16 = arith.extui %sign3A_15 : i1 to i32
    %sign3A_17 = arith.subi %sign3A_13, %sign3A_16 : i32
    %ne3A = arith.cmpi ne, %sign3A_10, %sign3A_17 : i32
    %rem3A = arith.remsi %get3A_1, %jit3A : i32
    %ne3A_18 = arith.constant 0 : i32
    %ne3A_19 = arith.cmpi ne, %rem3A, %ne3A_18 : i32
    %and3A = arith.andi %ne3A, %ne3A_19 : i1
    %sub3A = arith.constant 1 : i32
    %sub3A_20 = arith.subi %div3A, %sub3A : i32
    %select_n3A = arith.select %and3A, %sub3A_20, %div3A : i32
    %gt3A = arith.cmpi sgt, %get3A_4, %get3A_1 : i32
    %sub3A_21 = arith.constant 1 : i32
    %sub3A_22 = arith.subi %get3A_4, %sub3A_21 : i32
    %jit3A_23 = arith.constant 2048 : i32
    %div3A_24 = arith.divsi %sub3A_22, %jit3A_23 : i32
    %sign3A_25 = arith.constant 0 : i32
    %sign3A_26 = arith.cmpi sgt, %sub3A_22, %sign3A_25 : i32
    %sign3A_27 = arith.extui %sign3A_26 : i1 to i32
    %sign3A_28 = arith.constant 0 : i32
    %sign3A_29 = arith.cmpi slt, %sub3A_22, %sign3A_28 : i32
    %sign3A_30 = arith.extui %sign3A_29 : i1 to i32
    %sign3A_31 = arith.subi %sign3A_27, %sign3A_30 : i32
    %sign3A_32 = arith.constant 0 : i32
    %sign3A_33 = arith.cmpi sgt, %jit3A_23, %sign3A_32 : i32
    %sign3A_34 = arith.extui %sign3A_33 : i1 to i32
    %sign3A_35 = arith.constant 0 : i32
    %sign3A_36 = arith.cmpi slt, %jit3A_23, %sign3A_35 : i32
    %sign3A_37 = arith.extui %sign3A_36 : i1 to i32
    %sign3A_38 = arith.subi %sign3A_34, %sign3A_37 : i32
    %ne3A_39 = arith.cmpi ne, %sign3A_31, %sign3A_38 : i32
    %rem3A_40 = arith.remsi %sub3A_22, %jit3A_23 : i32
    %ne3A_41 = arith.constant 0 : i32
    %ne3A_42 = arith.cmpi ne, %rem3A_40, %ne3A_41 : i32
    %and3A_43 = arith.andi %ne3A_39, %ne3A_42 : i1
    %sub3A_44 = arith.constant 1 : i32
    %sub3A_45 = arith.subi %div3A_24, %sub3A_44 : i32
    %select_n3A_46 = arith.select %and3A_43, %sub3A_45, %div3A_24 : i32
    %add3A_47 = arith.constant 1 : i32
    %add3A_48 = arith.addi %select_n3A_46, %add3A_47 : i32
    %select_n3A_49 = arith.select %gt3A, %add3A_48, %select_n3A : i32
    %iota3A = tpu.iota {dimensions = array<i32: 0>} : vector<128x8xi32>
    %iota3A_50 = tpu.iota {dimensions = array<i32: 1>} : vector<128x8xi32>
    %jit3A_51 = arith.constant 16 : i32
    %div3A_52 = vector.broadcast %jit3A_51 : i32 to vector<128x8xi32>
    %div3A_53 = arith.divsi %iota3A, %div3A_52 : vector<128x8xi32>
    %sign3A_54 = arith.constant 0 : i32
    %sign3A_55 = vector.broadcast %sign3A_54 : i32 to vector<128x8xi32>
    %sign3A_56 = arith.cmpi sgt, %iota3A, %sign3A_55 : vector<128x8xi32>
    %sign3A_57 = arith.extui %sign3A_56 : vector<128x8xi1> to vector<128x8xi32>
    %sign3A_58 = arith.constant 0 : i32
    %sign3A_59 = vector.broadcast %sign3A_58 : i32 to vector<128x8xi32>
    %sign3A_60 = arith.cmpi slt, %iota3A, %sign3A_59 : vector<128x8xi32>
    %sign3A_61 = arith.extui %sign3A_60 : vector<128x8xi1> to vector<128x8xi32>
    %sign3A_62 = arith.subi %sign3A_57, %sign3A_61 : vector<128x8xi32>
    %sign3A_63 = arith.constant 0 : i32
    %sign3A_64 = arith.cmpi sgt, %jit3A_51, %sign3A_63 : i32
    %sign3A_65 = arith.extui %sign3A_64 : i1 to i32
    %sign3A_66 = arith.constant 0 : i32
    %sign3A_67 = arith.cmpi slt, %jit3A_51, %sign3A_66 : i32
    %sign3A_68 = arith.extui %sign3A_67 : i1 to i32
    %sign3A_69 = arith.subi %sign3A_65, %sign3A_68 : i32
    %ne3A_70 = vector.broadcast %sign3A_69 : i32 to vector<128x8xi32>
    %ne3A_71 = arith.cmpi ne, %sign3A_62, %ne3A_70 : vector<128x8xi32>
    %rem3A_72 = vector.broadcast %jit3A_51 : i32 to vector<128x8xi32>
    %rem3A_73 = arith.remsi %iota3A, %rem3A_72 : vector<128x8xi32>
    %ne3A_74 = arith.constant 0 : i32
    %ne3A_75 = vector.broadcast %ne3A_74 : i32 to vector<128x8xi32>
    %ne3A_76 = arith.cmpi ne, %rem3A_73, %ne3A_75 : vector<128x8xi32>
    %and3A_77 = arith.andi %ne3A_71, %ne3A_76 : vector<128x8xi1>
    %sub3A_78 = arith.constant 1 : i32
    %sub3A_79 = vector.broadcast %sub3A_78 : i32 to vector<128x8xi32>
    %sub3A_80 = arith.subi %div3A_53, %sub3A_79 : vector<128x8xi32>
    %select_n3A_81 = arith.select %and3A_77, %sub3A_80, %div3A_53 : vector<128x8xi1>, vector<128x8xi32>
    %eq3A = arith.cmpi eq, %select_n3A_81, %iota3A_50 : vector<128x8xi32>
    %convert_element_type3A = arith.extui %eq3A : vector<128x8xi1> to vector<128x8xi32>
    %convert_element_type3A_82 = arith.sitofp %convert_element_type3A : vector<128x8xi32> to vector<128x8xf32>
    %iota3A_83 = tpu.iota {dimensions = array<i32: 0>} : vector<8x128xi32>
    %iota3A_84 = tpu.iota {dimensions = array<i32: 1>} : vector<8x128xi32>
    %jit3A_85 = arith.constant 16 : i32
    %div3A_86 = vector.broadcast %jit3A_85 : i32 to vector<8x128xi32>
    %div3A_87 = arith.divsi %iota3A_84, %div3A_86 : vector<8x128xi32>
    %sign3A_88 = arith.constant 0 : i32
    %sign3A_89 = vector.broadcast %sign3A_88 : i32 to vector<8x128xi32>
    %sign3A_90 = arith.cmpi sgt, %iota3A_84, %sign3A_89 : vector<8x128xi32>
    %sign3A_91 = arith.extui %sign3A_90 : vector<8x128xi1> to vector<8x128xi32>
    %sign3A_92 = arith.constant 0 : i32
    %sign3A_93 = vector.broadcast %sign3A_92 : i32 to vector<8x128xi32>
    %sign3A_94 = arith.cmpi slt, %iota3A_84, %sign3A_93 : vector<8x128xi32>
    %sign3A_95 = arith.extui %sign3A_94 : vector<8x128xi1> to vector<8x128xi32>
    %sign3A_96 = arith.subi %sign3A_91, %sign3A_95 : vector<8x128xi32>
    %sign3A_97 = arith.constant 0 : i32
    %sign3A_98 = arith.cmpi sgt, %jit3A_85, %sign3A_97 : i32
    %sign3A_99 = arith.extui %sign3A_98 : i1 to i32
    %sign3A_100 = arith.constant 0 : i32
    %sign3A_101 = arith.cmpi slt, %jit3A_85, %sign3A_100 : i32
    %sign3A_102 = arith.extui %sign3A_101 : i1 to i32
    %sign3A_103 = arith.subi %sign3A_99, %sign3A_102 : i32
    %ne3A_104 = vector.broadcast %sign3A_103 : i32 to vector<8x128xi32>
    %ne3A_105 = arith.cmpi ne, %sign3A_96, %ne3A_104 : vector<8x128xi32>
    %rem3A_106 = vector.broadcast %jit3A_85 : i32 to vector<8x128xi32>
    %rem3A_107 = arith.remsi %iota3A_84, %rem3A_106 : vector<8x128xi32>
    %ne3A_108 = arith.constant 0 : i32
    %ne3A_109 = vector.broadcast %ne3A_108 : i32 to vector<8x128xi32>
    %ne3A_110 = arith.cmpi ne, %rem3A_107, %ne3A_109 : vector<8x128xi32>
    %and3A_111 = arith.andi %ne3A_105, %ne3A_110 : vector<8x128xi1>
    %sub3A_112 = arith.constant 1 : i32
    %sub3A_113 = vector.broadcast %sub3A_112 : i32 to vector<8x128xi32>
    %sub3A_114 = arith.subi %div3A_87, %sub3A_113 : vector<8x128xi32>
    %select_n3A_115 = arith.select %and3A_111, %sub3A_114, %div3A_87 : vector<8x128xi1>, vector<8x128xi32>
    %eq3A_116 = arith.cmpi eq, %select_n3A_115, %iota3A_83 : vector<8x128xi32>
    %convert_element_type3A_117 = arith.extui %eq3A_116 : vector<8x128xi1> to vector<8x128xi32>
    %convert_element_type3A_118 = arith.sitofp %convert_element_type3A_117 : vector<8x128xi32> to vector<8x128xf32>
    %get3A_119 = arith.constant 0 : index
    %get3A_120 = arith.constant 0 : index
    %get3A_121 = vector.load %arg3[%get3A_119, %get3A_120] : memref<128x128xf32, #tpu.memory_space<vmem>>, vector<128x128xf32>
    %mul3A_122 = arith.mulf %get3A_121, %get3A_121 : vector<128x128xf32>
    %dot_general3A = arith.constant dense<0.000000e+00> : vector<8x128xf32>
    %dot_general3A_123 = tpu.matmul %convert_element_type3A_82, %mul3A_122, %dot_general3A {dimension_numbers = #tpu.dot_dimension_numbers<[0], [1], [1], [0], [0, 1, 1, 0], [], []>, transpose_lhs_hint = false} : vector<128x8xf32>, vector<128x128xf32>, vector<8x128xf32> -> vector<8x128xf32>
    %sqrt3A = math.sqrt %dot_general3A_123 : vector<8x128xf32>
    %swap3A = arith.constant 0 : index
    %swap3A_124 = arith.constant 0 : index
    %swap3A_125 = vector.load %arg14[%swap3A, %swap3A_124] : memref<8x128xf32, #tpu.memory_space<vmem>>, vector<8x128xf32>
    tpu.vector_store %arg14[%swap3A, %swap3A_124], %sqrt3A {strides = array<i32>} : memref<8x128xf32, #tpu.memory_space<vmem>>, vector<8x128xf32>,
    %broadcast_in_dim3A = arith.constant 0.000000e+00 : f32
    %broadcast_in_dim3A_126 = vector.broadcast %broadcast_in_dim3A : f32 to vector<8x128xf32>
    %swap3A_127 = arith.constant 0 : index
    %swap3A_128 = arith.constant 0 : index
    %swap3A_129 = vector.load %arg15[%swap3A_127, %swap3A_128] : memref<8x128xf32, #tpu.memory_space<vmem>>, vector<8x128xf32>
    tpu.vector_store %arg15[%swap3A_127, %swap3A_128], %broadcast_in_dim3A_126 {strides = array<i32>} : memref<8x128xf32, #tpu.memory_space<vmem>>, vector<8x128xf32>,
    %broadcast_in_dim3A_130 = arith.constant 0.000000e+00 : f32
    %broadcast_in_dim3A_131 = vector.broadcast %broadcast_in_dim3A_130 : f32 to vector<8x128xf32>
    %swap3A_132 = arith.constant 0 : index
    %swap3A_133 = arith.constant 0 : index
    %swap3A_134 = vector.load %arg16[%swap3A_132, %swap3A_133] : memref<8x128xf32, #tpu.memory_space<vmem>>, vector<8x128xf32>
    tpu.vector_store %arg16[%swap3A_132, %swap3A_133], %broadcast_in_dim3A_131 {strides = array<i32>} : memref<8x128xf32, #tpu.memory_space<vmem>>, vector<8x128xf32>,
    %broadcast_in_dim3A_135 = arith.constant 0.000000e+00 : f32
    %broadcast_in_dim3A_136 = vector.broadcast %broadcast_in_dim3A_135 : f32 to vector<128x128xf32>
    %swap3A_137 = arith.constant 0 : index
    %swap3A_138 = arith.constant 0 : index
    %swap3A_139 = vector.load %arg17[%swap3A_137, %swap3A_138] : memref<128x128xf32, #tpu.memory_space<vmem>>, vector<128x128xf32>
    tpu.vector_store %arg17[%swap3A_137, %swap3A_138], %broadcast_in_dim3A_136 {strides = array<i32>} : memref<128x128xf32, #tpu.memory_space<vmem>>, vector<128x128xf32>,
    %gt3A_140 = arith.cmpi sgt, %select_n3A_49, %select_n3A : i32
    %convert_element_type3A_141 = arith.extui %gt3A_140 : i1 to i32
    %cond3A = arith.constant 0 : i32
    %cond3A_142 = arith.cmpi ne, %convert_element_type3A_141, %cond3A : i32
    scf.if %cond3A_142 {
      %mul3A_200 = arith.constant 2048 : i32
      %mul3A_201 = arith.muli %select_n3A, %mul3A_200 : i32
      %dma_start3A = arith.constant 0 : i32
      %dma_start3A_202 = arith.constant 0 : i32
      %dma_start3A_203 = tpu.memref_slice %arg18[%dma_start3A_202] : memref<2x!tpu.dma_semaphore, #tpu.memory_space<semaphore_mem>> -> memref<1x!tpu.dma_semaphore, #tpu.memory_space<semaphore_mem>>
      %dma_start3A_204 = tpu.memref_squeeze %dma_start3A_203 : memref<1x!tpu.dma_semaphore, #tpu.memory_space<semaphore_mem>> -> memref<!tpu.dma_semaphore, #tpu.memory_space<semaphore_mem>>
      %dma_start3A_205 = arith.constant 0 : i32
      %dma_start3A_206 = arith.constant 0 : i32
      %dma_start3A_207 = tpu.memref_slice %arg9[%dma_start3A, %dma_start3A_205, %dma_start3A_206] : memref<2x2048x128xf32, #tpu.memory_space<vmem>> -> memref<1x2048x128xf32, #tpu.memory_space<vmem>>
      %dma_start3A_208 = tpu.memref_squeeze %dma_start3A_207 : memref<1x2048x128xf32, #tpu.memory_space<vmem>> -> memref<2048x128xf32, #tpu.memory_space<vmem>>
      %dma_start3A_209 = arith.constant 0 : i32
      %dma_start3A_210 = tpu.memref_slice %arg4[%mul3A_201, %dma_start3A_209] : memref<323584x128xf32, #tpu.memory_space<any>> -> memref<2048x128xf32, #tpu.memory_space<any>>
      tpu.enqueue_dma source(%dma_start3A_210 : memref<2048x128xf32, #tpu.memory_space<any>>) target(%dma_start3A_208 : memref<2048x128xf32, #tpu.memory_space<vmem>>) target_semaphore(%dma_start3A_204 : memref<!tpu.dma_semaphore, #tpu.memory_space<semaphore_mem>>)
      %mul3A_211 = arith.constant 2048 : i32
      %mul3A_212 = arith.muli %select_n3A, %mul3A_211 : i32
      %dma_start3A_213 = arith.constant 0 : i32
      %dma_start3A_214 = arith.constant 0 : i32
      %dma_start3A_215 = tpu.memref_slice %arg19[%dma_start3A_214] : memref<2x!tpu.dma_semaphore, #tpu.memory_space<semaphore_mem>> -> memref<1x!tpu.dma_semaphore, #tpu.memory_space<semaphore_mem>>
      %dma_start3A_216 = tpu.memref_squeeze %dma_start3A_215 : memref<1x!tpu.dma_semaphore, #tpu.memory_space<semaphore_mem>> -> memref<!tpu.dma_semaphore, #tpu.memory_space<semaphore_mem>>
      %dma_start3A_217 = arith.constant 0 : i32
      %dma_start3A_218 = arith.constant 0 : i32
      %dma_start3A_219 = tpu.memref_slice %arg10[%dma_start3A_213, %dma_start3A_217, %dma_start3A_218] : memref<2x2048x1xi32, #tpu.memory_space<vmem>> -> memref<1x2048x1xi32, #tpu.memory_space<vmem>>
      %dma_start3A_220 = tpu.memref_squeeze %dma_start3A_219 : memref<1x2048x1xi32, #tpu.memory_space<vmem>> -> memref<2048x1xi32, #tpu.memory_space<vmem>>
      %dma_start3A_221 = arith.constant 0 : i32
      %dma_start3A_222 = tpu.memref_slice %arg5[%mul3A_212, %dma_start3A_221] : memref<323584x1xi32, #tpu.memory_space<any>> -> memref<2048x1xi32, #tpu.memory_space<any>>
      tpu.enqueue_dma source(%dma_start3A_222 : memref<2048x1xi32, #tpu.memory_space<any>>) target(%dma_start3A_220 : memref<2048x1xi32, #tpu.memory_space<vmem>>) target_semaphore(%dma_start3A_216 : memref<!tpu.dma_semaphore, #tpu.memory_space<semaphore_mem>>)
    } else {
    }
    %while3A = arith.constant 0 : i32
    %while3A_143 = arith.subi %select_n3A_49, %select_n3A : i32
    %while3A_144 = arith.addi %select_n3A, %while3A_143 : i32
    %while3A_145 = arith.constant 1 : i32
    %while3A_146 = arith.divsi %while3A_143, %while3A_145 : i32
    %while3A_147 = arith.muli %while3A_146, %while3A_145 : i32
    %while3A_148 = arith.addi %select_n3A, %while3A_147 : i32
    %while3A_149 = arith.constant 1 : i32
    scf.for %while3A_200 = %select_n3A to %while3A_148 step %while3A_149  : i32 {
      %sub3A_201 = arith.subi %while3A_200, %select_n3A : i32
      %rem3A_202 = arith.constant 2 : i32
      %rem3A_203 = arith.remsi %sub3A_201, %rem3A_202 : i32
      %mul3A_204 = arith.constant 2048 : i32
      %mul3A_205 = arith.muli %while3A_200, %mul3A_204 : i32
      %dma_wait3A = tpu.memref_slice %arg18[%rem3A_203] : memref<2x!tpu.dma_semaphore, #tpu.memory_space<semaphore_mem>> -> memref<1x!tpu.dma_semaphore, #tpu.memory_space<semaphore_mem>>
      %dma_wait3A_206 = tpu.memref_squeeze %dma_wait3A : memref<1x!tpu.dma_semaphore, #tpu.memory_space<semaphore_mem>> -> memref<!tpu.dma_semaphore, #tpu.memory_space<semaphore_mem>>
      %dma_wait3A_207 = arith.constant 0 : i32
      %dma_wait3A_208 = arith.constant 0 : i32
      %dma_wait3A_209 = tpu.memref_slice %arg9[%rem3A_203, %dma_wait3A_207, %dma_wait3A_208] : memref<2x2048x128xf32, #tpu.memory_space<vmem>> -> memref<1x2048x128xf32, #tpu.memory_space<vmem>>
      %dma_wait3A_210 = tpu.memref_squeeze %dma_wait3A_209 : memref<1x2048x128xf32, #tpu.memory_space<vmem>> -> memref<2048x128xf32, #tpu.memory_space<vmem>>
      %dma_wait3A_211 = arith.constant 0 : i32
      %dma_wait3A_212 = tpu.memref_slice %arg4[%mul3A_205, %dma_wait3A_211] : memref<323584x128xf32, #tpu.memory_space<any>> -> memref<2048x128xf32, #tpu.memory_space<any>>
      tpu.wait_dma2 semaphore(%dma_wait3A_206 : memref<!tpu.dma_semaphore, #tpu.memory_space<semaphore_mem>>) src(%dma_wait3A_212 : memref<2048x128xf32, #tpu.memory_space<any>>) dst(%dma_wait3A_210 : memref<2048x128xf32, #tpu.memory_space<vmem>>)
      %mul3A_213 = arith.constant 2048 : i32
      %mul3A_214 = arith.muli %while3A_200, %mul3A_213 : i32
      %dma_wait3A_215 = tpu.memref_slice %arg19[%rem3A_203] : memref<2x!tpu.dma_semaphore, #tpu.memory_space<semaphore_mem>> -> memref<1x!tpu.dma_semaphore, #tpu.memory_space<semaphore_mem>>
      %dma_wait3A_216 = tpu.memref_squeeze %dma_wait3A_215 : memref<1x!tpu.dma_semaphore, #tpu.memory_space<semaphore_mem>> -> memref<!tpu.dma_semaphore, #tpu.memory_space<semaphore_mem>>
      %dma_wait3A_217 = arith.constant 0 : i32
      %dma_wait3A_218 = arith.constant 0 : i32
      %dma_wait3A_219 = tpu.memref_slice %arg10[%rem3A_203, %dma_wait3A_217, %dma_wait3A_218] : memref<2x2048x1xi32, #tpu.memory_space<vmem>> -> memref<1x2048x1xi32, #tpu.memory_space<vmem>>
      %dma_wait3A_220 = tpu.memref_squeeze %dma_wait3A_219 : memref<1x2048x1xi32, #tpu.memory_space<vmem>> -> memref<2048x1xi32, #tpu.memory_space<vmem>>
      %dma_wait3A_221 = arith.constant 0 : i32
      %dma_wait3A_222 = tpu.memref_slice %arg5[%mul3A_214, %dma_wait3A_221] : memref<323584x1xi32, #tpu.memory_space<any>> -> memref<2048x1xi32, #tpu.memory_space<any>>
      tpu.wait_dma2 semaphore(%dma_wait3A_216 : memref<!tpu.dma_semaphore, #tpu.memory_space<semaphore_mem>>) src(%dma_wait3A_222 : memref<2048x1xi32, #tpu.memory_space<any>>) dst(%dma_wait3A_220 : memref<2048x1xi32, #tpu.memory_space<vmem>>)
      %add3A_223 = arith.constant 1 : i32
      %add3A_224 = arith.addi %while3A_200, %add3A_223 : i32
      %lt3A = arith.cmpi slt, %add3A_224, %select_n3A_49 : i32
      %convert_element_type3A_225 = arith.extui %lt3A : i1 to i32
      %cond3A_226 = arith.constant 0 : i32
      %cond3A_227 = arith.cmpi ne, %convert_element_type3A_225, %cond3A_226 : i32
      scf.if %cond3A_227 {
        %sub3A_289 = arith.constant 1 : i32
        %sub3A_290 = arith.subi %sub3A_289, %rem3A_203 : i32
        %add3A_291 = arith.constant 1 : i32
        %add3A_292 = arith.addi %while3A_200, %add3A_291 : i32
        %mul3A_293 = arith.constant 2048 : i32
        %mul3A_294 = arith.muli %add3A_292, %mul3A_293 : i32
        %dma_start3A_295 = tpu.memref_slice %arg18[%sub3A_290] : memref<2x!tpu.dma_semaphore, #tpu.memory_space<semaphore_mem>> -> memref<1x!tpu.dma_semaphore, #tpu.memory_space<semaphore_mem>>
        %dma_start3A_296 = tpu.memref_squeeze %dma_start3A_295 : memref<1x!tpu.dma_semaphore, #tpu.memory_space<semaphore_mem>> -> memref<!tpu.dma_semaphore, #tpu.memory_space<semaphore_mem>>
        %dma_start3A_297 = arith.constant 0 : i32
        %dma_start3A_298 = arith.constant 0 : i32
        %dma_start3A_299 = tpu.memref_slice %arg9[%sub3A_290, %dma_start3A_297, %dma_start3A_298] : memref<2x2048x128xf32, #tpu.memory_space<vmem>> -> memref<1x2048x128xf32, #tpu.memory_space<vmem>>
        %dma_start3A_300 = tpu.memref_squeeze %dma_start3A_299 : memref<1x2048x128xf32, #tpu.memory_space<vmem>> -> memref<2048x128xf32, #tpu.memory_space<vmem>>
        %dma_start3A_301 = arith.constant 0 : i32
        %dma_start3A_302 = tpu.memref_slice %arg4[%mul3A_294, %dma_start3A_301] : memref<323584x128xf32, #tpu.memory_space<any>> -> memref<2048x128xf32, #tpu.memory_space<any>>
        tpu.enqueue_dma source(%dma_start3A_302 : memref<2048x128xf32, #tpu.memory_space<any>>) target(%dma_start3A_300 : memref<2048x128xf32, #tpu.memory_space<vmem>>) target_semaphore(%dma_start3A_296 : memref<!tpu.dma_semaphore, #tpu.memory_space<semaphore_mem>>)
        %add3A_303 = arith.constant 1 : i32
        %add3A_304 = arith.addi %while3A_200, %add3A_303 : i32
        %mul3A_305 = arith.constant 2048 : i32
        %mul3A_306 = arith.muli %add3A_304, %mul3A_305 : i32
        %dma_start3A_307 = tpu.memref_slice %arg19[%sub3A_290] : memref<2x!tpu.dma_semaphore, #tpu.memory_space<semaphore_mem>> -> memref<1x!tpu.dma_semaphore, #tpu.memory_space<semaphore_mem>>
        %dma_start3A_308 = tpu.memref_squeeze %dma_start3A_307 : memref<1x!tpu.dma_semaphore, #tpu.memory_space<semaphore_mem>> -> memref<!tpu.dma_semaphore, #tpu.memory_space<semaphore_mem>>
        %dma_start3A_309 = arith.constant 0 : i32
        %dma_start3A_310 = arith.constant 0 : i32
        %dma_start3A_311 = tpu.memref_slice %arg10[%sub3A_290, %dma_start3A_309, %dma_start3A_310] : memref<2x2048x1xi32, #tpu.memory_space<vmem>> -> memref<1x2048x1xi32, #tpu.memory_space<vmem>>
        %dma_start3A_312 = tpu.memref_squeeze %dma_start3A_311 : memref<1x2048x1xi32, #tpu.memory_space<vmem>> -> memref<2048x1xi32, #tpu.memory_space<vmem>>
        %dma_start3A_313 = arith.constant 0 : i32
        %dma_start3A_314 = tpu.memref_slice %arg5[%mul3A_306, %dma_start3A_313] : memref<323584x1xi32, #tpu.memory_space<any>> -> memref<2048x1xi32, #tpu.memory_space<any>>
        tpu.enqueue_dma source(%dma_start3A_314 : memref<2048x1xi32, #tpu.memory_space<any>>) target(%dma_start3A_312 : memref<2048x1xi32, #tpu.memory_space<vmem>>) target_semaphore(%dma_start3A_308 : memref<!tpu.dma_semaphore, #tpu.memory_space<semaphore_mem>>)
      } else {
      }
      %mul3A_228 = arith.constant 2048 : i32
      %mul3A_229 = arith.muli %while3A_200, %mul3A_228 : i32
      %get3A_230 = arith.index_cast %rem3A_203 : i32 to index
      %get3A_231 = arith.constant 0 : index
      %get3A_232 = arith.constant 0 : index
      %get3A_233 = vector.load %arg10[%get3A_230, %get3A_231, %get3A_232] : memref<2x2048x1xi32, #tpu.memory_space<vmem>>, vector<1x2048x1xi32>
      %get3A_234 = vector.shape_cast %get3A_233 : vector<1x2048x1xi32> to vector<2048x1xi32>
      %sub3A_235 = vector.broadcast %mul3A_0 : i32 to vector<2048x1xi32>
      %sub3A_236 = arith.subi %get3A_234, %sub3A_235 : vector<2048x1xi32>
      %iota3A_237 = tpu.iota {dimensions = array<i32: 0>} : vector<2048x1xi32>
      %add3A_238 = vector.broadcast %mul3A_229 : i32 to vector<2048x1xi32>
      %add3A_239 = arith.addi %add3A_238, %iota3A_237 : vector<2048x1xi32>
      %ge3A = vector.broadcast %get3A_1 : i32 to vector<2048x1xi32>
      %ge3A_240 = arith.cmpi sge, %add3A_239, %ge3A : vector<2048x1xi32>
      %lt3A_241 = vector.broadcast %get3A_4 : i32 to vector<2048x1xi32>
      %lt3A_242 = arith.cmpi slt, %add3A_239, %lt3A_241 : vector<2048x1xi32>
      %and3A_243 = arith.andi %ge3A_240, %lt3A_242 : vector<2048x1xi1>
      %iota3A_244 = tpu.iota {dimensions = array<i32: 1>} : vector<2048x128xi32>
      %eq3A_245 = vector.broadcast %sub3A_236 : vector<2048x1xi32> to vector<2048x128xi32>
      %eq3A_246 = arith.cmpi eq, %eq3A_245, %iota3A_244 : vector<2048x128xi32>
      %and3A_247 = vector.broadcast %and3A_243 : vector<2048x1xi1> to vector<2048x128xi1>
      %and3A_248 = arith.andi %eq3A_246, %and3A_247 : vector<2048x128xi1>
      %convert_element_type3A_249 = arith.extui %and3A_248 : vector<2048x128xi1> to vector<2048x128xi32>
      %convert_element_type3A_250 = arith.sitofp %convert_element_type3A_249 : vector<2048x128xi32> to vector<2048x128xf32>
      %dot_general3A_251 = arith.constant dense<0.000000e+00> : vector<2048x128xf32>
      %dot_general3A_252 = tpu.matmul %convert_element_type3A_250, %get3A_121, %dot_general3A_251 {dimension_numbers = #tpu.dot_dimension_numbers<[1], [0], [0], [1], [0, 0, 1, 1], [], []>, transpose_lhs_hint = false} : vector<2048x128xf32>, vector<128x128xf32>, vector<2048x128xf32> -> vector<2048x128xf32>
      %get3A_253 = arith.index_cast %rem3A_203 : i32 to index
      %get3A_254 = arith.constant 0 : index
      %get3A_255 = arith.constant 0 : index
      %get3A_256 = vector.load %arg9[%get3A_253, %get3A_254, %get3A_255] : memref<2x2048x128xf32, #tpu.memory_space<vmem>>, vector<1x2048x128xf32>
      %get3A_257 = vector.shape_cast %get3A_256 : vector<1x2048x128xf32> to vector<2048x128xf32>
      %mul3A_258 = arith.mulf %dot_general3A_252, %get3A_257 : vector<2048x128xf32>
      %dot_general3A_259 = arith.constant dense<0.000000e+00> : vector<2048x8xf32>
      %dot_general3A_260 = tpu.matmul %mul3A_258, %convert_element_type3A_82, %dot_general3A_259 {dimension_numbers = #tpu.dot_dimension_numbers<[1], [0], [0], [1], [0, 0, 1, 1], [], []>, transpose_lhs_hint = false} : vector<2048x128xf32>, vector<128x8xf32>, vector<2048x8xf32> -> vector<2048x8xf32>
      %swap3A_261 = arith.constant 0 : index
      %swap3A_262 = arith.constant 0 : index
      %swap3A_263 = vector.load %arg13[%swap3A_261, %swap3A_262] : memref<2048x8xf32, #tpu.memory_space<vmem>>, vector<2048x8xf32>
      tpu.vector_store %arg13[%swap3A_261, %swap3A_262], %dot_general3A_260 {strides = array<i32>} : memref<2048x8xf32, #tpu.memory_space<vmem>>, vector<2048x8xf32>,
      %mul3A_264 = arith.constant 2048 : i32
      %mul3A_265 = arith.muli %while3A_200, %mul3A_264 : i32
      %dma_start3A = arith.constant 0 : i32
      %dma_start3A_266 = tpu.memref_slice %arg8[%mul3A_265, %dma_start3A] : memref<323584x8xf32, #tpu.memory_space<any>> -> memref<2048x8xf32, #tpu.memory_space<any>>
      tpu.enqueue_dma source(%arg13 : memref<2048x8xf32, #tpu.memory_space<vmem>>) target(%dma_start3A_266 : memref<2048x8xf32, #tpu.memory_space<any>>) target_semaphore(%arg22 : memref<!tpu.dma_semaphore, #tpu.memory_space<semaphore_mem>>)
      %get3A_267 = arith.constant 0 : index
      %get3A_268 = arith.constant 0 : index
      %get3A_269 = vector.load %arg14[%get3A_267, %get3A_268] : memref<8x128xf32, #tpu.memory_space<vmem>>, vector<8x128xf32>
      %dot_general3A_270 = arith.constant dense<0.000000e+00> : vector<2048x8xf32>
      %dot_general3A_271 = tpu.matmul %convert_element_type3A_250, %get3A_269, %dot_general3A_270 {dimension_numbers = #tpu.dot_dimension_numbers<[1], [1], [0], [0], [0, 0, 1, 0], [], []>, transpose_lhs_hint = false} : vector<2048x128xf32>, vector<8x128xf32>, vector<2048x8xf32> -> vector<2048x8xf32>
      %sub3A_272 = arith.subf %dot_general3A_260, %dot_general3A_271 : vector<2048x8xf32>
      %exp3A = math.exp %sub3A_272 : vector<2048x8xf32>
      %jit3A_273 = arith.constant 0.000000e+00 : f32
      %broadcast_in_dim3A_274 = vector.shape_cast %and3A_243 : vector<2048x1xi1> to vector<2048x1xi1>
      %broadcast_in_dim3A_275 = vector.broadcast %broadcast_in_dim3A_274 : vector<2048x1xi1> to vector<2048x8xi1>
      %broadcast_in_dim3A_276 = vector.broadcast %jit3A_273 : f32 to vector<2048x8xf32>
      %select_n3A_277 = arith.select %broadcast_in_dim3A_275, %exp3A, %broadcast_in_dim3A_276 : vector<2048x8xi1>, vector<2048x8xf32>
      %get3A_278 = arith.constant 0 : index
      %get3A_279 = arith.constant 0 : index
      %get3A_280 = vector.load %arg15[%get3A_278, %get3A_279] : memref<8x128xf32, #tpu.memory_space<vmem>>, vector<8x128xf32>
      %dot_general3A_281 = arith.constant dense<0.000000e+00> : vector<8x128xf32>
      %dot_general3A_282 = tpu.matmul %select_n3A_277, %convert_element_type3A_250, %dot_general3A_281 {dimension_numbers = #tpu.dot_dimension_numbers<[0], [0], [1], [1], [0, 1, 1, 1], [], []>, transpose_lhs_hint = false} : vector<2048x8xf32>, vector<2048x128xf32>, vector<8x128xf32> -> vector<8x128xf32>
      %add3A_283 = arith.addf %get3A_280, %dot_general3A_282 : vector<8x128xf32>
      %swap3A_284 = arith.constant 0 : index
      %swap3A_285 = arith.constant 0 : index
      %swap3A_286 = vector.load %arg15[%swap3A_284, %swap3A_285] : memref<8x128xf32, #tpu.memory_space<vmem>>, vector<8x128xf32>
      tpu.vector_store %arg15[%swap3A_284, %swap3A_285], %add3A_283 {strides = array<i32>} : memref<8x128xf32, #tpu.memory_space<vmem>>, vector<8x128xf32>,
      %dma_wait3A_287 = arith.constant 0 : i32
      %dma_wait3A_288 = tpu.memref_slice %arg8[%mul3A_265, %dma_wait3A_287] : memref<323584x8xf32, #tpu.memory_space<any>> -> memref<2048x8xf32, #tpu.memory_space<any>>
      tpu.wait_dma2 semaphore(%arg22 : memref<!tpu.dma_semaphore, #tpu.memory_space<semaphore_mem>>) src(%arg13 : memref<2048x8xf32, #tpu.memory_space<vmem>>) dst(%dma_wait3A_288 : memref<2048x8xf32, #tpu.memory_space<any>>)
    }
    %while3A_150 = arith.constant 1 : i32
    scf.for %while3A_200 = %while3A_148 to %while3A_144 step %while3A_150  : i32 {
      %sub3A_201 = arith.subi %while3A_200, %select_n3A : i32
      %rem3A_202 = arith.constant 2 : i32
      %rem3A_203 = arith.remsi %sub3A_201, %rem3A_202 : i32
      %mul3A_204 = arith.constant 2048 : i32
      %mul3A_205 = arith.muli %while3A_200, %mul3A_204 : i32
      %dma_wait3A = tpu.memref_slice %arg18[%rem3A_203] : memref<2x!tpu.dma_semaphore, #tpu.memory_space<semaphore_mem>> -> memref<1x!tpu.dma_semaphore, #tpu.memory_space<semaphore_mem>>
      %dma_wait3A_206 = tpu.memref_squeeze %dma_wait3A : memref<1x!tpu.dma_semaphore, #tpu.memory_space<semaphore_mem>> -> memref<!tpu.dma_semaphore, #tpu.memory_space<semaphore_mem>>
      %dma_wait3A_207 = arith.constant 0 : i32
      %dma_wait3A_208 = arith.constant 0 : i32
      %dma_wait3A_209 = tpu.memref_slice %arg9[%rem3A_203, %dma_wait3A_207, %dma_wait3A_208] : memref<2x2048x128xf32, #tpu.memory_space<vmem>> -> memref<1x2048x128xf32, #tpu.memory_space<vmem>>
      %dma_wait3A_210 = tpu.memref_squeeze %dma_wait3A_209 : memref<1x2048x128xf32, #tpu.memory_space<vmem>> -> memref<2048x128xf32, #tpu.memory_space<vmem>>
      %dma_wait3A_211 = arith.constant 0 : i32
      %dma_wait3A_212 = tpu.memref_slice %arg4[%mul3A_205, %dma_wait3A_211] : memref<323584x128xf32, #tpu.memory_space<any>> -> memref<2048x128xf32, #tpu.memory_space<any>>
      tpu.wait_dma2 semaphore(%dma_wait3A_206 : memref<!tpu.dma_semaphore, #tpu.memory_space<semaphore_mem>>) src(%dma_wait3A_212 : memref<2048x128xf32, #tpu.memory_space<any>>) dst(%dma_wait3A_210 : memref<2048x128xf32, #tpu.memory_space<vmem>>)
      %mul3A_213 = arith.constant 2048 : i32
      %mul3A_214 = arith.muli %while3A_200, %mul3A_213 : i32
      %dma_wait3A_215 = tpu.memref_slice %arg19[%rem3A_203] : memref<2x!tpu.dma_semaphore, #tpu.memory_space<semaphore_mem>> -> memref<1x!tpu.dma_semaphore, #tpu.memory_space<semaphore_mem>>
      %dma_wait3A_216 = tpu.memref_squeeze %dma_wait3A_215 : memref<1x!tpu.dma_semaphore, #tpu.memory_space<semaphore_mem>> -> memref<!tpu.dma_semaphore, #tpu.memory_space<semaphore_mem>>
      %dma_wait3A_217 = arith.constant 0 : i32
      %dma_wait3A_218 = arith.constant 0 : i32
      %dma_wait3A_219 = tpu.memref_slice %arg10[%rem3A_203, %dma_wait3A_217, %dma_wait3A_218] : memref<2x2048x1xi32, #tpu.memory_space<vmem>> -> memref<1x2048x1xi32, #tpu.memory_space<vmem>>
      %dma_wait3A_220 = tpu.memref_squeeze %dma_wait3A_219 : memref<1x2048x1xi32, #tpu.memory_space<vmem>> -> memref<2048x1xi32, #tpu.memory_space<vmem>>
      %dma_wait3A_221 = arith.constant 0 : i32
      %dma_wait3A_222 = tpu.memref_slice %arg5[%mul3A_214, %dma_wait3A_221] : memref<323584x1xi32, #tpu.memory_space<any>> -> memref<2048x1xi32, #tpu.memory_space<any>>
      tpu.wait_dma2 semaphore(%dma_wait3A_216 : memref<!tpu.dma_semaphore, #tpu.memory_space<semaphore_mem>>) src(%dma_wait3A_222 : memref<2048x1xi32, #tpu.memory_space<any>>) dst(%dma_wait3A_220 : memref<2048x1xi32, #tpu.memory_space<vmem>>)
      %add3A_223 = arith.constant 1 : i32
      %add3A_224 = arith.addi %while3A_200, %add3A_223 : i32
      %lt3A = arith.cmpi slt, %add3A_224, %select_n3A_49 : i32
      %convert_element_type3A_225 = arith.extui %lt3A : i1 to i32
      %cond3A_226 = arith.constant 0 : i32
      %cond3A_227 = arith.cmpi ne, %convert_element_type3A_225, %cond3A_226 : i32
      scf.if %cond3A_227 {
        %sub3A_289 = arith.constant 1 : i32
        %sub3A_290 = arith.subi %sub3A_289, %rem3A_203 : i32
        %add3A_291 = arith.constant 1 : i32
        %add3A_292 = arith.addi %while3A_200, %add3A_291 : i32
        %mul3A_293 = arith.constant 2048 : i32
        %mul3A_294 = arith.muli %add3A_292, %mul3A_293 : i32
        %dma_start3A_295 = tpu.memref_slice %arg18[%sub3A_290] : memref<2x!tpu.dma_semaphore, #tpu.memory_space<semaphore_mem>> -> memref<1x!tpu.dma_semaphore, #tpu.memory_space<semaphore_mem>>
        %dma_start3A_296 = tpu.memref_squeeze %dma_start3A_295 : memref<1x!tpu.dma_semaphore, #tpu.memory_space<semaphore_mem>> -> memref<!tpu.dma_semaphore, #tpu.memory_space<semaphore_mem>>
        %dma_start3A_297 = arith.constant 0 : i32
        %dma_start3A_298 = arith.constant 0 : i32
        %dma_start3A_299 = tpu.memref_slice %arg9[%sub3A_290, %dma_start3A_297, %dma_start3A_298] : memref<2x2048x128xf32, #tpu.memory_space<vmem>> -> memref<1x2048x128xf32, #tpu.memory_space<vmem>>
        %dma_start3A_300 = tpu.memref_squeeze %dma_start3A_299 : memref<1x2048x128xf32, #tpu.memory_space<vmem>> -> memref<2048x128xf32, #tpu.memory_space<vmem>>
        %dma_start3A_301 = arith.constant 0 : i32
        %dma_start3A_302 = tpu.memref_slice %arg4[%mul3A_294, %dma_start3A_301] : memref<323584x128xf32, #tpu.memory_space<any>> -> memref<2048x128xf32, #tpu.memory_space<any>>
        tpu.enqueue_dma source(%dma_start3A_302 : memref<2048x128xf32, #tpu.memory_space<any>>) target(%dma_start3A_300 : memref<2048x128xf32, #tpu.memory_space<vmem>>) target_semaphore(%dma_start3A_296 : memref<!tpu.dma_semaphore, #tpu.memory_space<semaphore_mem>>)
        %add3A_303 = arith.constant 1 : i32
        %add3A_304 = arith.addi %while3A_200, %add3A_303 : i32
        %mul3A_305 = arith.constant 2048 : i32
        %mul3A_306 = arith.muli %add3A_304, %mul3A_305 : i32
        %dma_start3A_307 = tpu.memref_slice %arg19[%sub3A_290] : memref<2x!tpu.dma_semaphore, #tpu.memory_space<semaphore_mem>> -> memref<1x!tpu.dma_semaphore, #tpu.memory_space<semaphore_mem>>
        %dma_start3A_308 = tpu.memref_squeeze %dma_start3A_307 : memref<1x!tpu.dma_semaphore, #tpu.memory_space<semaphore_mem>> -> memref<!tpu.dma_semaphore, #tpu.memory_space<semaphore_mem>>
        %dma_start3A_309 = arith.constant 0 : i32
        %dma_start3A_310 = arith.constant 0 : i32
        %dma_start3A_311 = tpu.memref_slice %arg10[%sub3A_290, %dma_start3A_309, %dma_start3A_310] : memref<2x2048x1xi32, #tpu.memory_space<vmem>> -> memref<1x2048x1xi32, #tpu.memory_space<vmem>>
        %dma_start3A_312 = tpu.memref_squeeze %dma_start3A_311 : memref<1x2048x1xi32, #tpu.memory_space<vmem>> -> memref<2048x1xi32, #tpu.memory_space<vmem>>
        %dma_start3A_313 = arith.constant 0 : i32
        %dma_start3A_314 = tpu.memref_slice %arg5[%mul3A_306, %dma_start3A_313] : memref<323584x1xi32, #tpu.memory_space<any>> -> memref<2048x1xi32, #tpu.memory_space<any>>
        tpu.enqueue_dma source(%dma_start3A_314 : memref<2048x1xi32, #tpu.memory_space<any>>) target(%dma_start3A_312 : memref<2048x1xi32, #tpu.memory_space<vmem>>) target_semaphore(%dma_start3A_308 : memref<!tpu.dma_semaphore, #tpu.memory_space<semaphore_mem>>)
      } else {
      }
      %mul3A_228 = arith.constant 2048 : i32
      %mul3A_229 = arith.muli %while3A_200, %mul3A_228 : i32
      %get3A_230 = arith.index_cast %rem3A_203 : i32 to index
      %get3A_231 = arith.constant 0 : index
      %get3A_232 = arith.constant 0 : index
      %get3A_233 = vector.load %arg10[%get3A_230, %get3A_231, %get3A_232] : memref<2x2048x1xi32, #tpu.memory_space<vmem>>, vector<1x2048x1xi32>
      %get3A_234 = vector.shape_cast %get3A_233 : vector<1x2048x1xi32> to vector<2048x1xi32>
      %sub3A_235 = vector.broadcast %mul3A_0 : i32 to vector<2048x1xi32>
      %sub3A_236 = arith.subi %get3A_234, %sub3A_235 : vector<2048x1xi32>
      %iota3A_237 = tpu.iota {dimensions = array<i32: 0>} : vector<2048x1xi32>
      %add3A_238 = vector.broadcast %mul3A_229 : i32 to vector<2048x1xi32>
      %add3A_239 = arith.addi %add3A_238, %iota3A_237 : vector<2048x1xi32>
      %ge3A = vector.broadcast %get3A_1 : i32 to vector<2048x1xi32>
      %ge3A_240 = arith.cmpi sge, %add3A_239, %ge3A : vector<2048x1xi32>
      %lt3A_241 = vector.broadcast %get3A_4 : i32 to vector<2048x1xi32>
      %lt3A_242 = arith.cmpi slt, %add3A_239, %lt3A_241 : vector<2048x1xi32>
      %and3A_243 = arith.andi %ge3A_240, %lt3A_242 : vector<2048x1xi1>
      %iota3A_244 = tpu.iota {dimensions = array<i32: 1>} : vector<2048x128xi32>
      %eq3A_245 = vector.broadcast %sub3A_236 : vector<2048x1xi32> to vector<2048x128xi32>
      %eq3A_246 = arith.cmpi eq, %eq3A_245, %iota3A_244 : vector<2048x128xi32>
      %and3A_247 = vector.broadcast %and3A_243 : vector<2048x1xi1> to vector<2048x128xi1>
      %and3A_248 = arith.andi %eq3A_246, %and3A_247 : vector<2048x128xi1>
      %convert_element_type3A_249 = arith.extui %and3A_248 : vector<2048x128xi1> to vector<2048x128xi32>
      %convert_element_type3A_250 = arith.sitofp %convert_element_type3A_249 : vector<2048x128xi32> to vector<2048x128xf32>
      %dot_general3A_251 = arith.constant dense<0.000000e+00> : vector<2048x128xf32>
      %dot_general3A_252 = tpu.matmul %convert_element_type3A_250, %get3A_121, %dot_general3A_251 {dimension_numbers = #tpu.dot_dimension_numbers<[1], [0], [0], [1], [0, 0, 1, 1], [], []>, transpose_lhs_hint = false} : vector<2048x128xf32>, vector<128x128xf32>, vector<2048x128xf32> -> vector<2048x128xf32>
      %get3A_253 = arith.index_cast %rem3A_203 : i32 to index
      %get3A_254 = arith.constant 0 : index
      %get3A_255 = arith.constant 0 : index
      %get3A_256 = vector.load %arg9[%get3A_253, %get3A_254, %get3A_255] : memref<2x2048x128xf32, #tpu.memory_space<vmem>>, vector<1x2048x128xf32>
      %get3A_257 = vector.shape_cast %get3A_256 : vector<1x2048x128xf32> to vector<2048x128xf32>
      %mul3A_258 = arith.mulf %dot_general3A_252, %get3A_257 : vector<2048x128xf32>
      %dot_general3A_259 = arith.constant dense<0.000000e+00> : vector<2048x8xf32>
      %dot_general3A_260 = tpu.matmul %mul3A_258, %convert_element_type3A_82, %dot_general3A_259 {dimension_numbers = #tpu.dot_dimension_numbers<[1], [0], [0], [1], [0, 0, 1, 1], [], []>, transpose_lhs_hint = false} : vector<2048x128xf32>, vector<128x8xf32>, vector<2048x8xf32> -> vector<2048x8xf32>
      %swap3A_261 = arith.constant 0 : index
      %swap3A_262 = arith.constant 0 : index
      %swap3A_263 = vector.load %arg13[%swap3A_261, %swap3A_262] : memref<2048x8xf32, #tpu.memory_space<vmem>>, vector<2048x8xf32>
      tpu.vector_store %arg13[%swap3A_261, %swap3A_262], %dot_general3A_260 {strides = array<i32>} : memref<2048x8xf32, #tpu.memory_space<vmem>>, vector<2048x8xf32>,
      %mul3A_264 = arith.constant 2048 : i32
      %mul3A_265 = arith.muli %while3A_200, %mul3A_264 : i32
      %dma_start3A = arith.constant 0 : i32
      %dma_start3A_266 = tpu.memref_slice %arg8[%mul3A_265, %dma_start3A] : memref<323584x8xf32, #tpu.memory_space<any>> -> memref<2048x8xf32, #tpu.memory_space<any>>
      tpu.enqueue_dma source(%arg13 : memref<2048x8xf32, #tpu.memory_space<vmem>>) target(%dma_start3A_266 : memref<2048x8xf32, #tpu.memory_space<any>>) target_semaphore(%arg22 : memref<!tpu.dma_semaphore, #tpu.memory_space<semaphore_mem>>)
      %get3A_267 = arith.constant 0 : index
      %get3A_268 = arith.constant 0 : index
      %get3A_269 = vector.load %arg14[%get3A_267, %get3A_268] : memref<8x128xf32, #tpu.memory_space<vmem>>, vector<8x128xf32>
      %dot_general3A_270 = arith.constant dense<0.000000e+00> : vector<2048x8xf32>
      %dot_general3A_271 = tpu.matmul %convert_element_type3A_250, %get3A_269, %dot_general3A_270 {dimension_numbers = #tpu.dot_dimension_numbers<[1], [1], [0], [0], [0, 0, 1, 0], [], []>, transpose_lhs_hint = false} : vector<2048x128xf32>, vector<8x128xf32>, vector<2048x8xf32> -> vector<2048x8xf32>
      %sub3A_272 = arith.subf %dot_general3A_260, %dot_general3A_271 : vector<2048x8xf32>
      %exp3A = math.exp %sub3A_272 : vector<2048x8xf32>
      %jit3A_273 = arith.constant 0.000000e+00 : f32
      %broadcast_in_dim3A_274 = vector.shape_cast %and3A_243 : vector<2048x1xi1> to vector<2048x1xi1>
      %broadcast_in_dim3A_275 = vector.broadcast %broadcast_in_dim3A_274 : vector<2048x1xi1> to vector<2048x8xi1>
      %broadcast_in_dim3A_276 = vector.broadcast %jit3A_273 : f32 to vector<2048x8xf32>
      %select_n3A_277 = arith.select %broadcast_in_dim3A_275, %exp3A, %broadcast_in_dim3A_276 : vector<2048x8xi1>, vector<2048x8xf32>
      %get3A_278 = arith.constant 0 : index
      %get3A_279 = arith.constant 0 : index
      %get3A_280 = vector.load %arg15[%get3A_278, %get3A_279] : memref<8x128xf32, #tpu.memory_space<vmem>>, vector<8x128xf32>
      %dot_general3A_281 = arith.constant dense<0.000000e+00> : vector<8x128xf32>
      %dot_general3A_282 = tpu.matmul %select_n3A_277, %convert_element_type3A_250, %dot_general3A_281 {dimension_numbers = #tpu.dot_dimension_numbers<[0], [0], [1], [1], [0, 1, 1, 1], [], []>, transpose_lhs_hint = false} : vector<2048x8xf32>, vector<2048x128xf32>, vector<8x128xf32> -> vector<8x128xf32>
      %add3A_283 = arith.addf %get3A_280, %dot_general3A_282 : vector<8x128xf32>
      %swap3A_284 = arith.constant 0 : index
      %swap3A_285 = arith.constant 0 : index
      %swap3A_286 = vector.load %arg15[%swap3A_284, %swap3A_285] : memref<8x128xf32, #tpu.memory_space<vmem>>, vector<8x128xf32>
      tpu.vector_store %arg15[%swap3A_284, %swap3A_285], %add3A_283 {strides = array<i32>} : memref<8x128xf32, #tpu.memory_space<vmem>>, vector<8x128xf32>,
      %dma_wait3A_287 = arith.constant 0 : i32
      %dma_wait3A_288 = tpu.memref_slice %arg8[%mul3A_265, %dma_wait3A_287] : memref<323584x8xf32, #tpu.memory_space<any>> -> memref<2048x8xf32, #tpu.memory_space<any>>
      tpu.wait_dma2 semaphore(%arg22 : memref<!tpu.dma_semaphore, #tpu.memory_space<semaphore_mem>>) src(%arg13 : memref<2048x8xf32, #tpu.memory_space<vmem>>) dst(%dma_wait3A_288 : memref<2048x8xf32, #tpu.memory_space<any>>)
    }
    %gt3A_151 = arith.cmpi sgt, %select_n3A_49, %select_n3A : i32
    %convert_element_type3A_152 = arith.extui %gt3A_151 : i1 to i32
    %cond3A_153 = arith.constant 0 : i32
    %cond3A_154 = arith.cmpi ne, %convert_element_type3A_152, %cond3A_153 : i32
    scf.if %cond3A_154 {
      %mul3A_200 = arith.constant 2048 : i32
      %mul3A_201 = arith.muli %select_n3A, %mul3A_200 : i32
      %dma_start3A = arith.constant 0 : i32
      %dma_start3A_202 = arith.constant 0 : i32
      %dma_start3A_203 = tpu.memref_slice %arg21[%dma_start3A_202] : memref<2x!tpu.dma_semaphore, #tpu.memory_space<semaphore_mem>> -> memref<1x!tpu.dma_semaphore, #tpu.memory_space<semaphore_mem>>
      %dma_start3A_204 = tpu.memref_squeeze %dma_start3A_203 : memref<1x!tpu.dma_semaphore, #tpu.memory_space<semaphore_mem>> -> memref<!tpu.dma_semaphore, #tpu.memory_space<semaphore_mem>>
      %dma_start3A_205 = arith.constant 0 : i32
      %dma_start3A_206 = arith.constant 0 : i32
      %dma_start3A_207 = tpu.memref_slice %arg12[%dma_start3A, %dma_start3A_205, %dma_start3A_206] : memref<2x2048x8xf32, #tpu.memory_space<vmem>> -> memref<1x2048x8xf32, #tpu.memory_space<vmem>>
      %dma_start3A_208 = tpu.memref_squeeze %dma_start3A_207 : memref<1x2048x8xf32, #tpu.memory_space<vmem>> -> memref<2048x8xf32, #tpu.memory_space<vmem>>
      %dma_start3A_209 = arith.constant 0 : i32
      %dma_start3A_210 = tpu.memref_slice %arg8[%mul3A_201, %dma_start3A_209] : memref<323584x8xf32, #tpu.memory_space<any>> -> memref<2048x8xf32, #tpu.memory_space<any>>
      tpu.enqueue_dma source(%dma_start3A_210 : memref<2048x8xf32, #tpu.memory_space<any>>) target(%dma_start3A_208 : memref<2048x8xf32, #tpu.memory_space<vmem>>) target_semaphore(%dma_start3A_204 : memref<!tpu.dma_semaphore, #tpu.memory_space<semaphore_mem>>)
      %mul3A_211 = arith.constant 2048 : i32
      %mul3A_212 = arith.muli %select_n3A, %mul3A_211 : i32
      %dma_start3A_213 = arith.constant 0 : i32
      %dma_start3A_214 = arith.constant 0 : i32
      %dma_start3A_215 = tpu.memref_slice %arg19[%dma_start3A_214] : memref<2x!tpu.dma_semaphore, #tpu.memory_space<semaphore_mem>> -> memref<1x!tpu.dma_semaphore, #tpu.memory_space<semaphore_mem>>
      %dma_start3A_216 = tpu.memref_squeeze %dma_start3A_215 : memref<1x!tpu.dma_semaphore, #tpu.memory_space<semaphore_mem>> -> memref<!tpu.dma_semaphore, #tpu.memory_space<semaphore_mem>>
      %dma_start3A_217 = arith.constant 0 : i32
      %dma_start3A_218 = arith.constant 0 : i32
      %dma_start3A_219 = tpu.memref_slice %arg10[%dma_start3A_213, %dma_start3A_217, %dma_start3A_218] : memref<2x2048x1xi32, #tpu.memory_space<vmem>> -> memref<1x2048x1xi32, #tpu.memory_space<vmem>>
      %dma_start3A_220 = tpu.memref_squeeze %dma_start3A_219 : memref<1x2048x1xi32, #tpu.memory_space<vmem>> -> memref<2048x1xi32, #tpu.memory_space<vmem>>
      %dma_start3A_221 = arith.constant 0 : i32
      %dma_start3A_222 = tpu.memref_slice %arg5[%mul3A_212, %dma_start3A_221] : memref<323584x1xi32, #tpu.memory_space<any>> -> memref<2048x1xi32, #tpu.memory_space<any>>
      tpu.enqueue_dma source(%dma_start3A_222 : memref<2048x1xi32, #tpu.memory_space<any>>) target(%dma_start3A_220 : memref<2048x1xi32, #tpu.memory_space<vmem>>) target_semaphore(%dma_start3A_216 : memref<!tpu.dma_semaphore, #tpu.memory_space<semaphore_mem>>)
      %mul3A_223 = arith.constant 2048 : i32
      %mul3A_224 = arith.muli %select_n3A, %mul3A_223 : i32
      %dma_start3A_225 = arith.constant 0 : i32
      %dma_start3A_226 = arith.constant 0 : i32
      %dma_start3A_227 = tpu.memref_slice %arg20[%dma_start3A_226] : memref<2x!tpu.dma_semaphore, #tpu.memory_space<semaphore_mem>> -> memref<1x!tpu.dma_semaphore, #tpu.memory_space<semaphore_mem>>
      %dma_start3A_228 = tpu.memref_squeeze %dma_start3A_227 : memref<1x!tpu.dma_semaphore, #tpu.memory_space<semaphore_mem>> -> memref<!tpu.dma_semaphore, #tpu.memory_space<semaphore_mem>>
      %dma_start3A_229 = arith.constant 0 : i32
      %dma_start3A_230 = arith.constant 0 : i32
      %dma_start3A_231 = tpu.memref_slice %arg11[%dma_start3A_225, %dma_start3A_229, %dma_start3A_230] : memref<2x2048x1xf32, #tpu.memory_space<vmem>> -> memref<1x2048x1xf32, #tpu.memory_space<vmem>>
      %dma_start3A_232 = tpu.memref_squeeze %dma_start3A_231 : memref<1x2048x1xf32, #tpu.memory_space<vmem>> -> memref<2048x1xf32, #tpu.memory_space<vmem>>
      %dma_start3A_233 = arith.constant 0 : i32
      %dma_start3A_234 = tpu.memref_slice %arg6[%mul3A_224, %dma_start3A_233] : memref<323584x1xf32, #tpu.memory_space<any>> -> memref<2048x1xf32, #tpu.memory_space<any>>
      tpu.enqueue_dma source(%dma_start3A_234 : memref<2048x1xf32, #tpu.memory_space<any>>) target(%dma_start3A_232 : memref<2048x1xf32, #tpu.memory_space<vmem>>) target_semaphore(%dma_start3A_228 : memref<!tpu.dma_semaphore, #tpu.memory_space<semaphore_mem>>)
    } else {
    }
    %while3A_155 = arith.constant 0 : i32
    %while3A_156 = arith.subi %select_n3A_49, %select_n3A : i32
    %while3A_157 = arith.addi %select_n3A, %while3A_156 : i32
    %while3A_158 = arith.constant 1 : i32
    %while3A_159 = arith.divsi %while3A_156, %while3A_158 : i32
    %while3A_160 = arith.muli %while3A_159, %while3A_158 : i32
    %while3A_161 = arith.addi %select_n3A, %while3A_160 : i32
    %while3A_162 = arith.constant 1 : i32
    scf.for %while3A_200 = %select_n3A to %while3A_161 step %while3A_162  : i32 {
      %sub3A_201 = arith.subi %while3A_200, %select_n3A : i32
      %rem3A_202 = arith.constant 2 : i32
      %rem3A_203 = arith.remsi %sub3A_201, %rem3A_202 : i32
      %mul3A_204 = arith.constant 2048 : i32
      %mul3A_205 = arith.muli %while3A_200, %mul3A_204 : i32
      %dma_wait3A = tpu.memref_slice %arg21[%rem3A_203] : memref<2x!tpu.dma_semaphore, #tpu.memory_space<semaphore_mem>> -> memref<1x!tpu.dma_semaphore, #tpu.memory_space<semaphore_mem>>
      %dma_wait3A_206 = tpu.memref_squeeze %dma_wait3A : memref<1x!tpu.dma_semaphore, #tpu.memory_space<semaphore_mem>> -> memref<!tpu.dma_semaphore, #tpu.memory_space<semaphore_mem>>
      %dma_wait3A_207 = arith.constant 0 : i32
      %dma_wait3A_208 = arith.constant 0 : i32
      %dma_wait3A_209 = tpu.memref_slice %arg12[%rem3A_203, %dma_wait3A_207, %dma_wait3A_208] : memref<2x2048x8xf32, #tpu.memory_space<vmem>> -> memref<1x2048x8xf32, #tpu.memory_space<vmem>>
      %dma_wait3A_210 = tpu.memref_squeeze %dma_wait3A_209 : memref<1x2048x8xf32, #tpu.memory_space<vmem>> -> memref<2048x8xf32, #tpu.memory_space<vmem>>
      %dma_wait3A_211 = arith.constant 0 : i32
      %dma_wait3A_212 = tpu.memref_slice %arg8[%mul3A_205, %dma_wait3A_211] : memref<323584x8xf32, #tpu.memory_space<any>> -> memref<2048x8xf32, #tpu.memory_space<any>>
      tpu.wait_dma2 semaphore(%dma_wait3A_206 : memref<!tpu.dma_semaphore, #tpu.memory_space<semaphore_mem>>) src(%dma_wait3A_212 : memref<2048x8xf32, #tpu.memory_space<any>>) dst(%dma_wait3A_210 : memref<2048x8xf32, #tpu.memory_space<vmem>>)
      %mul3A_213 = arith.constant 2048 : i32
      %mul3A_214 = arith.muli %while3A_200, %mul3A_213 : i32
      %dma_wait3A_215 = tpu.memref_slice %arg19[%rem3A_203] : memref<2x!tpu.dma_semaphore, #tpu.memory_space<semaphore_mem>> -> memref<1x!tpu.dma_semaphore, #tpu.memory_space<semaphore_mem>>
      %dma_wait3A_216 = tpu.memref_squeeze %dma_wait3A_215 : memref<1x!tpu.dma_semaphore, #tpu.memory_space<semaphore_mem>> -> memref<!tpu.dma_semaphore, #tpu.memory_space<semaphore_mem>>
      %dma_wait3A_217 = arith.constant 0 : i32
      %dma_wait3A_218 = arith.constant 0 : i32
      %dma_wait3A_219 = tpu.memref_slice %arg10[%rem3A_203, %dma_wait3A_217, %dma_wait3A_218] : memref<2x2048x1xi32, #tpu.memory_space<vmem>> -> memref<1x2048x1xi32, #tpu.memory_space<vmem>>
      %dma_wait3A_220 = tpu.memref_squeeze %dma_wait3A_219 : memref<1x2048x1xi32, #tpu.memory_space<vmem>> -> memref<2048x1xi32, #tpu.memory_space<vmem>>
      %dma_wait3A_221 = arith.constant 0 : i32
      %dma_wait3A_222 = tpu.memref_slice %arg5[%mul3A_214, %dma_wait3A_221] : memref<323584x1xi32, #tpu.memory_space<any>> -> memref<2048x1xi32, #tpu.memory_space<any>>
      tpu.wait_dma2 semaphore(%dma_wait3A_216 : memref<!tpu.dma_semaphore, #tpu.memory_space<semaphore_mem>>) src(%dma_wait3A_222 : memref<2048x1xi32, #tpu.memory_space<any>>) dst(%dma_wait3A_220 : memref<2048x1xi32, #tpu.memory_space<vmem>>)
      %mul3A_223 = arith.constant 2048 : i32
      %mul3A_224 = arith.muli %while3A_200, %mul3A_223 : i32
      %dma_wait3A_225 = tpu.memref_slice %arg20[%rem3A_203] : memref<2x!tpu.dma_semaphore, #tpu.memory_space<semaphore_mem>> -> memref<1x!tpu.dma_semaphore, #tpu.memory_space<semaphore_mem>>
      %dma_wait3A_226 = tpu.memref_squeeze %dma_wait3A_225 : memref<1x!tpu.dma_semaphore, #tpu.memory_space<semaphore_mem>> -> memref<!tpu.dma_semaphore, #tpu.memory_space<semaphore_mem>>
      %dma_wait3A_227 = arith.constant 0 : i32
      %dma_wait3A_228 = arith.constant 0 : i32
      %dma_wait3A_229 = tpu.memref_slice %arg11[%rem3A_203, %dma_wait3A_227, %dma_wait3A_228] : memref<2x2048x1xf32, #tpu.memory_space<vmem>> -> memref<1x2048x1xf32, #tpu.memory_space<vmem>>
      %dma_wait3A_230 = tpu.memref_squeeze %dma_wait3A_229 : memref<1x2048x1xf32, #tpu.memory_space<vmem>> -> memref<2048x1xf32, #tpu.memory_space<vmem>>
      %dma_wait3A_231 = arith.constant 0 : i32
      %dma_wait3A_232 = tpu.memref_slice %arg6[%mul3A_224, %dma_wait3A_231] : memref<323584x1xf32, #tpu.memory_space<any>> -> memref<2048x1xf32, #tpu.memory_space<any>>
      tpu.wait_dma2 semaphore(%dma_wait3A_226 : memref<!tpu.dma_semaphore, #tpu.memory_space<semaphore_mem>>) src(%dma_wait3A_232 : memref<2048x1xf32, #tpu.memory_space<any>>) dst(%dma_wait3A_230 : memref<2048x1xf32, #tpu.memory_space<vmem>>)
      %add3A_233 = arith.constant 1 : i32
      %add3A_234 = arith.addi %while3A_200, %add3A_233 : i32
      %lt3A = arith.cmpi slt, %add3A_234, %select_n3A_49 : i32
      %convert_element_type3A_235 = arith.extui %lt3A : i1 to i32
      %cond3A_236 = arith.constant 0 : i32
      %cond3A_237 = arith.cmpi ne, %convert_element_type3A_235, %cond3A_236 : i32
      scf.if %cond3A_237 {
        %sub3A_316 = arith.constant 1 : i32
        %sub3A_317 = arith.subi %sub3A_316, %rem3A_203 : i32
        %add3A_318 = arith.constant 1 : i32
        %add3A_319 = arith.addi %while3A_200, %add3A_318 : i32
        %mul3A_320 = arith.constant 2048 : i32
        %mul3A_321 = arith.muli %add3A_319, %mul3A_320 : i32
        %dma_start3A = tpu.memref_slice %arg21[%sub3A_317] : memref<2x!tpu.dma_semaphore, #tpu.memory_space<semaphore_mem>> -> memref<1x!tpu.dma_semaphore, #tpu.memory_space<semaphore_mem>>
        %dma_start3A_322 = tpu.memref_squeeze %dma_start3A : memref<1x!tpu.dma_semaphore, #tpu.memory_space<semaphore_mem>> -> memref<!tpu.dma_semaphore, #tpu.memory_space<semaphore_mem>>
        %dma_start3A_323 = arith.constant 0 : i32
        %dma_start3A_324 = arith.constant 0 : i32
        %dma_start3A_325 = tpu.memref_slice %arg12[%sub3A_317, %dma_start3A_323, %dma_start3A_324] : memref<2x2048x8xf32, #tpu.memory_space<vmem>> -> memref<1x2048x8xf32, #tpu.memory_space<vmem>>
        %dma_start3A_326 = tpu.memref_squeeze %dma_start3A_325 : memref<1x2048x8xf32, #tpu.memory_space<vmem>> -> memref<2048x8xf32, #tpu.memory_space<vmem>>
        %dma_start3A_327 = arith.constant 0 : i32
        %dma_start3A_328 = tpu.memref_slice %arg8[%mul3A_321, %dma_start3A_327] : memref<323584x8xf32, #tpu.memory_space<any>> -> memref<2048x8xf32, #tpu.memory_space<any>>
        tpu.enqueue_dma source(%dma_start3A_328 : memref<2048x8xf32, #tpu.memory_space<any>>) target(%dma_start3A_326 : memref<2048x8xf32, #tpu.memory_space<vmem>>) target_semaphore(%dma_start3A_322 : memref<!tpu.dma_semaphore, #tpu.memory_space<semaphore_mem>>)
        %add3A_329 = arith.constant 1 : i32
        %add3A_330 = arith.addi %while3A_200, %add3A_329 : i32
        %mul3A_331 = arith.constant 2048 : i32
        %mul3A_332 = arith.muli %add3A_330, %mul3A_331 : i32
        %dma_start3A_333 = tpu.memref_slice %arg19[%sub3A_317] : memref<2x!tpu.dma_semaphore, #tpu.memory_space<semaphore_mem>> -> memref<1x!tpu.dma_semaphore, #tpu.memory_space<semaphore_mem>>
        %dma_start3A_334 = tpu.memref_squeeze %dma_start3A_333 : memref<1x!tpu.dma_semaphore, #tpu.memory_space<semaphore_mem>> -> memref<!tpu.dma_semaphore, #tpu.memory_space<semaphore_mem>>
        %dma_start3A_335 = arith.constant 0 : i32
        %dma_start3A_336 = arith.constant 0 : i32
        %dma_start3A_337 = tpu.memref_slice %arg10[%sub3A_317, %dma_start3A_335, %dma_start3A_336] : memref<2x2048x1xi32, #tpu.memory_space<vmem>> -> memref<1x2048x1xi32, #tpu.memory_space<vmem>>
        %dma_start3A_338 = tpu.memref_squeeze %dma_start3A_337 : memref<1x2048x1xi32, #tpu.memory_space<vmem>> -> memref<2048x1xi32, #tpu.memory_space<vmem>>
        %dma_start3A_339 = arith.constant 0 : i32
        %dma_start3A_340 = tpu.memref_slice %arg5[%mul3A_332, %dma_start3A_339] : memref<323584x1xi32, #tpu.memory_space<any>> -> memref<2048x1xi32, #tpu.memory_space<any>>
        tpu.enqueue_dma source(%dma_start3A_340 : memref<2048x1xi32, #tpu.memory_space<any>>) target(%dma_start3A_338 : memref<2048x1xi32, #tpu.memory_space<vmem>>) target_semaphore(%dma_start3A_334 : memref<!tpu.dma_semaphore, #tpu.memory_space<semaphore_mem>>)
        %add3A_341 = arith.constant 1 : i32
        %add3A_342 = arith.addi %while3A_200, %add3A_341 : i32
        %mul3A_343 = arith.constant 2048 : i32
        %mul3A_344 = arith.muli %add3A_342, %mul3A_343 : i32
        %dma_start3A_345 = tpu.memref_slice %arg20[%sub3A_317] : memref<2x!tpu.dma_semaphore, #tpu.memory_space<semaphore_mem>> -> memref<1x!tpu.dma_semaphore, #tpu.memory_space<semaphore_mem>>
        %dma_start3A_346 = tpu.memref_squeeze %dma_start3A_345 : memref<1x!tpu.dma_semaphore, #tpu.memory_space<semaphore_mem>> -> memref<!tpu.dma_semaphore, #tpu.memory_space<semaphore_mem>>
        %dma_start3A_347 = arith.constant 0 : i32
        %dma_start3A_348 = arith.constant 0 : i32
        %dma_start3A_349 = tpu.memref_slice %arg11[%sub3A_317, %dma_start3A_347, %dma_start3A_348] : memref<2x2048x1xf32, #tpu.memory_space<vmem>> -> memref<1x2048x1xf32, #tpu.memory_space<vmem>>
        %dma_start3A_350 = tpu.memref_squeeze %dma_start3A_349 : memref<1x2048x1xf32, #tpu.memory_space<vmem>> -> memref<2048x1xf32, #tpu.memory_space<vmem>>
        %dma_start3A_351 = arith.constant 0 : i32
        %dma_start3A_352 = tpu.memref_slice %arg6[%mul3A_344, %dma_start3A_351] : memref<323584x1xf32, #tpu.memory_space<any>> -> memref<2048x1xf32, #tpu.memory_space<any>>
        tpu.enqueue_dma source(%dma_start3A_352 : memref<2048x1xf32, #tpu.memory_space<any>>) target(%dma_start3A_350 : memref<2048x1xf32, #tpu.memory_space<vmem>>) target_semaphore(%dma_start3A_346 : memref<!tpu.dma_semaphore, #tpu.memory_space<semaphore_mem>>)
      } else {
      }
      %mul3A_238 = arith.constant 2048 : i32
      %mul3A_239 = arith.muli %while3A_200, %mul3A_238 : i32
      %get3A_240 = arith.index_cast %rem3A_203 : i32 to index
      %get3A_241 = arith.constant 0 : index
      %get3A_242 = arith.constant 0 : index
      %get3A_243 = vector.load %arg10[%get3A_240, %get3A_241, %get3A_242] : memref<2x2048x1xi32, #tpu.memory_space<vmem>>, vector<1x2048x1xi32>
      %get3A_244 = vector.shape_cast %get3A_243 : vector<1x2048x1xi32> to vector<2048x1xi32>
      %sub3A_245 = vector.broadcast %mul3A_0 : i32 to vector<2048x1xi32>
      %sub3A_246 = arith.subi %get3A_244, %sub3A_245 : vector<2048x1xi32>
      %iota3A_247 = tpu.iota {dimensions = array<i32: 0>} : vector<2048x1xi32>
      %add3A_248 = vector.broadcast %mul3A_239 : i32 to vector<2048x1xi32>
      %add3A_249 = arith.addi %add3A_248, %iota3A_247 : vector<2048x1xi32>
      %ge3A = vector.broadcast %get3A_1 : i32 to vector<2048x1xi32>
      %ge3A_250 = arith.cmpi sge, %add3A_249, %ge3A : vector<2048x1xi32>
      %lt3A_251 = vector.broadcast %get3A_4 : i32 to vector<2048x1xi32>
      %lt3A_252 = arith.cmpi slt, %add3A_249, %lt3A_251 : vector<2048x1xi32>
      %and3A_253 = arith.andi %ge3A_250, %lt3A_252 : vector<2048x1xi1>
      %iota3A_254 = tpu.iota {dimensions = array<i32: 1>} : vector<2048x128xi32>
      %eq3A_255 = vector.broadcast %sub3A_246 : vector<2048x1xi32> to vector<2048x128xi32>
      %eq3A_256 = arith.cmpi eq, %eq3A_255, %iota3A_254 : vector<2048x128xi32>
      %and3A_257 = vector.broadcast %and3A_253 : vector<2048x1xi1> to vector<2048x128xi1>
      %and3A_258 = arith.andi %eq3A_256, %and3A_257 : vector<2048x128xi1>
      %convert_element_type3A_259 = arith.extui %and3A_258 : vector<2048x128xi1> to vector<2048x128xi32>
      %convert_element_type3A_260 = arith.sitofp %convert_element_type3A_259 : vector<2048x128xi32> to vector<2048x128xf32>
      %get3A_261 = arith.constant 0 : index
      %get3A_262 = arith.constant 0 : index
      %get3A_263 = vector.load %arg14[%get3A_261, %get3A_262] : memref<8x128xf32, #tpu.memory_space<vmem>>, vector<8x128xf32>
      %dot_general3A_264 = arith.constant dense<0.000000e+00> : vector<2048x8xf32>
      %dot_general3A_265 = tpu.matmul %convert_element_type3A_260, %get3A_263, %dot_general3A_264 {dimension_numbers = #tpu.dot_dimension_numbers<[1], [1], [0], [0], [0, 0, 1, 0], [], []>, transpose_lhs_hint = false} : vector<2048x128xf32>, vector<8x128xf32>, vector<2048x8xf32> -> vector<2048x8xf32>
      %get3A_266 = arith.constant 0 : index
      %get3A_267 = arith.constant 0 : index
      %get3A_268 = vector.load %arg15[%get3A_266, %get3A_267] : memref<8x128xf32, #tpu.memory_space<vmem>>, vector<8x128xf32>
      %dot_general3A_269 = arith.constant dense<0.000000e+00> : vector<2048x8xf32>
      %dot_general3A_270 = tpu.matmul %convert_element_type3A_260, %get3A_268, %dot_general3A_269 {dimension_numbers = #tpu.dot_dimension_numbers<[1], [1], [0], [0], [0, 0, 1, 0], [], []>, transpose_lhs_hint = false} : vector<2048x128xf32>, vector<8x128xf32>, vector<2048x8xf32> -> vector<2048x8xf32>
      %get3A_271 = arith.index_cast %rem3A_203 : i32 to index
      %get3A_272 = arith.constant 0 : index
      %get3A_273 = arith.constant 0 : index
      %get3A_274 = vector.load %arg12[%get3A_271, %get3A_272, %get3A_273] : memref<2x2048x8xf32, #tpu.memory_space<vmem>>, vector<1x2048x8xf32>
      %get3A_275 = vector.shape_cast %get3A_274 : vector<1x2048x8xf32> to vector<2048x8xf32>
      %sub3A_276 = arith.subf %get3A_275, %dot_general3A_265 : vector<2048x8xf32>
      %exp3A = math.exp %sub3A_276 : vector<2048x8xf32>
      %jit3A_277 = arith.constant 0.000000e+00 : f32
      %broadcast_in_dim3A_278 = vector.shape_cast %and3A_253 : vector<2048x1xi1> to vector<2048x1xi1>
      %broadcast_in_dim3A_279 = vector.broadcast %broadcast_in_dim3A_278 : vector<2048x1xi1> to vector<2048x8xi1>
      %broadcast_in_dim3A_280 = vector.broadcast %jit3A_277 : f32 to vector<2048x8xf32>
      %select_n3A_281 = arith.select %broadcast_in_dim3A_279, %exp3A, %broadcast_in_dim3A_280 : vector<2048x8xi1>, vector<2048x8xf32>
      %jit3A_282 = arith.constant 1.000000e+00 : f32
      %broadcast_in_dim3A_283 = vector.shape_cast %and3A_253 : vector<2048x1xi1> to vector<2048x1xi1>
      %broadcast_in_dim3A_284 = vector.broadcast %broadcast_in_dim3A_283 : vector<2048x1xi1> to vector<2048x8xi1>
      %broadcast_in_dim3A_285 = vector.broadcast %jit3A_282 : f32 to vector<2048x8xf32>
      %select_n3A_286 = arith.select %broadcast_in_dim3A_284, %dot_general3A_270, %broadcast_in_dim3A_285 : vector<2048x8xi1>, vector<2048x8xf32>
      %div3A_287 = arith.divf %select_n3A_281, %select_n3A_286 : vector<2048x8xf32>
      %mul3A_288 = arith.constant 0.899999976 : f32
      %mul3A_289 = vector.broadcast %mul3A_288 : f32 to vector<2048x8xf32>
      %mul3A_290 = arith.mulf %mul3A_289, %div3A_287 : vector<2048x8xf32>
      %get3A_291 = arith.index_cast %rem3A_203 : i32 to index
      %get3A_292 = arith.constant 0 : index
      %get3A_293 = arith.constant 0 : index
      %get3A_294 = vector.load %arg11[%get3A_291, %get3A_292, %get3A_293] : memref<2x2048x1xf32, #tpu.memory_space<vmem>>, vector<1x2048x1xf32>
      %get3A_295 = vector.shape_cast %get3A_294 : vector<1x2048x1xf32> to vector<2048x1xf32>
      %mul3A_296 = arith.constant 1.000000e-01 : f32
      %mul3A_297 = vector.broadcast %mul3A_296 : f32 to vector<2048x1xf32>
      %mul3A_298 = arith.mulf %mul3A_297, %get3A_295 : vector<2048x1xf32>
      %add3A_299 = vector.broadcast %mul3A_298 : vector<2048x1xf32> to vector<2048x8xf32>
      %add3A_300 = arith.addf %mul3A_290, %add3A_299 : vector<2048x8xf32>
      %exp3A_301 = math.exp %add3A_300 : vector<2048x8xf32>
      %jit3A_302 = arith.constant 0.000000e+00 : f32
      %broadcast_in_dim3A_303 = vector.shape_cast %and3A_253 : vector<2048x1xi1> to vector<2048x1xi1>
      %broadcast_in_dim3A_304 = vector.broadcast %broadcast_in_dim3A_303 : vector<2048x1xi1> to vector<2048x8xi1>
      %broadcast_in_dim3A_305 = vector.broadcast %jit3A_302 : f32 to vector<2048x8xf32>
      %select_n3A_306 = arith.select %broadcast_in_dim3A_304, %exp3A_301, %broadcast_in_dim3A_305 : vector<2048x8xi1>, vector<2048x8xf32>
      %get3A_307 = arith.constant 0 : index
      %get3A_308 = arith.constant 0 : index
      %get3A_309 = vector.load %arg16[%get3A_307, %get3A_308] : memref<8x128xf32, #tpu.memory_space<vmem>>, vector<8x128xf32>
      %dot_general3A_310 = arith.constant dense<0.000000e+00> : vector<8x128xf32>
      %dot_general3A_311 = tpu.matmul %select_n3A_306, %convert_element_type3A_260, %dot_general3A_310 {dimension_numbers = #tpu.dot_dimension_numbers<[0], [0], [1], [1], [0, 1, 1, 1], [], []>, transpose_lhs_hint = false} : vector<2048x8xf32>, vector<2048x128xf32>, vector<8x128xf32> -> vector<8x128xf32>
      %add3A_312 = arith.addf %get3A_309, %dot_general3A_311 : vector<8x128xf32>
      %swap3A_313 = arith.constant 0 : index
      %swap3A_314 = arith.constant 0 : index
      %swap3A_315 = vector.load %arg16[%swap3A_313, %swap3A_314] : memref<8x128xf32, #tpu.memory_space<vmem>>, vector<8x128xf32>
      tpu.vector_store %arg16[%swap3A_313, %swap3A_314], %add3A_312 {strides = array<i32>} : memref<8x128xf32, #tpu.memory_space<vmem>>, vector<8x128xf32>,
    }
    %while3A_163 = arith.constant 1 : i32
    scf.for %while3A_200 = %while3A_161 to %while3A_157 step %while3A_163  : i32 {
      %sub3A_201 = arith.subi %while3A_200, %select_n3A : i32
      %rem3A_202 = arith.constant 2 : i32
      %rem3A_203 = arith.remsi %sub3A_201, %rem3A_202 : i32
      %mul3A_204 = arith.constant 2048 : i32
      %mul3A_205 = arith.muli %while3A_200, %mul3A_204 : i32
      %dma_wait3A = tpu.memref_slice %arg21[%rem3A_203] : memref<2x!tpu.dma_semaphore, #tpu.memory_space<semaphore_mem>> -> memref<1x!tpu.dma_semaphore, #tpu.memory_space<semaphore_mem>>
      %dma_wait3A_206 = tpu.memref_squeeze %dma_wait3A : memref<1x!tpu.dma_semaphore, #tpu.memory_space<semaphore_mem>> -> memref<!tpu.dma_semaphore, #tpu.memory_space<semaphore_mem>>
      %dma_wait3A_207 = arith.constant 0 : i32
      %dma_wait3A_208 = arith.constant 0 : i32
      %dma_wait3A_209 = tpu.memref_slice %arg12[%rem3A_203, %dma_wait3A_207, %dma_wait3A_208] : memref<2x2048x8xf32, #tpu.memory_space<vmem>> -> memref<1x2048x8xf32, #tpu.memory_space<vmem>>
      %dma_wait3A_210 = tpu.memref_squeeze %dma_wait3A_209 : memref<1x2048x8xf32, #tpu.memory_space<vmem>> -> memref<2048x8xf32, #tpu.memory_space<vmem>>
      %dma_wait3A_211 = arith.constant 0 : i32
      %dma_wait3A_212 = tpu.memref_slice %arg8[%mul3A_205, %dma_wait3A_211] : memref<323584x8xf32, #tpu.memory_space<any>> -> memref<2048x8xf32, #tpu.memory_space<any>>
      tpu.wait_dma2 semaphore(%dma_wait3A_206 : memref<!tpu.dma_semaphore, #tpu.memory_space<semaphore_mem>>) src(%dma_wait3A_212 : memref<2048x8xf32, #tpu.memory_space<any>>) dst(%dma_wait3A_210 : memref<2048x8xf32, #tpu.memory_space<vmem>>)
      %mul3A_213 = arith.constant 2048 : i32
      %mul3A_214 = arith.muli %while3A_200, %mul3A_213 : i32
      %dma_wait3A_215 = tpu.memref_slice %arg19[%rem3A_203] : memref<2x!tpu.dma_semaphore, #tpu.memory_space<semaphore_mem>> -> memref<1x!tpu.dma_semaphore, #tpu.memory_space<semaphore_mem>>
      %dma_wait3A_216 = tpu.memref_squeeze %dma_wait3A_215 : memref<1x!tpu.dma_semaphore, #tpu.memory_space<semaphore_mem>> -> memref<!tpu.dma_semaphore, #tpu.memory_space<semaphore_mem>>
      %dma_wait3A_217 = arith.constant 0 : i32
      %dma_wait3A_218 = arith.constant 0 : i32
      %dma_wait3A_219 = tpu.memref_slice %arg10[%rem3A_203, %dma_wait3A_217, %dma_wait3A_218] : memref<2x2048x1xi32, #tpu.memory_space<vmem>> -> memref<1x2048x1xi32, #tpu.memory_space<vmem>>
      %dma_wait3A_220 = tpu.memref_squeeze %dma_wait3A_219 : memref<1x2048x1xi32, #tpu.memory_space<vmem>> -> memref<2048x1xi32, #tpu.memory_space<vmem>>
      %dma_wait3A_221 = arith.constant 0 : i32
      %dma_wait3A_222 = tpu.memref_slice %arg5[%mul3A_214, %dma_wait3A_221] : memref<323584x1xi32, #tpu.memory_space<any>> -> memref<2048x1xi32, #tpu.memory_space<any>>
      tpu.wait_dma2 semaphore(%dma_wait3A_216 : memref<!tpu.dma_semaphore, #tpu.memory_space<semaphore_mem>>) src(%dma_wait3A_222 : memref<2048x1xi32, #tpu.memory_space<any>>) dst(%dma_wait3A_220 : memref<2048x1xi32, #tpu.memory_space<vmem>>)
      %mul3A_223 = arith.constant 2048 : i32
      %mul3A_224 = arith.muli %while3A_200, %mul3A_223 : i32
      %dma_wait3A_225 = tpu.memref_slice %arg20[%rem3A_203] : memref<2x!tpu.dma_semaphore, #tpu.memory_space<semaphore_mem>> -> memref<1x!tpu.dma_semaphore, #tpu.memory_space<semaphore_mem>>
      %dma_wait3A_226 = tpu.memref_squeeze %dma_wait3A_225 : memref<1x!tpu.dma_semaphore, #tpu.memory_space<semaphore_mem>> -> memref<!tpu.dma_semaphore, #tpu.memory_space<semaphore_mem>>
      %dma_wait3A_227 = arith.constant 0 : i32
      %dma_wait3A_228 = arith.constant 0 : i32
      %dma_wait3A_229 = tpu.memref_slice %arg11[%rem3A_203, %dma_wait3A_227, %dma_wait3A_228] : memref<2x2048x1xf32, #tpu.memory_space<vmem>> -> memref<1x2048x1xf32, #tpu.memory_space<vmem>>
      %dma_wait3A_230 = tpu.memref_squeeze %dma_wait3A_229 : memref<1x2048x1xf32, #tpu.memory_space<vmem>> -> memref<2048x1xf32, #tpu.memory_space<vmem>>
      %dma_wait3A_231 = arith.constant 0 : i32
      %dma_wait3A_232 = tpu.memref_slice %arg6[%mul3A_224, %dma_wait3A_231] : memref<323584x1xf32, #tpu.memory_space<any>> -> memref<2048x1xf32, #tpu.memory_space<any>>
      tpu.wait_dma2 semaphore(%dma_wait3A_226 : memref<!tpu.dma_semaphore, #tpu.memory_space<semaphore_mem>>) src(%dma_wait3A_232 : memref<2048x1xf32, #tpu.memory_space<any>>) dst(%dma_wait3A_230 : memref<2048x1xf32, #tpu.memory_space<vmem>>)
      %add3A_233 = arith.constant 1 : i32
      %add3A_234 = arith.addi %while3A_200, %add3A_233 : i32
      %lt3A = arith.cmpi slt, %add3A_234, %select_n3A_49 : i32
      %convert_element_type3A_235 = arith.extui %lt3A : i1 to i32
      %cond3A_236 = arith.constant 0 : i32
      %cond3A_237 = arith.cmpi ne, %convert_element_type3A_235, %cond3A_236 : i32
      scf.if %cond3A_237 {
        %sub3A_316 = arith.constant 1 : i32
        %sub3A_317 = arith.subi %sub3A_316, %rem3A_203 : i32
        %add3A_318 = arith.constant 1 : i32
        %add3A_319 = arith.addi %while3A_200, %add3A_318 : i32
        %mul3A_320 = arith.constant 2048 : i32
        %mul3A_321 = arith.muli %add3A_319, %mul3A_320 : i32
        %dma_start3A = tpu.memref_slice %arg21[%sub3A_317] : memref<2x!tpu.dma_semaphore, #tpu.memory_space<semaphore_mem>> -> memref<1x!tpu.dma_semaphore, #tpu.memory_space<semaphore_mem>>
        %dma_start3A_322 = tpu.memref_squeeze %dma_start3A : memref<1x!tpu.dma_semaphore, #tpu.memory_space<semaphore_mem>> -> memref<!tpu.dma_semaphore, #tpu.memory_space<semaphore_mem>>
        %dma_start3A_323 = arith.constant 0 : i32
        %dma_start3A_324 = arith.constant 0 : i32
        %dma_start3A_325 = tpu.memref_slice %arg12[%sub3A_317, %dma_start3A_323, %dma_start3A_324] : memref<2x2048x8xf32, #tpu.memory_space<vmem>> -> memref<1x2048x8xf32, #tpu.memory_space<vmem>>
        %dma_start3A_326 = tpu.memref_squeeze %dma_start3A_325 : memref<1x2048x8xf32, #tpu.memory_space<vmem>> -> memref<2048x8xf32, #tpu.memory_space<vmem>>
        %dma_start3A_327 = arith.constant 0 : i32
        %dma_start3A_328 = tpu.memref_slice %arg8[%mul3A_321, %dma_start3A_327] : memref<323584x8xf32, #tpu.memory_space<any>> -> memref<2048x8xf32, #tpu.memory_space<any>>
        tpu.enqueue_dma source(%dma_start3A_328 : memref<2048x8xf32, #tpu.memory_space<any>>) target(%dma_start3A_326 : memref<2048x8xf32, #tpu.memory_space<vmem>>) target_semaphore(%dma_start3A_322 : memref<!tpu.dma_semaphore, #tpu.memory_space<semaphore_mem>>)
        %add3A_329 = arith.constant 1 : i32
        %add3A_330 = arith.addi %while3A_200, %add3A_329 : i32
        %mul3A_331 = arith.constant 2048 : i32
        %mul3A_332 = arith.muli %add3A_330, %mul3A_331 : i32
        %dma_start3A_333 = tpu.memref_slice %arg19[%sub3A_317] : memref<2x!tpu.dma_semaphore, #tpu.memory_space<semaphore_mem>> -> memref<1x!tpu.dma_semaphore, #tpu.memory_space<semaphore_mem>>
        %dma_start3A_334 = tpu.memref_squeeze %dma_start3A_333 : memref<1x!tpu.dma_semaphore, #tpu.memory_space<semaphore_mem>> -> memref<!tpu.dma_semaphore, #tpu.memory_space<semaphore_mem>>
        %dma_start3A_335 = arith.constant 0 : i32
        %dma_start3A_336 = arith.constant 0 : i32
        %dma_start3A_337 = tpu.memref_slice %arg10[%sub3A_317, %dma_start3A_335, %dma_start3A_336] : memref<2x2048x1xi32, #tpu.memory_space<vmem>> -> memref<1x2048x1xi32, #tpu.memory_space<vmem>>
        %dma_start3A_338 = tpu.memref_squeeze %dma_start3A_337 : memref<1x2048x1xi32, #tpu.memory_space<vmem>> -> memref<2048x1xi32, #tpu.memory_space<vmem>>
        %dma_start3A_339 = arith.constant 0 : i32
        %dma_start3A_340 = tpu.memref_slice %arg5[%mul3A_332, %dma_start3A_339] : memref<323584x1xi32, #tpu.memory_space<any>> -> memref<2048x1xi32, #tpu.memory_space<any>>
        tpu.enqueue_dma source(%dma_start3A_340 : memref<2048x1xi32, #tpu.memory_space<any>>) target(%dma_start3A_338 : memref<2048x1xi32, #tpu.memory_space<vmem>>) target_semaphore(%dma_start3A_334 : memref<!tpu.dma_semaphore, #tpu.memory_space<semaphore_mem>>)
        %add3A_341 = arith.constant 1 : i32
        %add3A_342 = arith.addi %while3A_200, %add3A_341 : i32
        %mul3A_343 = arith.constant 2048 : i32
        %mul3A_344 = arith.muli %add3A_342, %mul3A_343 : i32
        %dma_start3A_345 = tpu.memref_slice %arg20[%sub3A_317] : memref<2x!tpu.dma_semaphore, #tpu.memory_space<semaphore_mem>> -> memref<1x!tpu.dma_semaphore, #tpu.memory_space<semaphore_mem>>
        %dma_start3A_346 = tpu.memref_squeeze %dma_start3A_345 : memref<1x!tpu.dma_semaphore, #tpu.memory_space<semaphore_mem>> -> memref<!tpu.dma_semaphore, #tpu.memory_space<semaphore_mem>>
        %dma_start3A_347 = arith.constant 0 : i32
        %dma_start3A_348 = arith.constant 0 : i32
        %dma_start3A_349 = tpu.memref_slice %arg11[%sub3A_317, %dma_start3A_347, %dma_start3A_348] : memref<2x2048x1xf32, #tpu.memory_space<vmem>> -> memref<1x2048x1xf32, #tpu.memory_space<vmem>>
        %dma_start3A_350 = tpu.memref_squeeze %dma_start3A_349 : memref<1x2048x1xf32, #tpu.memory_space<vmem>> -> memref<2048x1xf32, #tpu.memory_space<vmem>>
        %dma_start3A_351 = arith.constant 0 : i32
        %dma_start3A_352 = tpu.memref_slice %arg6[%mul3A_344, %dma_start3A_351] : memref<323584x1xf32, #tpu.memory_space<any>> -> memref<2048x1xf32, #tpu.memory_space<any>>
        tpu.enqueue_dma source(%dma_start3A_352 : memref<2048x1xf32, #tpu.memory_space<any>>) target(%dma_start3A_350 : memref<2048x1xf32, #tpu.memory_space<vmem>>) target_semaphore(%dma_start3A_346 : memref<!tpu.dma_semaphore, #tpu.memory_space<semaphore_mem>>)
      } else {
      }
      %mul3A_238 = arith.constant 2048 : i32
      %mul3A_239 = arith.muli %while3A_200, %mul3A_238 : i32
      %get3A_240 = arith.index_cast %rem3A_203 : i32 to index
      %get3A_241 = arith.constant 0 : index
      %get3A_242 = arith.constant 0 : index
      %get3A_243 = vector.load %arg10[%get3A_240, %get3A_241, %get3A_242] : memref<2x2048x1xi32, #tpu.memory_space<vmem>>, vector<1x2048x1xi32>
      %get3A_244 = vector.shape_cast %get3A_243 : vector<1x2048x1xi32> to vector<2048x1xi32>
      %sub3A_245 = vector.broadcast %mul3A_0 : i32 to vector<2048x1xi32>
      %sub3A_246 = arith.subi %get3A_244, %sub3A_245 : vector<2048x1xi32>
      %iota3A_247 = tpu.iota {dimensions = array<i32: 0>} : vector<2048x1xi32>
      %add3A_248 = vector.broadcast %mul3A_239 : i32 to vector<2048x1xi32>
      %add3A_249 = arith.addi %add3A_248, %iota3A_247 : vector<2048x1xi32>
      %ge3A = vector.broadcast %get3A_1 : i32 to vector<2048x1xi32>
      %ge3A_250 = arith.cmpi sge, %add3A_249, %ge3A : vector<2048x1xi32>
      %lt3A_251 = vector.broadcast %get3A_4 : i32 to vector<2048x1xi32>
      %lt3A_252 = arith.cmpi slt, %add3A_249, %lt3A_251 : vector<2048x1xi32>
      %and3A_253 = arith.andi %ge3A_250, %lt3A_252 : vector<2048x1xi1>
      %iota3A_254 = tpu.iota {dimensions = array<i32: 1>} : vector<2048x128xi32>
      %eq3A_255 = vector.broadcast %sub3A_246 : vector<2048x1xi32> to vector<2048x128xi32>
      %eq3A_256 = arith.cmpi eq, %eq3A_255, %iota3A_254 : vector<2048x128xi32>
      %and3A_257 = vector.broadcast %and3A_253 : vector<2048x1xi1> to vector<2048x128xi1>
      %and3A_258 = arith.andi %eq3A_256, %and3A_257 : vector<2048x128xi1>
      %convert_element_type3A_259 = arith.extui %and3A_258 : vector<2048x128xi1> to vector<2048x128xi32>
      %convert_element_type3A_260 = arith.sitofp %convert_element_type3A_259 : vector<2048x128xi32> to vector<2048x128xf32>
      %get3A_261 = arith.constant 0 : index
      %get3A_262 = arith.constant 0 : index
      %get3A_263 = vector.load %arg14[%get3A_261, %get3A_262] : memref<8x128xf32, #tpu.memory_space<vmem>>, vector<8x128xf32>
      %dot_general3A_264 = arith.constant dense<0.000000e+00> : vector<2048x8xf32>
      %dot_general3A_265 = tpu.matmul %convert_element_type3A_260, %get3A_263, %dot_general3A_264 {dimension_numbers = #tpu.dot_dimension_numbers<[1], [1], [0], [0], [0, 0, 1, 0], [], []>, transpose_lhs_hint = false} : vector<2048x128xf32>, vector<8x128xf32>, vector<2048x8xf32> -> vector<2048x8xf32>
      %get3A_266 = arith.constant 0 : index
      %get3A_267 = arith.constant 0 : index
      %get3A_268 = vector.load %arg15[%get3A_266, %get3A_267] : memref<8x128xf32, #tpu.memory_space<vmem>>, vector<8x128xf32>
      %dot_general3A_269 = arith.constant dense<0.000000e+00> : vector<2048x8xf32>
      %dot_general3A_270 = tpu.matmul %convert_element_type3A_260, %get3A_268, %dot_general3A_269 {dimension_numbers = #tpu.dot_dimension_numbers<[1], [1], [0], [0], [0, 0, 1, 0], [], []>, transpose_lhs_hint = false} : vector<2048x128xf32>, vector<8x128xf32>, vector<2048x8xf32> -> vector<2048x8xf32>
      %get3A_271 = arith.index_cast %rem3A_203 : i32 to index
      %get3A_272 = arith.constant 0 : index
      %get3A_273 = arith.constant 0 : index
      %get3A_274 = vector.load %arg12[%get3A_271, %get3A_272, %get3A_273] : memref<2x2048x8xf32, #tpu.memory_space<vmem>>, vector<1x2048x8xf32>
      %get3A_275 = vector.shape_cast %get3A_274 : vector<1x2048x8xf32> to vector<2048x8xf32>
      %sub3A_276 = arith.subf %get3A_275, %dot_general3A_265 : vector<2048x8xf32>
      %exp3A = math.exp %sub3A_276 : vector<2048x8xf32>
      %jit3A_277 = arith.constant 0.000000e+00 : f32
      %broadcast_in_dim3A_278 = vector.shape_cast %and3A_253 : vector<2048x1xi1> to vector<2048x1xi1>
      %broadcast_in_dim3A_279 = vector.broadcast %broadcast_in_dim3A_278 : vector<2048x1xi1> to vector<2048x8xi1>
      %broadcast_in_dim3A_280 = vector.broadcast %jit3A_277 : f32 to vector<2048x8xf32>
      %select_n3A_281 = arith.select %broadcast_in_dim3A_279, %exp3A, %broadcast_in_dim3A_280 : vector<2048x8xi1>, vector<2048x8xf32>
      %jit3A_282 = arith.constant 1.000000e+00 : f32
      %broadcast_in_dim3A_283 = vector.shape_cast %and3A_253 : vector<2048x1xi1> to vector<2048x1xi1>
      %broadcast_in_dim3A_284 = vector.broadcast %broadcast_in_dim3A_283 : vector<2048x1xi1> to vector<2048x8xi1>
      %broadcast_in_dim3A_285 = vector.broadcast %jit3A_282 : f32 to vector<2048x8xf32>
      %select_n3A_286 = arith.select %broadcast_in_dim3A_284, %dot_general3A_270, %broadcast_in_dim3A_285 : vector<2048x8xi1>, vector<2048x8xf32>
      %div3A_287 = arith.divf %select_n3A_281, %select_n3A_286 : vector<2048x8xf32>
      %mul3A_288 = arith.constant 0.899999976 : f32
      %mul3A_289 = vector.broadcast %mul3A_288 : f32 to vector<2048x8xf32>
      %mul3A_290 = arith.mulf %mul3A_289, %div3A_287 : vector<2048x8xf32>
      %get3A_291 = arith.index_cast %rem3A_203 : i32 to index
      %get3A_292 = arith.constant 0 : index
      %get3A_293 = arith.constant 0 : index
      %get3A_294 = vector.load %arg11[%get3A_291, %get3A_292, %get3A_293] : memref<2x2048x1xf32, #tpu.memory_space<vmem>>, vector<1x2048x1xf32>
      %get3A_295 = vector.shape_cast %get3A_294 : vector<1x2048x1xf32> to vector<2048x1xf32>
      %mul3A_296 = arith.constant 1.000000e-01 : f32
      %mul3A_297 = vector.broadcast %mul3A_296 : f32 to vector<2048x1xf32>
      %mul3A_298 = arith.mulf %mul3A_297, %get3A_295 : vector<2048x1xf32>
      %add3A_299 = vector.broadcast %mul3A_298 : vector<2048x1xf32> to vector<2048x8xf32>
      %add3A_300 = arith.addf %mul3A_290, %add3A_299 : vector<2048x8xf32>
      %exp3A_301 = math.exp %add3A_300 : vector<2048x8xf32>
      %jit3A_302 = arith.constant 0.000000e+00 : f32
      %broadcast_in_dim3A_303 = vector.shape_cast %and3A_253 : vector<2048x1xi1> to vector<2048x1xi1>
      %broadcast_in_dim3A_304 = vector.broadcast %broadcast_in_dim3A_303 : vector<2048x1xi1> to vector<2048x8xi1>
      %broadcast_in_dim3A_305 = vector.broadcast %jit3A_302 : f32 to vector<2048x8xf32>
      %select_n3A_306 = arith.select %broadcast_in_dim3A_304, %exp3A_301, %broadcast_in_dim3A_305 : vector<2048x8xi1>, vector<2048x8xf32>
      %get3A_307 = arith.constant 0 : index
      %get3A_308 = arith.constant 0 : index
      %get3A_309 = vector.load %arg16[%get3A_307, %get3A_308] : memref<8x128xf32, #tpu.memory_space<vmem>>, vector<8x128xf32>
      %dot_general3A_310 = arith.constant dense<0.000000e+00> : vector<8x128xf32>
      %dot_general3A_311 = tpu.matmul %select_n3A_306, %convert_element_type3A_260, %dot_general3A_310 {dimension_numbers = #tpu.dot_dimension_numbers<[0], [0], [1], [1], [0, 1, 1, 1], [], []>, transpose_lhs_hint = false} : vector<2048x8xf32>, vector<2048x128xf32>, vector<8x128xf32> -> vector<8x128xf32>
      %add3A_312 = arith.addf %get3A_309, %dot_general3A_311 : vector<8x128xf32>
      %swap3A_313 = arith.constant 0 : index
      %swap3A_314 = arith.constant 0 : index
      %swap3A_315 = vector.load %arg16[%swap3A_313, %swap3A_314] : memref<8x128xf32, #tpu.memory_space<vmem>>, vector<8x128xf32>
      tpu.vector_store %arg16[%swap3A_313, %swap3A_314], %add3A_312 {strides = array<i32>} : memref<8x128xf32, #tpu.memory_space<vmem>>, vector<8x128xf32>,
    }
    %gt3A_164 = arith.cmpi sgt, %select_n3A_49, %select_n3A : i32
    %convert_element_type3A_165 = arith.extui %gt3A_164 : i1 to i32
    %cond3A_166 = arith.constant 0 : i32
    %cond3A_167 = arith.cmpi ne, %convert_element_type3A_165, %cond3A_166 : i32
    scf.if %cond3A_167 {
      %mul3A_200 = arith.constant 2048 : i32
      %mul3A_201 = arith.muli %select_n3A, %mul3A_200 : i32
      %dma_start3A = arith.constant 0 : i32
      %dma_start3A_202 = arith.constant 0 : i32
      %dma_start3A_203 = tpu.memref_slice %arg18[%dma_start3A_202] : memref<2x!tpu.dma_semaphore, #tpu.memory_space<semaphore_mem>> -> memref<1x!tpu.dma_semaphore, #tpu.memory_space<semaphore_mem>>
      %dma_start3A_204 = tpu.memref_squeeze %dma_start3A_203 : memref<1x!tpu.dma_semaphore, #tpu.memory_space<semaphore_mem>> -> memref<!tpu.dma_semaphore, #tpu.memory_space<semaphore_mem>>
      %dma_start3A_205 = arith.constant 0 : i32
      %dma_start3A_206 = arith.constant 0 : i32
      %dma_start3A_207 = tpu.memref_slice %arg9[%dma_start3A, %dma_start3A_205, %dma_start3A_206] : memref<2x2048x128xf32, #tpu.memory_space<vmem>> -> memref<1x2048x128xf32, #tpu.memory_space<vmem>>
      %dma_start3A_208 = tpu.memref_squeeze %dma_start3A_207 : memref<1x2048x128xf32, #tpu.memory_space<vmem>> -> memref<2048x128xf32, #tpu.memory_space<vmem>>
      %dma_start3A_209 = arith.constant 0 : i32
      %dma_start3A_210 = tpu.memref_slice %arg4[%mul3A_201, %dma_start3A_209] : memref<323584x128xf32, #tpu.memory_space<any>> -> memref<2048x128xf32, #tpu.memory_space<any>>
      tpu.enqueue_dma source(%dma_start3A_210 : memref<2048x128xf32, #tpu.memory_space<any>>) target(%dma_start3A_208 : memref<2048x128xf32, #tpu.memory_space<vmem>>) target_semaphore(%dma_start3A_204 : memref<!tpu.dma_semaphore, #tpu.memory_space<semaphore_mem>>)
      %mul3A_211 = arith.constant 2048 : i32
      %mul3A_212 = arith.muli %select_n3A, %mul3A_211 : i32
      %dma_start3A_213 = arith.constant 0 : i32
      %dma_start3A_214 = arith.constant 0 : i32
      %dma_start3A_215 = tpu.memref_slice %arg21[%dma_start3A_214] : memref<2x!tpu.dma_semaphore, #tpu.memory_space<semaphore_mem>> -> memref<1x!tpu.dma_semaphore, #tpu.memory_space<semaphore_mem>>
      %dma_start3A_216 = tpu.memref_squeeze %dma_start3A_215 : memref<1x!tpu.dma_semaphore, #tpu.memory_space<semaphore_mem>> -> memref<!tpu.dma_semaphore, #tpu.memory_space<semaphore_mem>>
      %dma_start3A_217 = arith.constant 0 : i32
      %dma_start3A_218 = arith.constant 0 : i32
      %dma_start3A_219 = tpu.memref_slice %arg12[%dma_start3A_213, %dma_start3A_217, %dma_start3A_218] : memref<2x2048x8xf32, #tpu.memory_space<vmem>> -> memref<1x2048x8xf32, #tpu.memory_space<vmem>>
      %dma_start3A_220 = tpu.memref_squeeze %dma_start3A_219 : memref<1x2048x8xf32, #tpu.memory_space<vmem>> -> memref<2048x8xf32, #tpu.memory_space<vmem>>
      %dma_start3A_221 = arith.constant 0 : i32
      %dma_start3A_222 = tpu.memref_slice %arg8[%mul3A_212, %dma_start3A_221] : memref<323584x8xf32, #tpu.memory_space<any>> -> memref<2048x8xf32, #tpu.memory_space<any>>
      tpu.enqueue_dma source(%dma_start3A_222 : memref<2048x8xf32, #tpu.memory_space<any>>) target(%dma_start3A_220 : memref<2048x8xf32, #tpu.memory_space<vmem>>) target_semaphore(%dma_start3A_216 : memref<!tpu.dma_semaphore, #tpu.memory_space<semaphore_mem>>)
      %mul3A_223 = arith.constant 2048 : i32
      %mul3A_224 = arith.muli %select_n3A, %mul3A_223 : i32
      %dma_start3A_225 = arith.constant 0 : i32
      %dma_start3A_226 = arith.constant 0 : i32
      %dma_start3A_227 = tpu.memref_slice %arg19[%dma_start3A_226] : memref<2x!tpu.dma_semaphore, #tpu.memory_space<semaphore_mem>> -> memref<1x!tpu.dma_semaphore, #tpu.memory_space<semaphore_mem>>
      %dma_start3A_228 = tpu.memref_squeeze %dma_start3A_227 : memref<1x!tpu.dma_semaphore, #tpu.memory_space<semaphore_mem>> -> memref<!tpu.dma_semaphore, #tpu.memory_space<semaphore_mem>>
      %dma_start3A_229 = arith.constant 0 : i32
      %dma_start3A_230 = arith.constant 0 : i32
      %dma_start3A_231 = tpu.memref_slice %arg10[%dma_start3A_225, %dma_start3A_229, %dma_start3A_230] : memref<2x2048x1xi32, #tpu.memory_space<vmem>> -> memref<1x2048x1xi32, #tpu.memory_space<vmem>>
      %dma_start3A_232 = tpu.memref_squeeze %dma_start3A_231 : memref<1x2048x1xi32, #tpu.memory_space<vmem>> -> memref<2048x1xi32, #tpu.memory_space<vmem>>
      %dma_start3A_233 = arith.constant 0 : i32
      %dma_start3A_234 = tpu.memref_slice %arg5[%mul3A_224, %dma_start3A_233] : memref<323584x1xi32, #tpu.memory_space<any>> -> memref<2048x1xi32, #tpu.memory_space<any>>
      tpu.enqueue_dma source(%dma_start3A_234 : memref<2048x1xi32, #tpu.memory_space<any>>) target(%dma_start3A_232 : memref<2048x1xi32, #tpu.memory_space<vmem>>) target_semaphore(%dma_start3A_228 : memref<!tpu.dma_semaphore, #tpu.memory_space<semaphore_mem>>)
      %mul3A_235 = arith.constant 2048 : i32
      %mul3A_236 = arith.muli %select_n3A, %mul3A_235 : i32
      %dma_start3A_237 = arith.constant 0 : i32
      %dma_start3A_238 = arith.constant 0 : i32
      %dma_start3A_239 = tpu.memref_slice %arg20[%dma_start3A_238] : memref<2x!tpu.dma_semaphore, #tpu.memory_space<semaphore_mem>> -> memref<1x!tpu.dma_semaphore, #tpu.memory_space<semaphore_mem>>
      %dma_start3A_240 = tpu.memref_squeeze %dma_start3A_239 : memref<1x!tpu.dma_semaphore, #tpu.memory_space<semaphore_mem>> -> memref<!tpu.dma_semaphore, #tpu.memory_space<semaphore_mem>>
      %dma_start3A_241 = arith.constant 0 : i32
      %dma_start3A_242 = arith.constant 0 : i32
      %dma_start3A_243 = tpu.memref_slice %arg11[%dma_start3A_237, %dma_start3A_241, %dma_start3A_242] : memref<2x2048x1xf32, #tpu.memory_space<vmem>> -> memref<1x2048x1xf32, #tpu.memory_space<vmem>>
      %dma_start3A_244 = tpu.memref_squeeze %dma_start3A_243 : memref<1x2048x1xf32, #tpu.memory_space<vmem>> -> memref<2048x1xf32, #tpu.memory_space<vmem>>
      %dma_start3A_245 = arith.constant 0 : i32
      %dma_start3A_246 = tpu.memref_slice %arg6[%mul3A_236, %dma_start3A_245] : memref<323584x1xf32, #tpu.memory_space<any>> -> memref<2048x1xf32, #tpu.memory_space<any>>
      tpu.enqueue_dma source(%dma_start3A_246 : memref<2048x1xf32, #tpu.memory_space<any>>) target(%dma_start3A_244 : memref<2048x1xf32, #tpu.memory_space<vmem>>) target_semaphore(%dma_start3A_240 : memref<!tpu.dma_semaphore, #tpu.memory_space<semaphore_mem>>)
    } else {
    }
    %while3A_168 = arith.constant 0 : i32
    %while3A_169 = arith.subi %select_n3A_49, %select_n3A : i32
    %while3A_170 = arith.addi %select_n3A, %while3A_169 : i32
    %while3A_171 = arith.constant 1 : i32
    %while3A_172 = arith.divsi %while3A_169, %while3A_171 : i32
    %while3A_173 = arith.muli %while3A_172, %while3A_171 : i32
    %while3A_174 = arith.addi %select_n3A, %while3A_173 : i32
    %while3A_175 = arith.constant 1 : i32
    scf.for %while3A_200 = %select_n3A to %while3A_174 step %while3A_175  : i32 {
      %sub3A_201 = arith.subi %while3A_200, %select_n3A : i32
      %rem3A_202 = arith.constant 2 : i32
      %rem3A_203 = arith.remsi %sub3A_201, %rem3A_202 : i32
      %mul3A_204 = arith.constant 2048 : i32
      %mul3A_205 = arith.muli %while3A_200, %mul3A_204 : i32
      %dma_wait3A = tpu.memref_slice %arg18[%rem3A_203] : memref<2x!tpu.dma_semaphore, #tpu.memory_space<semaphore_mem>> -> memref<1x!tpu.dma_semaphore, #tpu.memory_space<semaphore_mem>>
      %dma_wait3A_206 = tpu.memref_squeeze %dma_wait3A : memref<1x!tpu.dma_semaphore, #tpu.memory_space<semaphore_mem>> -> memref<!tpu.dma_semaphore, #tpu.memory_space<semaphore_mem>>
      %dma_wait3A_207 = arith.constant 0 : i32
      %dma_wait3A_208 = arith.constant 0 : i32
      %dma_wait3A_209 = tpu.memref_slice %arg9[%rem3A_203, %dma_wait3A_207, %dma_wait3A_208] : memref<2x2048x128xf32, #tpu.memory_space<vmem>> -> memref<1x2048x128xf32, #tpu.memory_space<vmem>>
      %dma_wait3A_210 = tpu.memref_squeeze %dma_wait3A_209 : memref<1x2048x128xf32, #tpu.memory_space<vmem>> -> memref<2048x128xf32, #tpu.memory_space<vmem>>
      %dma_wait3A_211 = arith.constant 0 : i32
      %dma_wait3A_212 = tpu.memref_slice %arg4[%mul3A_205, %dma_wait3A_211] : memref<323584x128xf32, #tpu.memory_space<any>> -> memref<2048x128xf32, #tpu.memory_space<any>>
      tpu.wait_dma2 semaphore(%dma_wait3A_206 : memref<!tpu.dma_semaphore, #tpu.memory_space<semaphore_mem>>) src(%dma_wait3A_212 : memref<2048x128xf32, #tpu.memory_space<any>>) dst(%dma_wait3A_210 : memref<2048x128xf32, #tpu.memory_space<vmem>>)
      %mul3A_213 = arith.constant 2048 : i32
      %mul3A_214 = arith.muli %while3A_200, %mul3A_213 : i32
      %dma_wait3A_215 = tpu.memref_slice %arg21[%rem3A_203] : memref<2x!tpu.dma_semaphore, #tpu.memory_space<semaphore_mem>> -> memref<1x!tpu.dma_semaphore, #tpu.memory_space<semaphore_mem>>
      %dma_wait3A_216 = tpu.memref_squeeze %dma_wait3A_215 : memref<1x!tpu.dma_semaphore, #tpu.memory_space<semaphore_mem>> -> memref<!tpu.dma_semaphore, #tpu.memory_space<semaphore_mem>>
      %dma_wait3A_217 = arith.constant 0 : i32
      %dma_wait3A_218 = arith.constant 0 : i32
      %dma_wait3A_219 = tpu.memref_slice %arg12[%rem3A_203, %dma_wait3A_217, %dma_wait3A_218] : memref<2x2048x8xf32, #tpu.memory_space<vmem>> -> memref<1x2048x8xf32, #tpu.memory_space<vmem>>
      %dma_wait3A_220 = tpu.memref_squeeze %dma_wait3A_219 : memref<1x2048x8xf32, #tpu.memory_space<vmem>> -> memref<2048x8xf32, #tpu.memory_space<vmem>>
      %dma_wait3A_221 = arith.constant 0 : i32
      %dma_wait3A_222 = tpu.memref_slice %arg8[%mul3A_214, %dma_wait3A_221] : memref<323584x8xf32, #tpu.memory_space<any>> -> memref<2048x8xf32, #tpu.memory_space<any>>
      tpu.wait_dma2 semaphore(%dma_wait3A_216 : memref<!tpu.dma_semaphore, #tpu.memory_space<semaphore_mem>>) src(%dma_wait3A_222 : memref<2048x8xf32, #tpu.memory_space<any>>) dst(%dma_wait3A_220 : memref<2048x8xf32, #tpu.memory_space<vmem>>)
      %mul3A_223 = arith.constant 2048 : i32
      %mul3A_224 = arith.muli %while3A_200, %mul3A_223 : i32
      %dma_wait3A_225 = tpu.memref_slice %arg19[%rem3A_203] : memref<2x!tpu.dma_semaphore, #tpu.memory_space<semaphore_mem>> -> memref<1x!tpu.dma_semaphore, #tpu.memory_space<semaphore_mem>>
      %dma_wait3A_226 = tpu.memref_squeeze %dma_wait3A_225 : memref<1x!tpu.dma_semaphore, #tpu.memory_space<semaphore_mem>> -> memref<!tpu.dma_semaphore, #tpu.memory_space<semaphore_mem>>
      %dma_wait3A_227 = arith.constant 0 : i32
      %dma_wait3A_228 = arith.constant 0 : i32
      %dma_wait3A_229 = tpu.memref_slice %arg10[%rem3A_203, %dma_wait3A_227, %dma_wait3A_228] : memref<2x2048x1xi32, #tpu.memory_space<vmem>> -> memref<1x2048x1xi32, #tpu.memory_space<vmem>>
      %dma_wait3A_230 = tpu.memref_squeeze %dma_wait3A_229 : memref<1x2048x1xi32, #tpu.memory_space<vmem>> -> memref<2048x1xi32, #tpu.memory_space<vmem>>
      %dma_wait3A_231 = arith.constant 0 : i32
      %dma_wait3A_232 = tpu.memref_slice %arg5[%mul3A_224, %dma_wait3A_231] : memref<323584x1xi32, #tpu.memory_space<any>> -> memref<2048x1xi32, #tpu.memory_space<any>>
      tpu.wait_dma2 semaphore(%dma_wait3A_226 : memref<!tpu.dma_semaphore, #tpu.memory_space<semaphore_mem>>) src(%dma_wait3A_232 : memref<2048x1xi32, #tpu.memory_space<any>>) dst(%dma_wait3A_230 : memref<2048x1xi32, #tpu.memory_space<vmem>>)
      %mul3A_233 = arith.constant 2048 : i32
      %mul3A_234 = arith.muli %while3A_200, %mul3A_233 : i32
      %dma_wait3A_235 = tpu.memref_slice %arg20[%rem3A_203] : memref<2x!tpu.dma_semaphore, #tpu.memory_space<semaphore_mem>> -> memref<1x!tpu.dma_semaphore, #tpu.memory_space<semaphore_mem>>
      %dma_wait3A_236 = tpu.memref_squeeze %dma_wait3A_235 : memref<1x!tpu.dma_semaphore, #tpu.memory_space<semaphore_mem>> -> memref<!tpu.dma_semaphore, #tpu.memory_space<semaphore_mem>>
      %dma_wait3A_237 = arith.constant 0 : i32
      %dma_wait3A_238 = arith.constant 0 : i32
      %dma_wait3A_239 = tpu.memref_slice %arg11[%rem3A_203, %dma_wait3A_237, %dma_wait3A_238] : memref<2x2048x1xf32, #tpu.memory_space<vmem>> -> memref<1x2048x1xf32, #tpu.memory_space<vmem>>
      %dma_wait3A_240 = tpu.memref_squeeze %dma_wait3A_239 : memref<1x2048x1xf32, #tpu.memory_space<vmem>> -> memref<2048x1xf32, #tpu.memory_space<vmem>>
      %dma_wait3A_241 = arith.constant 0 : i32
      %dma_wait3A_242 = tpu.memref_slice %arg6[%mul3A_234, %dma_wait3A_241] : memref<323584x1xf32, #tpu.memory_space<any>> -> memref<2048x1xf32, #tpu.memory_space<any>>
      tpu.wait_dma2 semaphore(%dma_wait3A_236 : memref<!tpu.dma_semaphore, #tpu.memory_space<semaphore_mem>>) src(%dma_wait3A_242 : memref<2048x1xf32, #tpu.memory_space<any>>) dst(%dma_wait3A_240 : memref<2048x1xf32, #tpu.memory_space<vmem>>)
      %add3A_243 = arith.constant 1 : i32
      %add3A_244 = arith.addi %while3A_200, %add3A_243 : i32
      %lt3A = arith.cmpi slt, %add3A_244, %select_n3A_49 : i32
      %convert_element_type3A_245 = arith.extui %lt3A : i1 to i32
      %cond3A_246 = arith.constant 0 : i32
      %cond3A_247 = arith.cmpi ne, %convert_element_type3A_245, %cond3A_246 : i32
      scf.if %cond3A_247 {
        %sub3A_350 = arith.constant 1 : i32
        %sub3A_351 = arith.subi %sub3A_350, %rem3A_203 : i32
        %add3A_352 = arith.constant 1 : i32
        %add3A_353 = arith.addi %while3A_200, %add3A_352 : i32
        %mul3A_354 = arith.constant 2048 : i32
        %mul3A_355 = arith.muli %add3A_353, %mul3A_354 : i32
        %dma_start3A = tpu.memref_slice %arg18[%sub3A_351] : memref<2x!tpu.dma_semaphore, #tpu.memory_space<semaphore_mem>> -> memref<1x!tpu.dma_semaphore, #tpu.memory_space<semaphore_mem>>
        %dma_start3A_356 = tpu.memref_squeeze %dma_start3A : memref<1x!tpu.dma_semaphore, #tpu.memory_space<semaphore_mem>> -> memref<!tpu.dma_semaphore, #tpu.memory_space<semaphore_mem>>
        %dma_start3A_357 = arith.constant 0 : i32
        %dma_start3A_358 = arith.constant 0 : i32
        %dma_start3A_359 = tpu.memref_slice %arg9[%sub3A_351, %dma_start3A_357, %dma_start3A_358] : memref<2x2048x128xf32, #tpu.memory_space<vmem>> -> memref<1x2048x128xf32, #tpu.memory_space<vmem>>
        %dma_start3A_360 = tpu.memref_squeeze %dma_start3A_359 : memref<1x2048x128xf32, #tpu.memory_space<vmem>> -> memref<2048x128xf32, #tpu.memory_space<vmem>>
        %dma_start3A_361 = arith.constant 0 : i32
        %dma_start3A_362 = tpu.memref_slice %arg4[%mul3A_355, %dma_start3A_361] : memref<323584x128xf32, #tpu.memory_space<any>> -> memref<2048x128xf32, #tpu.memory_space<any>>
        tpu.enqueue_dma source(%dma_start3A_362 : memref<2048x128xf32, #tpu.memory_space<any>>) target(%dma_start3A_360 : memref<2048x128xf32, #tpu.memory_space<vmem>>) target_semaphore(%dma_start3A_356 : memref<!tpu.dma_semaphore, #tpu.memory_space<semaphore_mem>>)
        %add3A_363 = arith.constant 1 : i32
        %add3A_364 = arith.addi %while3A_200, %add3A_363 : i32
        %mul3A_365 = arith.constant 2048 : i32
        %mul3A_366 = arith.muli %add3A_364, %mul3A_365 : i32
        %dma_start3A_367 = tpu.memref_slice %arg21[%sub3A_351] : memref<2x!tpu.dma_semaphore, #tpu.memory_space<semaphore_mem>> -> memref<1x!tpu.dma_semaphore, #tpu.memory_space<semaphore_mem>>
        %dma_start3A_368 = tpu.memref_squeeze %dma_start3A_367 : memref<1x!tpu.dma_semaphore, #tpu.memory_space<semaphore_mem>> -> memref<!tpu.dma_semaphore, #tpu.memory_space<semaphore_mem>>
        %dma_start3A_369 = arith.constant 0 : i32
        %dma_start3A_370 = arith.constant 0 : i32
        %dma_start3A_371 = tpu.memref_slice %arg12[%sub3A_351, %dma_start3A_369, %dma_start3A_370] : memref<2x2048x8xf32, #tpu.memory_space<vmem>> -> memref<1x2048x8xf32, #tpu.memory_space<vmem>>
        %dma_start3A_372 = tpu.memref_squeeze %dma_start3A_371 : memref<1x2048x8xf32, #tpu.memory_space<vmem>> -> memref<2048x8xf32, #tpu.memory_space<vmem>>
        %dma_start3A_373 = arith.constant 0 : i32
        %dma_start3A_374 = tpu.memref_slice %arg8[%mul3A_366, %dma_start3A_373] : memref<323584x8xf32, #tpu.memory_space<any>> -> memref<2048x8xf32, #tpu.memory_space<any>>
        tpu.enqueue_dma source(%dma_start3A_374 : memref<2048x8xf32, #tpu.memory_space<any>>) target(%dma_start3A_372 : memref<2048x8xf32, #tpu.memory_space<vmem>>) target_semaphore(%dma_start3A_368 : memref<!tpu.dma_semaphore, #tpu.memory_space<semaphore_mem>>)
        %add3A_375 = arith.constant 1 : i32
        %add3A_376 = arith.addi %while3A_200, %add3A_375 : i32
        %mul3A_377 = arith.constant 2048 : i32
        %mul3A_378 = arith.muli %add3A_376, %mul3A_377 : i32
        %dma_start3A_379 = tpu.memref_slice %arg19[%sub3A_351] : memref<2x!tpu.dma_semaphore, #tpu.memory_space<semaphore_mem>> -> memref<1x!tpu.dma_semaphore, #tpu.memory_space<semaphore_mem>>
        %dma_start3A_380 = tpu.memref_squeeze %dma_start3A_379 : memref<1x!tpu.dma_semaphore, #tpu.memory_space<semaphore_mem>> -> memref<!tpu.dma_semaphore, #tpu.memory_space<semaphore_mem>>
        %dma_start3A_381 = arith.constant 0 : i32
        %dma_start3A_382 = arith.constant 0 : i32
        %dma_start3A_383 = tpu.memref_slice %arg10[%sub3A_351, %dma_start3A_381, %dma_start3A_382] : memref<2x2048x1xi32, #tpu.memory_space<vmem>> -> memref<1x2048x1xi32, #tpu.memory_space<vmem>>
        %dma_start3A_384 = tpu.memref_squeeze %dma_start3A_383 : memref<1x2048x1xi32, #tpu.memory_space<vmem>> -> memref<2048x1xi32, #tpu.memory_space<vmem>>
        %dma_start3A_385 = arith.constant 0 : i32
        %dma_start3A_386 = tpu.memref_slice %arg5[%mul3A_378, %dma_start3A_385] : memref<323584x1xi32, #tpu.memory_space<any>> -> memref<2048x1xi32, #tpu.memory_space<any>>
        tpu.enqueue_dma source(%dma_start3A_386 : memref<2048x1xi32, #tpu.memory_space<any>>) target(%dma_start3A_384 : memref<2048x1xi32, #tpu.memory_space<vmem>>) target_semaphore(%dma_start3A_380 : memref<!tpu.dma_semaphore, #tpu.memory_space<semaphore_mem>>)
        %add3A_387 = arith.constant 1 : i32
        %add3A_388 = arith.addi %while3A_200, %add3A_387 : i32
        %mul3A_389 = arith.constant 2048 : i32
        %mul3A_390 = arith.muli %add3A_388, %mul3A_389 : i32
        %dma_start3A_391 = tpu.memref_slice %arg20[%sub3A_351] : memref<2x!tpu.dma_semaphore, #tpu.memory_space<semaphore_mem>> -> memref<1x!tpu.dma_semaphore, #tpu.memory_space<semaphore_mem>>
        %dma_start3A_392 = tpu.memref_squeeze %dma_start3A_391 : memref<1x!tpu.dma_semaphore, #tpu.memory_space<semaphore_mem>> -> memref<!tpu.dma_semaphore, #tpu.memory_space<semaphore_mem>>
        %dma_start3A_393 = arith.constant 0 : i32
        %dma_start3A_394 = arith.constant 0 : i32
        %dma_start3A_395 = tpu.memref_slice %arg11[%sub3A_351, %dma_start3A_393, %dma_start3A_394] : memref<2x2048x1xf32, #tpu.memory_space<vmem>> -> memref<1x2048x1xf32, #tpu.memory_space<vmem>>
        %dma_start3A_396 = tpu.memref_squeeze %dma_start3A_395 : memref<1x2048x1xf32, #tpu.memory_space<vmem>> -> memref<2048x1xf32, #tpu.memory_space<vmem>>
        %dma_start3A_397 = arith.constant 0 : i32
        %dma_start3A_398 = tpu.memref_slice %arg6[%mul3A_390, %dma_start3A_397] : memref<323584x1xf32, #tpu.memory_space<any>> -> memref<2048x1xf32, #tpu.memory_space<any>>
        tpu.enqueue_dma source(%dma_start3A_398 : memref<2048x1xf32, #tpu.memory_space<any>>) target(%dma_start3A_396 : memref<2048x1xf32, #tpu.memory_space<vmem>>) target_semaphore(%dma_start3A_392 : memref<!tpu.dma_semaphore, #tpu.memory_space<semaphore_mem>>)
      } else {
      }
      %mul3A_248 = arith.constant 2048 : i32
      %mul3A_249 = arith.muli %while3A_200, %mul3A_248 : i32
      %get3A_250 = arith.index_cast %rem3A_203 : i32 to index
      %get3A_251 = arith.constant 0 : index
      %get3A_252 = arith.constant 0 : index
      %get3A_253 = vector.load %arg10[%get3A_250, %get3A_251, %get3A_252] : memref<2x2048x1xi32, #tpu.memory_space<vmem>>, vector<1x2048x1xi32>
      %get3A_254 = vector.shape_cast %get3A_253 : vector<1x2048x1xi32> to vector<2048x1xi32>
      %sub3A_255 = vector.broadcast %mul3A_0 : i32 to vector<2048x1xi32>
      %sub3A_256 = arith.subi %get3A_254, %sub3A_255 : vector<2048x1xi32>
      %iota3A_257 = tpu.iota {dimensions = array<i32: 0>} : vector<2048x1xi32>
      %add3A_258 = vector.broadcast %mul3A_249 : i32 to vector<2048x1xi32>
      %add3A_259 = arith.addi %add3A_258, %iota3A_257 : vector<2048x1xi32>
      %ge3A = vector.broadcast %get3A_1 : i32 to vector<2048x1xi32>
      %ge3A_260 = arith.cmpi sge, %add3A_259, %ge3A : vector<2048x1xi32>
      %lt3A_261 = vector.broadcast %get3A_4 : i32 to vector<2048x1xi32>
      %lt3A_262 = arith.cmpi slt, %add3A_259, %lt3A_261 : vector<2048x1xi32>
      %and3A_263 = arith.andi %ge3A_260, %lt3A_262 : vector<2048x1xi1>
      %iota3A_264 = tpu.iota {dimensions = array<i32: 1>} : vector<2048x128xi32>
      %eq3A_265 = vector.broadcast %sub3A_256 : vector<2048x1xi32> to vector<2048x128xi32>
      %eq3A_266 = arith.cmpi eq, %eq3A_265, %iota3A_264 : vector<2048x128xi32>
      %and3A_267 = vector.broadcast %and3A_263 : vector<2048x1xi1> to vector<2048x128xi1>
      %and3A_268 = arith.andi %eq3A_266, %and3A_267 : vector<2048x128xi1>
      %convert_element_type3A_269 = arith.extui %and3A_268 : vector<2048x128xi1> to vector<2048x128xi32>
      %convert_element_type3A_270 = arith.sitofp %convert_element_type3A_269 : vector<2048x128xi32> to vector<2048x128xf32>
      %get3A_271 = arith.constant 0 : index
      %get3A_272 = arith.constant 0 : index
      %get3A_273 = vector.load %arg14[%get3A_271, %get3A_272] : memref<8x128xf32, #tpu.memory_space<vmem>>, vector<8x128xf32>
      %dot_general3A_274 = arith.constant dense<0.000000e+00> : vector<2048x8xf32>
      %dot_general3A_275 = tpu.matmul %convert_element_type3A_270, %get3A_273, %dot_general3A_274 {dimension_numbers = #tpu.dot_dimension_numbers<[1], [1], [0], [0], [0, 0, 1, 0], [], []>, transpose_lhs_hint = false} : vector<2048x128xf32>, vector<8x128xf32>, vector<2048x8xf32> -> vector<2048x8xf32>
      %get3A_276 = arith.constant 0 : index
      %get3A_277 = arith.constant 0 : index
      %get3A_278 = vector.load %arg15[%get3A_276, %get3A_277] : memref<8x128xf32, #tpu.memory_space<vmem>>, vector<8x128xf32>
      %dot_general3A_279 = arith.constant dense<0.000000e+00> : vector<2048x8xf32>
      %dot_general3A_280 = tpu.matmul %convert_element_type3A_270, %get3A_278, %dot_general3A_279 {dimension_numbers = #tpu.dot_dimension_numbers<[1], [1], [0], [0], [0, 0, 1, 0], [], []>, transpose_lhs_hint = false} : vector<2048x128xf32>, vector<8x128xf32>, vector<2048x8xf32> -> vector<2048x8xf32>
      %get3A_281 = arith.constant 0 : index
      %get3A_282 = arith.constant 0 : index
      %get3A_283 = vector.load %arg16[%get3A_281, %get3A_282] : memref<8x128xf32, #tpu.memory_space<vmem>>, vector<8x128xf32>
      %dot_general3A_284 = arith.constant dense<0.000000e+00> : vector<2048x8xf32>
      %dot_general3A_285 = tpu.matmul %convert_element_type3A_270, %get3A_283, %dot_general3A_284 {dimension_numbers = #tpu.dot_dimension_numbers<[1], [1], [0], [0], [0, 0, 1, 0], [], []>, transpose_lhs_hint = false} : vector<2048x128xf32>, vector<8x128xf32>, vector<2048x8xf32> -> vector<2048x8xf32>
      %get3A_286 = arith.index_cast %rem3A_203 : i32 to index
      %get3A_287 = arith.constant 0 : index
      %get3A_288 = arith.constant 0 : index
      %get3A_289 = vector.load %arg12[%get3A_286, %get3A_287, %get3A_288] : memref<2x2048x8xf32, #tpu.memory_space<vmem>>, vector<1x2048x8xf32>
      %get3A_290 = vector.shape_cast %get3A_289 : vector<1x2048x8xf32> to vector<2048x8xf32>
      %sub3A_291 = arith.subf %get3A_290, %dot_general3A_275 : vector<2048x8xf32>
      %exp3A = math.exp %sub3A_291 : vector<2048x8xf32>
      %jit3A_292 = arith.constant 0.000000e+00 : f32
      %broadcast_in_dim3A_293 = vector.shape_cast %and3A_263 : vector<2048x1xi1> to vector<2048x1xi1>
      %broadcast_in_dim3A_294 = vector.broadcast %broadcast_in_dim3A_293 : vector<2048x1xi1> to vector<2048x8xi1>
      %broadcast_in_dim3A_295 = vector.broadcast %jit3A_292 : f32 to vector<2048x8xf32>
      %select_n3A_296 = arith.select %broadcast_in_dim3A_294, %exp3A, %broadcast_in_dim3A_295 : vector<2048x8xi1>, vector<2048x8xf32>
      %jit3A_297 = arith.constant 1.000000e+00 : f32
      %broadcast_in_dim3A_298 = vector.shape_cast %and3A_263 : vector<2048x1xi1> to vector<2048x1xi1>
      %broadcast_in_dim3A_299 = vector.broadcast %broadcast_in_dim3A_298 : vector<2048x1xi1> to vector<2048x8xi1>
      %broadcast_in_dim3A_300 = vector.broadcast %jit3A_297 : f32 to vector<2048x8xf32>
      %select_n3A_301 = arith.select %broadcast_in_dim3A_299, %dot_general3A_280, %broadcast_in_dim3A_300 : vector<2048x8xi1>, vector<2048x8xf32>
      %div3A_302 = arith.divf %select_n3A_296, %select_n3A_301 : vector<2048x8xf32>
      %mul3A_303 = arith.constant 0.899999976 : f32
      %mul3A_304 = vector.broadcast %mul3A_303 : f32 to vector<2048x8xf32>
      %mul3A_305 = arith.mulf %mul3A_304, %div3A_302 : vector<2048x8xf32>
      %get3A_306 = arith.index_cast %rem3A_203 : i32 to index
      %get3A_307 = arith.constant 0 : index
      %get3A_308 = arith.constant 0 : index
      %get3A_309 = vector.load %arg11[%get3A_306, %get3A_307, %get3A_308] : memref<2x2048x1xf32, #tpu.memory_space<vmem>>, vector<1x2048x1xf32>
      %get3A_310 = vector.shape_cast %get3A_309 : vector<1x2048x1xf32> to vector<2048x1xf32>
      %mul3A_311 = arith.constant 1.000000e-01 : f32
      %mul3A_312 = vector.broadcast %mul3A_311 : f32 to vector<2048x1xf32>
      %mul3A_313 = arith.mulf %mul3A_312, %get3A_310 : vector<2048x1xf32>
      %add3A_314 = vector.broadcast %mul3A_313 : vector<2048x1xf32> to vector<2048x8xf32>
      %add3A_315 = arith.addf %mul3A_305, %add3A_314 : vector<2048x8xf32>
      %exp3A_316 = math.exp %add3A_315 : vector<2048x8xf32>
      %jit3A_317 = arith.constant 0.000000e+00 : f32
      %broadcast_in_dim3A_318 = vector.shape_cast %and3A_263 : vector<2048x1xi1> to vector<2048x1xi1>
      %broadcast_in_dim3A_319 = vector.broadcast %broadcast_in_dim3A_318 : vector<2048x1xi1> to vector<2048x8xi1>
      %broadcast_in_dim3A_320 = vector.broadcast %jit3A_317 : f32 to vector<2048x8xf32>
      %select_n3A_321 = arith.select %broadcast_in_dim3A_319, %exp3A_316, %broadcast_in_dim3A_320 : vector<2048x8xi1>, vector<2048x8xf32>
      %jit3A_322 = arith.constant 1.000000e+00 : f32
      %broadcast_in_dim3A_323 = vector.shape_cast %and3A_263 : vector<2048x1xi1> to vector<2048x1xi1>
      %broadcast_in_dim3A_324 = vector.broadcast %broadcast_in_dim3A_323 : vector<2048x1xi1> to vector<2048x8xi1>
      %broadcast_in_dim3A_325 = vector.broadcast %jit3A_322 : f32 to vector<2048x8xf32>
      %select_n3A_326 = arith.select %broadcast_in_dim3A_324, %dot_general3A_285, %broadcast_in_dim3A_325 : vector<2048x8xi1>, vector<2048x8xf32>
      %div3A_327 = arith.divf %select_n3A_321, %select_n3A_326 : vector<2048x8xf32>
      %dot_general3A_328 = arith.constant dense<0.000000e+00> : vector<2048x128xf32>
      %dot_general3A_329 = tpu.matmul %div3A_327, %convert_element_type3A_118, %dot_general3A_328 {dimension_numbers = #tpu.dot_dimension_numbers<[1], [0], [0], [1], [0, 0, 1, 1], [], []>, transpose_lhs_hint = false} : vector<2048x8xf32>, vector<8x128xf32>, vector<2048x128xf32> -> vector<2048x128xf32>
      %get3A_330 = arith.index_cast %rem3A_203 : i32 to index
      %get3A_331 = arith.constant 0 : index
      %get3A_332 = arith.constant 0 : index
      %get3A_333 = vector.load %arg9[%get3A_330, %get3A_331, %get3A_332] : memref<2x2048x128xf32, #tpu.memory_space<vmem>>, vector<1x2048x128xf32>
      %get3A_334 = vector.shape_cast %get3A_333 : vector<1x2048x128xf32> to vector<2048x128xf32>
      %mul3A_335 = arith.mulf %get3A_334, %dot_general3A_329 : vector<2048x128xf32>
      %jit3A_336 = arith.constant 0.000000e+00 : f32
      %broadcast_in_dim3A_337 = vector.shape_cast %and3A_263 : vector<2048x1xi1> to vector<2048x1xi1>
      %broadcast_in_dim3A_338 = vector.broadcast %broadcast_in_dim3A_337 : vector<2048x1xi1> to vector<2048x128xi1>
      %broadcast_in_dim3A_339 = vector.broadcast %jit3A_336 : f32 to vector<2048x128xf32>
      %select_n3A_340 = arith.select %broadcast_in_dim3A_338, %mul3A_335, %broadcast_in_dim3A_339 : vector<2048x128xi1>, vector<2048x128xf32>
      %get3A_341 = arith.constant 0 : index
      %get3A_342 = arith.constant 0 : index
      %get3A_343 = vector.load %arg17[%get3A_341, %get3A_342] : memref<128x128xf32, #tpu.memory_space<vmem>>, vector<128x128xf32>
      %dot_general3A_344 = arith.constant dense<0.000000e+00> : vector<128x128xf32>
      %dot_general3A_345 = tpu.matmul %convert_element_type3A_270, %select_n3A_340, %dot_general3A_344 {dimension_numbers = #tpu.dot_dimension_numbers<[0], [0], [1], [1], [0, 1, 1, 1], [], []>, transpose_lhs_hint = false} : vector<2048x128xf32>, vector<2048x128xf32>, vector<128x128xf32> -> vector<128x128xf32>
      %add3A_346 = arith.addf %get3A_343, %dot_general3A_345 : vector<128x128xf32>
      %swap3A_347 = arith.constant 0 : index
      %swap3A_348 = arith.constant 0 : index
      %swap3A_349 = vector.load %arg17[%swap3A_347, %swap3A_348] : memref<128x128xf32, #tpu.memory_space<vmem>>, vector<128x128xf32>
      tpu.vector_store %arg17[%swap3A_347, %swap3A_348], %add3A_346 {strides = array<i32>} : memref<128x128xf32, #tpu.memory_space<vmem>>, vector<128x128xf32>,
    }
    %while3A_176 = arith.constant 1 : i32
    scf.for %while3A_200 = %while3A_174 to %while3A_170 step %while3A_176  : i32 {
      %sub3A_201 = arith.subi %while3A_200, %select_n3A : i32
      %rem3A_202 = arith.constant 2 : i32
      %rem3A_203 = arith.remsi %sub3A_201, %rem3A_202 : i32
      %mul3A_204 = arith.constant 2048 : i32
      %mul3A_205 = arith.muli %while3A_200, %mul3A_204 : i32
      %dma_wait3A = tpu.memref_slice %arg18[%rem3A_203] : memref<2x!tpu.dma_semaphore, #tpu.memory_space<semaphore_mem>> -> memref<1x!tpu.dma_semaphore, #tpu.memory_space<semaphore_mem>>
      %dma_wait3A_206 = tpu.memref_squeeze %dma_wait3A : memref<1x!tpu.dma_semaphore, #tpu.memory_space<semaphore_mem>> -> memref<!tpu.dma_semaphore, #tpu.memory_space<semaphore_mem>>
      %dma_wait3A_207 = arith.constant 0 : i32
      %dma_wait3A_208 = arith.constant 0 : i32
      %dma_wait3A_209 = tpu.memref_slice %arg9[%rem3A_203, %dma_wait3A_207, %dma_wait3A_208] : memref<2x2048x128xf32, #tpu.memory_space<vmem>> -> memref<1x2048x128xf32, #tpu.memory_space<vmem>>
      %dma_wait3A_210 = tpu.memref_squeeze %dma_wait3A_209 : memref<1x2048x128xf32, #tpu.memory_space<vmem>> -> memref<2048x128xf32, #tpu.memory_space<vmem>>
      %dma_wait3A_211 = arith.constant 0 : i32
      %dma_wait3A_212 = tpu.memref_slice %arg4[%mul3A_205, %dma_wait3A_211] : memref<323584x128xf32, #tpu.memory_space<any>> -> memref<2048x128xf32, #tpu.memory_space<any>>
      tpu.wait_dma2 semaphore(%dma_wait3A_206 : memref<!tpu.dma_semaphore, #tpu.memory_space<semaphore_mem>>) src(%dma_wait3A_212 : memref<2048x128xf32, #tpu.memory_space<any>>) dst(%dma_wait3A_210 : memref<2048x128xf32, #tpu.memory_space<vmem>>)
      %mul3A_213 = arith.constant 2048 : i32
      %mul3A_214 = arith.muli %while3A_200, %mul3A_213 : i32
      %dma_wait3A_215 = tpu.memref_slice %arg21[%rem3A_203] : memref<2x!tpu.dma_semaphore, #tpu.memory_space<semaphore_mem>> -> memref<1x!tpu.dma_semaphore, #tpu.memory_space<semaphore_mem>>
      %dma_wait3A_216 = tpu.memref_squeeze %dma_wait3A_215 : memref<1x!tpu.dma_semaphore, #tpu.memory_space<semaphore_mem>> -> memref<!tpu.dma_semaphore, #tpu.memory_space<semaphore_mem>>
      %dma_wait3A_217 = arith.constant 0 : i32
      %dma_wait3A_218 = arith.constant 0 : i32
      %dma_wait3A_219 = tpu.memref_slice %arg12[%rem3A_203, %dma_wait3A_217, %dma_wait3A_218] : memref<2x2048x8xf32, #tpu.memory_space<vmem>> -> memref<1x2048x8xf32, #tpu.memory_space<vmem>>
      %dma_wait3A_220 = tpu.memref_squeeze %dma_wait3A_219 : memref<1x2048x8xf32, #tpu.memory_space<vmem>> -> memref<2048x8xf32, #tpu.memory_space<vmem>>
      %dma_wait3A_221 = arith.constant 0 : i32
      %dma_wait3A_222 = tpu.memref_slice %arg8[%mul3A_214, %dma_wait3A_221] : memref<323584x8xf32, #tpu.memory_space<any>> -> memref<2048x8xf32, #tpu.memory_space<any>>
      tpu.wait_dma2 semaphore(%dma_wait3A_216 : memref<!tpu.dma_semaphore, #tpu.memory_space<semaphore_mem>>) src(%dma_wait3A_222 : memref<2048x8xf32, #tpu.memory_space<any>>) dst(%dma_wait3A_220 : memref<2048x8xf32, #tpu.memory_space<vmem>>)
      %mul3A_223 = arith.constant 2048 : i32
      %mul3A_224 = arith.muli %while3A_200, %mul3A_223 : i32
      %dma_wait3A_225 = tpu.memref_slice %arg19[%rem3A_203] : memref<2x!tpu.dma_semaphore, #tpu.memory_space<semaphore_mem>> -> memref<1x!tpu.dma_semaphore, #tpu.memory_space<semaphore_mem>>
      %dma_wait3A_226 = tpu.memref_squeeze %dma_wait3A_225 : memref<1x!tpu.dma_semaphore, #tpu.memory_space<semaphore_mem>> -> memref<!tpu.dma_semaphore, #tpu.memory_space<semaphore_mem>>
      %dma_wait3A_227 = arith.constant 0 : i32
      %dma_wait3A_228 = arith.constant 0 : i32
      %dma_wait3A_229 = tpu.memref_slice %arg10[%rem3A_203, %dma_wait3A_227, %dma_wait3A_228] : memref<2x2048x1xi32, #tpu.memory_space<vmem>> -> memref<1x2048x1xi32, #tpu.memory_space<vmem>>
      %dma_wait3A_230 = tpu.memref_squeeze %dma_wait3A_229 : memref<1x2048x1xi32, #tpu.memory_space<vmem>> -> memref<2048x1xi32, #tpu.memory_space<vmem>>
      %dma_wait3A_231 = arith.constant 0 : i32
      %dma_wait3A_232 = tpu.memref_slice %arg5[%mul3A_224, %dma_wait3A_231] : memref<323584x1xi32, #tpu.memory_space<any>> -> memref<2048x1xi32, #tpu.memory_space<any>>
      tpu.wait_dma2 semaphore(%dma_wait3A_226 : memref<!tpu.dma_semaphore, #tpu.memory_space<semaphore_mem>>) src(%dma_wait3A_232 : memref<2048x1xi32, #tpu.memory_space<any>>) dst(%dma_wait3A_230 : memref<2048x1xi32, #tpu.memory_space<vmem>>)
      %mul3A_233 = arith.constant 2048 : i32
      %mul3A_234 = arith.muli %while3A_200, %mul3A_233 : i32
      %dma_wait3A_235 = tpu.memref_slice %arg20[%rem3A_203] : memref<2x!tpu.dma_semaphore, #tpu.memory_space<semaphore_mem>> -> memref<1x!tpu.dma_semaphore, #tpu.memory_space<semaphore_mem>>
      %dma_wait3A_236 = tpu.memref_squeeze %dma_wait3A_235 : memref<1x!tpu.dma_semaphore, #tpu.memory_space<semaphore_mem>> -> memref<!tpu.dma_semaphore, #tpu.memory_space<semaphore_mem>>
      %dma_wait3A_237 = arith.constant 0 : i32
      %dma_wait3A_238 = arith.constant 0 : i32
      %dma_wait3A_239 = tpu.memref_slice %arg11[%rem3A_203, %dma_wait3A_237, %dma_wait3A_238] : memref<2x2048x1xf32, #tpu.memory_space<vmem>> -> memref<1x2048x1xf32, #tpu.memory_space<vmem>>
      %dma_wait3A_240 = tpu.memref_squeeze %dma_wait3A_239 : memref<1x2048x1xf32, #tpu.memory_space<vmem>> -> memref<2048x1xf32, #tpu.memory_space<vmem>>
      %dma_wait3A_241 = arith.constant 0 : i32
      %dma_wait3A_242 = tpu.memref_slice %arg6[%mul3A_234, %dma_wait3A_241] : memref<323584x1xf32, #tpu.memory_space<any>> -> memref<2048x1xf32, #tpu.memory_space<any>>
      tpu.wait_dma2 semaphore(%dma_wait3A_236 : memref<!tpu.dma_semaphore, #tpu.memory_space<semaphore_mem>>) src(%dma_wait3A_242 : memref<2048x1xf32, #tpu.memory_space<any>>) dst(%dma_wait3A_240 : memref<2048x1xf32, #tpu.memory_space<vmem>>)
      %add3A_243 = arith.constant 1 : i32
      %add3A_244 = arith.addi %while3A_200, %add3A_243 : i32
      %lt3A = arith.cmpi slt, %add3A_244, %select_n3A_49 : i32
      %convert_element_type3A_245 = arith.extui %lt3A : i1 to i32
      %cond3A_246 = arith.constant 0 : i32
      %cond3A_247 = arith.cmpi ne, %convert_element_type3A_245, %cond3A_246 : i32
      scf.if %cond3A_247 {
        %sub3A_350 = arith.constant 1 : i32
        %sub3A_351 = arith.subi %sub3A_350, %rem3A_203 : i32
        %add3A_352 = arith.constant 1 : i32
        %add3A_353 = arith.addi %while3A_200, %add3A_352 : i32
        %mul3A_354 = arith.constant 2048 : i32
        %mul3A_355 = arith.muli %add3A_353, %mul3A_354 : i32
        %dma_start3A = tpu.memref_slice %arg18[%sub3A_351] : memref<2x!tpu.dma_semaphore, #tpu.memory_space<semaphore_mem>> -> memref<1x!tpu.dma_semaphore, #tpu.memory_space<semaphore_mem>>
        %dma_start3A_356 = tpu.memref_squeeze %dma_start3A : memref<1x!tpu.dma_semaphore, #tpu.memory_space<semaphore_mem>> -> memref<!tpu.dma_semaphore, #tpu.memory_space<semaphore_mem>>
        %dma_start3A_357 = arith.constant 0 : i32
        %dma_start3A_358 = arith.constant 0 : i32
        %dma_start3A_359 = tpu.memref_slice %arg9[%sub3A_351, %dma_start3A_357, %dma_start3A_358] : memref<2x2048x128xf32, #tpu.memory_space<vmem>> -> memref<1x2048x128xf32, #tpu.memory_space<vmem>>
        %dma_start3A_360 = tpu.memref_squeeze %dma_start3A_359 : memref<1x2048x128xf32, #tpu.memory_space<vmem>> -> memref<2048x128xf32, #tpu.memory_space<vmem>>
        %dma_start3A_361 = arith.constant 0 : i32
        %dma_start3A_362 = tpu.memref_slice %arg4[%mul3A_355, %dma_start3A_361] : memref<323584x128xf32, #tpu.memory_space<any>> -> memref<2048x128xf32, #tpu.memory_space<any>>
        tpu.enqueue_dma source(%dma_start3A_362 : memref<2048x128xf32, #tpu.memory_space<any>>) target(%dma_start3A_360 : memref<2048x128xf32, #tpu.memory_space<vmem>>) target_semaphore(%dma_start3A_356 : memref<!tpu.dma_semaphore, #tpu.memory_space<semaphore_mem>>)
        %add3A_363 = arith.constant 1 : i32
        %add3A_364 = arith.addi %while3A_200, %add3A_363 : i32
        %mul3A_365 = arith.constant 2048 : i32
        %mul3A_366 = arith.muli %add3A_364, %mul3A_365 : i32
        %dma_start3A_367 = tpu.memref_slice %arg21[%sub3A_351] : memref<2x!tpu.dma_semaphore, #tpu.memory_space<semaphore_mem>> -> memref<1x!tpu.dma_semaphore, #tpu.memory_space<semaphore_mem>>
        %dma_start3A_368 = tpu.memref_squeeze %dma_start3A_367 : memref<1x!tpu.dma_semaphore, #tpu.memory_space<semaphore_mem>> -> memref<!tpu.dma_semaphore, #tpu.memory_space<semaphore_mem>>
        %dma_start3A_369 = arith.constant 0 : i32
        %dma_start3A_370 = arith.constant 0 : i32
        %dma_start3A_371 = tpu.memref_slice %arg12[%sub3A_351, %dma_start3A_369, %dma_start3A_370] : memref<2x2048x8xf32, #tpu.memory_space<vmem>> -> memref<1x2048x8xf32, #tpu.memory_space<vmem>>
        %dma_start3A_372 = tpu.memref_squeeze %dma_start3A_371 : memref<1x2048x8xf32, #tpu.memory_space<vmem>> -> memref<2048x8xf32, #tpu.memory_space<vmem>>
        %dma_start3A_373 = arith.constant 0 : i32
        %dma_start3A_374 = tpu.memref_slice %arg8[%mul3A_366, %dma_start3A_373] : memref<323584x8xf32, #tpu.memory_space<any>> -> memref<2048x8xf32, #tpu.memory_space<any>>
        tpu.enqueue_dma source(%dma_start3A_374 : memref<2048x8xf32, #tpu.memory_space<any>>) target(%dma_start3A_372 : memref<2048x8xf32, #tpu.memory_space<vmem>>) target_semaphore(%dma_start3A_368 : memref<!tpu.dma_semaphore, #tpu.memory_space<semaphore_mem>>)
        %add3A_375 = arith.constant 1 : i32
        %add3A_376 = arith.addi %while3A_200, %add3A_375 : i32
        %mul3A_377 = arith.constant 2048 : i32
        %mul3A_378 = arith.muli %add3A_376, %mul3A_377 : i32
        %dma_start3A_379 = tpu.memref_slice %arg19[%sub3A_351] : memref<2x!tpu.dma_semaphore, #tpu.memory_space<semaphore_mem>> -> memref<1x!tpu.dma_semaphore, #tpu.memory_space<semaphore_mem>>
        %dma_start3A_380 = tpu.memref_squeeze %dma_start3A_379 : memref<1x!tpu.dma_semaphore, #tpu.memory_space<semaphore_mem>> -> memref<!tpu.dma_semaphore, #tpu.memory_space<semaphore_mem>>
        %dma_start3A_381 = arith.constant 0 : i32
        %dma_start3A_382 = arith.constant 0 : i32
        %dma_start3A_383 = tpu.memref_slice %arg10[%sub3A_351, %dma_start3A_381, %dma_start3A_382] : memref<2x2048x1xi32, #tpu.memory_space<vmem>> -> memref<1x2048x1xi32, #tpu.memory_space<vmem>>
        %dma_start3A_384 = tpu.memref_squeeze %dma_start3A_383 : memref<1x2048x1xi32, #tpu.memory_space<vmem>> -> memref<2048x1xi32, #tpu.memory_space<vmem>>
        %dma_start3A_385 = arith.constant 0 : i32
        %dma_start3A_386 = tpu.memref_slice %arg5[%mul3A_378, %dma_start3A_385] : memref<323584x1xi32, #tpu.memory_space<any>> -> memref<2048x1xi32, #tpu.memory_space<any>>
        tpu.enqueue_dma source(%dma_start3A_386 : memref<2048x1xi32, #tpu.memory_space<any>>) target(%dma_start3A_384 : memref<2048x1xi32, #tpu.memory_space<vmem>>) target_semaphore(%dma_start3A_380 : memref<!tpu.dma_semaphore, #tpu.memory_space<semaphore_mem>>)
        %add3A_387 = arith.constant 1 : i32
        %add3A_388 = arith.addi %while3A_200, %add3A_387 : i32
        %mul3A_389 = arith.constant 2048 : i32
        %mul3A_390 = arith.muli %add3A_388, %mul3A_389 : i32
        %dma_start3A_391 = tpu.memref_slice %arg20[%sub3A_351] : memref<2x!tpu.dma_semaphore, #tpu.memory_space<semaphore_mem>> -> memref<1x!tpu.dma_semaphore, #tpu.memory_space<semaphore_mem>>
        %dma_start3A_392 = tpu.memref_squeeze %dma_start3A_391 : memref<1x!tpu.dma_semaphore, #tpu.memory_space<semaphore_mem>> -> memref<!tpu.dma_semaphore, #tpu.memory_space<semaphore_mem>>
        %dma_start3A_393 = arith.constant 0 : i32
        %dma_start3A_394 = arith.constant 0 : i32
        %dma_start3A_395 = tpu.memref_slice %arg11[%sub3A_351, %dma_start3A_393, %dma_start3A_394] : memref<2x2048x1xf32, #tpu.memory_space<vmem>> -> memref<1x2048x1xf32, #tpu.memory_space<vmem>>
        %dma_start3A_396 = tpu.memref_squeeze %dma_start3A_395 : memref<1x2048x1xf32, #tpu.memory_space<vmem>> -> memref<2048x1xf32, #tpu.memory_space<vmem>>
        %dma_start3A_397 = arith.constant 0 : i32
        %dma_start3A_398 = tpu.memref_slice %arg6[%mul3A_390, %dma_start3A_397] : memref<323584x1xf32, #tpu.memory_space<any>> -> memref<2048x1xf32, #tpu.memory_space<any>>
        tpu.enqueue_dma source(%dma_start3A_398 : memref<2048x1xf32, #tpu.memory_space<any>>) target(%dma_start3A_396 : memref<2048x1xf32, #tpu.memory_space<vmem>>) target_semaphore(%dma_start3A_392 : memref<!tpu.dma_semaphore, #tpu.memory_space<semaphore_mem>>)
      } else {
      }
      %mul3A_248 = arith.constant 2048 : i32
      %mul3A_249 = arith.muli %while3A_200, %mul3A_248 : i32
      %get3A_250 = arith.index_cast %rem3A_203 : i32 to index
      %get3A_251 = arith.constant 0 : index
      %get3A_252 = arith.constant 0 : index
      %get3A_253 = vector.load %arg10[%get3A_250, %get3A_251, %get3A_252] : memref<2x2048x1xi32, #tpu.memory_space<vmem>>, vector<1x2048x1xi32>
      %get3A_254 = vector.shape_cast %get3A_253 : vector<1x2048x1xi32> to vector<2048x1xi32>
      %sub3A_255 = vector.broadcast %mul3A_0 : i32 to vector<2048x1xi32>
      %sub3A_256 = arith.subi %get3A_254, %sub3A_255 : vector<2048x1xi32>
      %iota3A_257 = tpu.iota {dimensions = array<i32: 0>} : vector<2048x1xi32>
      %add3A_258 = vector.broadcast %mul3A_249 : i32 to vector<2048x1xi32>
      %add3A_259 = arith.addi %add3A_258, %iota3A_257 : vector<2048x1xi32>
      %ge3A = vector.broadcast %get3A_1 : i32 to vector<2048x1xi32>
      %ge3A_260 = arith.cmpi sge, %add3A_259, %ge3A : vector<2048x1xi32>
      %lt3A_261 = vector.broadcast %get3A_4 : i32 to vector<2048x1xi32>
      %lt3A_262 = arith.cmpi slt, %add3A_259, %lt3A_261 : vector<2048x1xi32>
      %and3A_263 = arith.andi %ge3A_260, %lt3A_262 : vector<2048x1xi1>
      %iota3A_264 = tpu.iota {dimensions = array<i32: 1>} : vector<2048x128xi32>
      %eq3A_265 = vector.broadcast %sub3A_256 : vector<2048x1xi32> to vector<2048x128xi32>
      %eq3A_266 = arith.cmpi eq, %eq3A_265, %iota3A_264 : vector<2048x128xi32>
      %and3A_267 = vector.broadcast %and3A_263 : vector<2048x1xi1> to vector<2048x128xi1>
      %and3A_268 = arith.andi %eq3A_266, %and3A_267 : vector<2048x128xi1>
      %convert_element_type3A_269 = arith.extui %and3A_268 : vector<2048x128xi1> to vector<2048x128xi32>
      %convert_element_type3A_270 = arith.sitofp %convert_element_type3A_269 : vector<2048x128xi32> to vector<2048x128xf32>
      %get3A_271 = arith.constant 0 : index
      %get3A_272 = arith.constant 0 : index
      %get3A_273 = vector.load %arg14[%get3A_271, %get3A_272] : memref<8x128xf32, #tpu.memory_space<vmem>>, vector<8x128xf32>
      %dot_general3A_274 = arith.constant dense<0.000000e+00> : vector<2048x8xf32>
      %dot_general3A_275 = tpu.matmul %convert_element_type3A_270, %get3A_273, %dot_general3A_274 {dimension_numbers = #tpu.dot_dimension_numbers<[1], [1], [0], [0], [0, 0, 1, 0], [], []>, transpose_lhs_hint = false} : vector<2048x128xf32>, vector<8x128xf32>, vector<2048x8xf32> -> vector<2048x8xf32>
      %get3A_276 = arith.constant 0 : index
      %get3A_277 = arith.constant 0 : index
      %get3A_278 = vector.load %arg15[%get3A_276, %get3A_277] : memref<8x128xf32, #tpu.memory_space<vmem>>, vector<8x128xf32>
      %dot_general3A_279 = arith.constant dense<0.000000e+00> : vector<2048x8xf32>
      %dot_general3A_280 = tpu.matmul %convert_element_type3A_270, %get3A_278, %dot_general3A_279 {dimension_numbers = #tpu.dot_dimension_numbers<[1], [1], [0], [0], [0, 0, 1, 0], [], []>, transpose_lhs_hint = false} : vector<2048x128xf32>, vector<8x128xf32>, vector<2048x8xf32> -> vector<2048x8xf32>
      %get3A_281 = arith.constant 0 : index
      %get3A_282 = arith.constant 0 : index
      %get3A_283 = vector.load %arg16[%get3A_281, %get3A_282] : memref<8x128xf32, #tpu.memory_space<vmem>>, vector<8x128xf32>
      %dot_general3A_284 = arith.constant dense<0.000000e+00> : vector<2048x8xf32>
      %dot_general3A_285 = tpu.matmul %convert_element_type3A_270, %get3A_283, %dot_general3A_284 {dimension_numbers = #tpu.dot_dimension_numbers<[1], [1], [0], [0], [0, 0, 1, 0], [], []>, transpose_lhs_hint = false} : vector<2048x128xf32>, vector<8x128xf32>, vector<2048x8xf32> -> vector<2048x8xf32>
      %get3A_286 = arith.index_cast %rem3A_203 : i32 to index
      %get3A_287 = arith.constant 0 : index
      %get3A_288 = arith.constant 0 : index
      %get3A_289 = vector.load %arg12[%get3A_286, %get3A_287, %get3A_288] : memref<2x2048x8xf32, #tpu.memory_space<vmem>>, vector<1x2048x8xf32>
      %get3A_290 = vector.shape_cast %get3A_289 : vector<1x2048x8xf32> to vector<2048x8xf32>
      %sub3A_291 = arith.subf %get3A_290, %dot_general3A_275 : vector<2048x8xf32>
      %exp3A = math.exp %sub3A_291 : vector<2048x8xf32>
      %jit3A_292 = arith.constant 0.000000e+00 : f32
      %broadcast_in_dim3A_293 = vector.shape_cast %and3A_263 : vector<2048x1xi1> to vector<2048x1xi1>
      %broadcast_in_dim3A_294 = vector.broadcast %broadcast_in_dim3A_293 : vector<2048x1xi1> to vector<2048x8xi1>
      %broadcast_in_dim3A_295 = vector.broadcast %jit3A_292 : f32 to vector<2048x8xf32>
      %select_n3A_296 = arith.select %broadcast_in_dim3A_294, %exp3A, %broadcast_in_dim3A_295 : vector<2048x8xi1>, vector<2048x8xf32>
      %jit3A_297 = arith.constant 1.000000e+00 : f32
      %broadcast_in_dim3A_298 = vector.shape_cast %and3A_263 : vector<2048x1xi1> to vector<2048x1xi1>
      %broadcast_in_dim3A_299 = vector.broadcast %broadcast_in_dim3A_298 : vector<2048x1xi1> to vector<2048x8xi1>
      %broadcast_in_dim3A_300 = vector.broadcast %jit3A_297 : f32 to vector<2048x8xf32>
      %select_n3A_301 = arith.select %broadcast_in_dim3A_299, %dot_general3A_280, %broadcast_in_dim3A_300 : vector<2048x8xi1>, vector<2048x8xf32>
      %div3A_302 = arith.divf %select_n3A_296, %select_n3A_301 : vector<2048x8xf32>
      %mul3A_303 = arith.constant 0.899999976 : f32
      %mul3A_304 = vector.broadcast %mul3A_303 : f32 to vector<2048x8xf32>
      %mul3A_305 = arith.mulf %mul3A_304, %div3A_302 : vector<2048x8xf32>
      %get3A_306 = arith.index_cast %rem3A_203 : i32 to index
      %get3A_307 = arith.constant 0 : index
      %get3A_308 = arith.constant 0 : index
      %get3A_309 = vector.load %arg11[%get3A_306, %get3A_307, %get3A_308] : memref<2x2048x1xf32, #tpu.memory_space<vmem>>, vector<1x2048x1xf32>
      %get3A_310 = vector.shape_cast %get3A_309 : vector<1x2048x1xf32> to vector<2048x1xf32>
      %mul3A_311 = arith.constant 1.000000e-01 : f32
      %mul3A_312 = vector.broadcast %mul3A_311 : f32 to vector<2048x1xf32>
      %mul3A_313 = arith.mulf %mul3A_312, %get3A_310 : vector<2048x1xf32>
      %add3A_314 = vector.broadcast %mul3A_313 : vector<2048x1xf32> to vector<2048x8xf32>
      %add3A_315 = arith.addf %mul3A_305, %add3A_314 : vector<2048x8xf32>
      %exp3A_316 = math.exp %add3A_315 : vector<2048x8xf32>
      %jit3A_317 = arith.constant 0.000000e+00 : f32
      %broadcast_in_dim3A_318 = vector.shape_cast %and3A_263 : vector<2048x1xi1> to vector<2048x1xi1>
      %broadcast_in_dim3A_319 = vector.broadcast %broadcast_in_dim3A_318 : vector<2048x1xi1> to vector<2048x8xi1>
      %broadcast_in_dim3A_320 = vector.broadcast %jit3A_317 : f32 to vector<2048x8xf32>
      %select_n3A_321 = arith.select %broadcast_in_dim3A_319, %exp3A_316, %broadcast_in_dim3A_320 : vector<2048x8xi1>, vector<2048x8xf32>
      %jit3A_322 = arith.constant 1.000000e+00 : f32
      %broadcast_in_dim3A_323 = vector.shape_cast %and3A_263 : vector<2048x1xi1> to vector<2048x1xi1>
      %broadcast_in_dim3A_324 = vector.broadcast %broadcast_in_dim3A_323 : vector<2048x1xi1> to vector<2048x8xi1>
      %broadcast_in_dim3A_325 = vector.broadcast %jit3A_322 : f32 to vector<2048x8xf32>
      %select_n3A_326 = arith.select %broadcast_in_dim3A_324, %dot_general3A_285, %broadcast_in_dim3A_325 : vector<2048x8xi1>, vector<2048x8xf32>
      %div3A_327 = arith.divf %select_n3A_321, %select_n3A_326 : vector<2048x8xf32>
      %dot_general3A_328 = arith.constant dense<0.000000e+00> : vector<2048x128xf32>
      %dot_general3A_329 = tpu.matmul %div3A_327, %convert_element_type3A_118, %dot_general3A_328 {dimension_numbers = #tpu.dot_dimension_numbers<[1], [0], [0], [1], [0, 0, 1, 1], [], []>, transpose_lhs_hint = false} : vector<2048x8xf32>, vector<8x128xf32>, vector<2048x128xf32> -> vector<2048x128xf32>
      %get3A_330 = arith.index_cast %rem3A_203 : i32 to index
      %get3A_331 = arith.constant 0 : index
      %get3A_332 = arith.constant 0 : index
      %get3A_333 = vector.load %arg9[%get3A_330, %get3A_331, %get3A_332] : memref<2x2048x128xf32, #tpu.memory_space<vmem>>, vector<1x2048x128xf32>
      %get3A_334 = vector.shape_cast %get3A_333 : vector<1x2048x128xf32> to vector<2048x128xf32>
      %mul3A_335 = arith.mulf %get3A_334, %dot_general3A_329 : vector<2048x128xf32>
      %jit3A_336 = arith.constant 0.000000e+00 : f32
      %broadcast_in_dim3A_337 = vector.shape_cast %and3A_263 : vector<2048x1xi1> to vector<2048x1xi1>
      %broadcast_in_dim3A_338 = vector.broadcast %broadcast_in_dim3A_337 : vector<2048x1xi1> to vector<2048x128xi1>
      %broadcast_in_dim3A_339 = vector.broadcast %jit3A_336 : f32 to vector<2048x128xf32>
      %select_n3A_340 = arith.select %broadcast_in_dim3A_338, %mul3A_335, %broadcast_in_dim3A_339 : vector<2048x128xi1>, vector<2048x128xf32>
      %get3A_341 = arith.constant 0 : index
      %get3A_342 = arith.constant 0 : index
      %get3A_343 = vector.load %arg17[%get3A_341, %get3A_342] : memref<128x128xf32, #tpu.memory_space<vmem>>, vector<128x128xf32>
      %dot_general3A_344 = arith.constant dense<0.000000e+00> : vector<128x128xf32>
      %dot_general3A_345 = tpu.matmul %convert_element_type3A_270, %select_n3A_340, %dot_general3A_344 {dimension_numbers = #tpu.dot_dimension_numbers<[0], [0], [1], [1], [0, 1, 1, 1], [], []>, transpose_lhs_hint = false} : vector<2048x128xf32>, vector<2048x128xf32>, vector<128x128xf32> -> vector<128x128xf32>
      %add3A_346 = arith.addf %get3A_343, %dot_general3A_345 : vector<128x128xf32>
      %swap3A_347 = arith.constant 0 : index
      %swap3A_348 = arith.constant 0 : index
      %swap3A_349 = vector.load %arg17[%swap3A_347, %swap3A_348] : memref<128x128xf32, #tpu.memory_space<vmem>>, vector<128x128xf32>
      tpu.vector_store %arg17[%swap3A_347, %swap3A_348], %add3A_346 {strides = array<i32>} : memref<128x128xf32, #tpu.memory_space<vmem>>, vector<128x128xf32>,
    }
    %get3A_177 = arith.constant 0 : index
    %get3A_178 = arith.constant 0 : index
    %get3A_179 = vector.load %arg17[%get3A_177, %get3A_178] : memref<128x128xf32, #tpu.memory_space<vmem>>, vector<128x128xf32>
    %mul3A_180 = arith.mulf %get3A_179, %get3A_179 : vector<128x128xf32>
    %dot_general3A_181 = arith.constant dense<0.000000e+00> : vector<128x8xf32>
    %dot_general3A_182 = tpu.matmul %mul3A_180, %convert_element_type3A_82, %dot_general3A_181 {dimension_numbers = #tpu.dot_dimension_numbers<[1], [0], [0], [1], [0, 0, 1, 1], [], []>, transpose_lhs_hint = false} : vector<128x128xf32>, vector<128x8xf32>, vector<128x8xf32> -> vector<128x8xf32>
    %sqrt3A_183 = math.sqrt %dot_general3A_182 : vector<128x8xf32>
    %max3A = arith.constant 9.99999996E-13 : f32
    %max3A_184 = vector.broadcast %max3A : f32 to vector<128x8xf32>
    %max3A_185 = arith.maximumf %sqrt3A_183, %max3A_184 : vector<128x8xf32>
    %div3A_186 = arith.constant 1.000000e+00 : f32
    %div3A_187 = vector.broadcast %div3A_186 : f32 to vector<128x8xf32>
    %div3A_188 = arith.divf %div3A_187, %max3A_185 : vector<128x8xf32>
    %dot_general3A_189 = arith.constant dense<0.000000e+00> : vector<128x128xf32>
    %dot_general3A_190 = tpu.matmul %div3A_188, %convert_element_type3A_118, %dot_general3A_189 {dimension_numbers = #tpu.dot_dimension_numbers<[1], [0], [0], [1], [0, 0, 1, 1], [], []>, transpose_lhs_hint = false} : vector<128x8xf32>, vector<8x128xf32>, vector<128x128xf32> -> vector<128x128xf32>
    %mul3A_191 = arith.mulf %get3A_179, %dot_general3A_190 : vector<128x128xf32>
    %get3A_192 = arith.constant 0 : index
    %get3A_193 = memref.load %arg2[%get3A_192] : memref<1xi32, #tpu.memory_space<smem>>
    %ne3A_194 = arith.constant 0 : i32
    %ne3A_195 = arith.cmpi ne, %get3A_193, %ne3A_194 : i32
    %select_n3A_196 = arith.select %ne3A_195, %mul3A_191, %get3A_179 : vector<128x128xf32>
    %swap3A_197 = arith.constant 0 : index
    %swap3A_198 = arith.constant 0 : index
    %swap3A_199 = vector.load %arg7[%swap3A_197, %swap3A_198] : memref<128x128xf32, #tpu.memory_space<vmem>>, vector<128x128xf32>
    tpu.vector_store %arg7[%swap3A_197, %swap3A_198], %select_n3A_196 {strides = array<i32>} : memref<128x128xf32, #tpu.memory_space<vmem>>, vector<128x128xf32>,
    return
  }
  func.func @transform_0(%arg0: i32, %arg1: memref<10113xi32, #tpu.memory_space<smem>>, %arg2: memref<1xi32, #tpu.memory_space<smem>>) -> (i32, i32) {
    %c0_i32 = arith.constant 0 : i32
    %c0_i32_0 = arith.constant 0 : i32
    return %arg0, %c0_i32 : i32, i32
  }
  func.func @transform_4(%arg0: i32, %arg1: memref<10113xi32, #tpu.memory_space<smem>>, %arg2: memref<1xi32, #tpu.memory_space<smem>>) -> (i32, i32) {
    %c0_i32 = arith.constant 0 : i32
    %c0_i32_0 = arith.constant 0 : i32
    return %arg0, %c0_i32 : i32, i32
  }
}

</mosaic_0001>

<sc_bundles>
// kernel: kernel.8.cloned.1.call-start
scs
__scs_entry_jumppad:
0x0: {  	(pc) =	sbr.rel $0x88, $3  }
0x1: {  	(tag) =	ssettag $0x0;
	lr =	simm.s32 $0x1  }
0x2: {  	[smem:$0x3F9C] =	sst lr;
	_ =	strace $0xD0000000  }
0x3: {  	_ = 	snop  }
0x4: {  	_ = 	snop  }
0x5: {  	_ = 	snop  }
0x6: {  	_ = 	snop  }
0x7: {  	_ = 	snop  }
__scs_overlays_trampoline_lowered:
0x8: {  	[smem:$0x3FAB] =	sst s0  }
0x9: {  	[smem:$0x3FAC] =	sst s1  }
0xa: {  	[smem:$0x3FAD] =	sst s2  }
0xb: {  	[smem:$0x3FAE] =	sst s3  }
0xc: {  	[smem:$0x3FAF] =	sst s4  }
0xd: {  	[smem:$0x3FB0] =	sst s5  }
0xe: {  	[smem:$0x3FB1] =	sst s6  }
0xf: {  	[smem:$0x3FB2] =	sst s7  }
0x10: {  	[smem:$0x3FB3] =	sst s8  }
0x11: {  	[smem:$0x3FB4] =	sst s9;
	s0 =	simm.s32 @!p0 $0x0  }
0x12: {  	s1 =	sld [smem:$0x3F9A];
	s0 =	simm.s32 @p0 $0x1  }
0x13: {  	[smem:$0x3FB5] =	sst s0;
	s0 =	simm.s32 @!p1 $0x0  }
0x14: {  	s2 =	sld [smem:$0x3F99];
	s0 =	simm.s32 @p1 $0x1  }
0x15: {  	[smem:$0x3FB6] =	sst s0;
	s0 =	simm.s32 @!p2 $0x0  }
0x16: {  	s3 =	sld [smem:$0x3FDB];
	s0 =	simm.s32 @p2 $0x1  }
0x17: {  	s4 =	simm.s32 $0x1BF5;
	[smem:$0x3FB8] =	sst s0  }
0x18: {  	s0 =	sld [smem:$0x3F9B];
	_ =	swait.ge [sflag:s4], $0x0  }
0x19: {  	s7 =	sld [smem:$0x3F9C]  }
0x1a: {  	s8 =	sadd.s32 $0xFFFFE003, lr  }
0x1b: {  	s9 =	sadd.s32 $0xFFFFFEF7, lr;
	s5 =	simm.s32 $0xFFFFFFFF;
	p2 =	slt.u32 s8, $0xFFFFF086  }
0x1c: {  	p1 =	slt.u32 s9, $0xF7A;
	s5 =	simm.s32 @!p2 $0x0  }
0x1d: {  	s5 =	simm.s32 @p1 $0x1;
	p0 =	seq.s32 s7, s2  }
0x1e: {  	s7 =	smul.u32 @!p0 $0xF7A, s2;
	p2 =	seq.s32 @!p0 s5, $0x0  }
0x1f: {  	s9 =	smul.u32 $0xF7A, s1;
	s8 =	simm.s32 @!p0 $0x1BF5;
	p2 =	por !p2, p0  }
0x20: {  	[sflag:s8] =	ssyncset.s32 @!p0 $0xFFFFF086;
	s6 =	sadd.s32 @!p0 s3, s7;
	s7 =	simm.s32 @!p0 $0x108  }
0x21: {  	s3 =	sadd.s32 s3, s9;
	s6 =	sadd.s32 @!p0 $0x88, s6;
	s7 =	simm.s32 @p2 $0x1082  }
0x22: {  	[simem:s7], [sflag:s8] =	dma.local @!p0 [hbm:s6], $0xF7A  }
0x23: {  	s9 =	sor.u32 $0xD0000000, s2;
	s6 =	simm.s32 $0x108;
	_ =	swait.ge @!p0 [sflag:s8], $0x0  }
0x24: {  	s3 =	sadd.s32 $0x88, s3;
	s6 =	simm.s32 @!p1 $0x1082;
	[sflag:s4] =	ssyncset.s32 $0xFFFFF086  }
0x25: {  	[simem:s6], [sflag:s4] =	dma.local [hbm:s3], $0xF7A  }
0x26: {  	[smem:$0x3F9C] =	sst s1;
	(tag) =	ssettag s2;
	_ =	strace s9  }
0x27: {  	s1 =	sld [smem:$0x3FAC]  }
0x28: {  	s2 =	sld [smem:$0x3FAD]  }
0x29: {  	s4 =	sld [smem:$0x3FAF]  }
0x2a: {  	p0 =	seq.s32 s5, $0x0;
	s5 =	sld [smem:$0x3FB0]  }
0x2b: {  	s6 =	sld [smem:$0x3FB1]  }
0x2c: {  	s7 =	sld [smem:$0x3FB2]  }
0x2d: {  	s3 =	simm.s32 $0x108;
	s8 =	sld [smem:$0x3FB3]  }
0x2e: {  	s3 =	simm.s32 @!p0 $0x1082;
	s9 =	sld [smem:$0x3FB4]  }
0x2f: {  	lr =	sadd.s32 s0, s3;
	s0 =	sld [smem:$0x3FAB]  }
0x30: {  	s3 =	sld [smem:$0x3FAE]  }
0x31: {  	[smem:$0x3FB7] =	sst s10  }
0x32: {  	s10 =	sld [smem:$0x3FB5];
	_ =	sdelay $0x3  }
0x33: {  	p0 =	seq.s32 s10, $0x1;
	s10 =	sld [smem:$0x3FB7];
	_ =	sdelay $0x3  }
0x34: {  	[smem:$0x3FB7] =	sst s10  }
0x35: {  	s10 =	sld [smem:$0x3FB6];
	_ =	sdelay $0x3  }
0x36: {  	p1 =	seq.s32 s10, $0x1;
	s10 =	sld [smem:$0x3FB7];
	_ =	sdelay $0x3  }
0x37: {  	[smem:$0x3FB7] =	sst s10  }
0x38: {  	s10 =	sld [smem:$0x3FB8]  }
0x39: {  	_ = 	snop;
	(pc) =	sbr.ind lr, $3  }
0x3a: {  	_ = 	snop  }
0x3b: {  	_ = 	snop  }
0x3c: {  	p2 =	seq.s32 s10, $0x1;
	s10 =	sld [smem:$0x3FB7]  }
0x3d: {  	_ =	shalt  }
0x3e: {  	_ =	shalt  }
0x3f: {  	_ =	shalt  }
0x40: {  	_ =	shalt  }
0x41: {  	_ =	shalt  }
0x42: {  	_ =	shalt  }
0x43: {  	_ =	shalt  }
0x44: {  	_ =	shalt  }
0x45: {  	_ =	shalt  }
0x46: {  	_ =	shalt  }
0x47: {  	_ =	shalt  }
0x48: {  	_ =	shalt  }
0x49: {  	_ =	shalt  }
0x4a: {  	_ =	shalt  }
0x4b: {  	_ =	shalt  }
0x4c: {  	_ =	shalt  }
0x4d: {  	_ =	shalt  }
0x4e: {  	_ =	shalt  }
0x4f: {  	_ =	shalt  }
0x50: {  	_ =	shalt  }
0x51: {  	_ =	shalt  }
0x52: {  	_ =	shalt  }
0x53: {  	_ =	shalt  }
0x54: {  	_ =	shalt  }
0x55: {  	_ =	shalt  }
0x56: {  	_ =	shalt  }
0x57: {  	_ =	shalt  }
0x58: {  	_ =	shalt  }
0x59: {  	_ =	shalt  }
0x5a: {  	_ =	shalt  }
0x5b: {  	_ =	shalt  }
0x5c: {  	_ =	shalt  }
0x5d: {  	_ =	shalt  }
0x5e: {  	_ =	shalt  }
0x5f: {  	_ =	shalt  }
0x60: {  	_ =	shalt  }
0x61: {  	_ =	shalt  }
0x62: {  	_ =	shalt  }
0x63: {  	_ =	shalt  }
0x64: {  	_ =	shalt  }
0x65: {  	_ =	shalt  }
0x66: {  	_ =	shalt  }
0x67: {  	_ =	shalt  }
0x68: {  	_ =	shalt  }
0x69: {  	_ =	shalt  }
0x6a: {  	_ =	shalt  }
0x6b: {  	_ =	shalt  }
0x6c: {  	_ =	shalt  }
0x6d: {  	_ =	shalt  }
0x6e: {  	_ =	shalt  }
0x6f: {  	_ =	shalt  }
0x70: {  	_ =	shalt  }
0x71: {  	_ =	shalt  }
0x72: {  	_ =	shalt  }
0x73: {  	_ =	shalt  }
0x74: {  	_ =	shalt  }
0x75: {  	_ =	shalt  }
0x76: {  	_ =	shalt  }
0x77: {  	_ =	shalt  }
0x78: {  	_ =	shalt  }
0x79: {  	_ =	shalt  }
0x7a: {  	_ =	shalt  }
0x7b: {  	_ =	shalt  }
0x7c: {  	_ =	shalt  }
0x7d: {  	_ =	shalt  }
0x7e: {  	_ =	shalt  }
0x7f: {  	_ =	shalt  }
0x80: {  	_ =	shalt  }
0x81: {  	_ =	shalt  }
0x82: {  	_ =	shalt  }
0x83: {  	_ =	shalt  }
0x84: {  	_ =	shalt  }
0x85: {  	_ =	shalt  }
0x86: {  	_ =	shalt  }
0x87: {  	_ =	shalt  }
.Lfunc_end0:
.L_simem_size_0:
called_computation_lowered:
.L_overlay_start_0:
0x88: {  	s2 =	sld [smem:$0x3FD9]  }
0x89: {  	s3 =	sld [smem:$0x3FFE];
	_ =	sdelay $0x1  }
0x8a: {  	s1 =	srdreg.scid  }
0x8b: {  	s0 =	sand.u32 $0x1, s1  }
0x8c: {  	s17 =	sshll.u32 s0, $0xA;
	s2 =	sadd.s32 s3, s2  }
0x8d: {  	s2 =	sadd.s32 s2, s17  }
0x8e: {  	[smem:$0x3FC3] =	sst s2  }
0x8f: {  	_ = 	snop  }
0x90: {  	s2 =	sld [smem:$0x3FD0];
	(tm) =	ssettm $0x1  }
0x91: {  	s18 =	sld [smem:$0x3FFB];
	_ =	sdelay $0x3  }
0x92: {  	_ =	strace s18  }
0x93: {  	s3 =	sld [smem:$0x3FFC];
	_ =	sdelay $0x3  }
0x94: {  	_ =	strace s3  }
0x95: {  	s3 =	sld [smem:$0x3FFD];
	_ =	sdelay $0x3  }
0x96: {  	_ =	strace s3  }
0x97: {  	_ =	strace $0x8FFFFFFF  }
0x98: {  	s19 =	sld [smem:$0x3FDB];
	_ =	sdelay $0x1  }
0x99: {  	s4 =	simm.s32 $_scs_section_size  }
0x9a: {  	s5 =	simm.s32 $_size__tile_overlayer_lowered;
	s6 =	simm.s32 $_tile_overlayer_lowered  }
0x9b: {  	s22 =	simm.s32 $0x1BFF;
	s21 =	sshll.u32 s6, $0x1;
	s3 =	sadd.s32 s4, s19  }
0x9c: {  	s7 =	simm.s32 $0x0;
	s20 =	sshll.u32 s5, $0x1;
	s5 =	sadd.s32 s21, s3  }
0x9d: {  	[timem:s7], [sflag:s22] =	dma.local [hbm:s5], s20  }
0x9e: {  	_ =	swait.ge [sflag:s22], s20  }
0x9f: {  	s4 =	ssub.s32 $0x0, s20;
	[sflag:s22] =	ssyncset.done $0x0  }
0xa0: {  	[sflag:s22] =	ssyncadd.s32 s4;
	_ =	sdelay $0x1  }
0xa1: {  	s23 =	simm.s32 $0x1B8B  }
0xa2: {  	_ =	swait.ge [sflag:s23], $0x1  }
0xa3: {  	[sflag:s23] =	ssyncset.done $0x0  }
0xa4: {  	s25 =	simm.s32 $0x1B8E;
	s24 =	sld [smem:$0x3FFE];
	[sflag:s23] =	ssyncadd.s32 $0xFFFFFFFF  }
0xa5: {  	s26 =	simm.s32 $execute0_lowered;
	[smem:$0x3FD2] =	sst s25  }
0xa6: {  	s5 =	sshll.u32 s26, $0x1;
	_ =	strace $0x80000046;
	[dreg:$0x1] =	wrdreg $0xFFFFFFFF  }
0xa7: {  	s28 =	simm.s32 $_size_execute0_lowered;
	s3 =	sadd.s32 s3, s5;
	[dreg:$0x0] =	wrdreg $0x0  }
0xa8: {  	s5 =	sshll.u32 s28, $0x1;
	[dreg:$0x2] =	wrdreg s3  }
0xa9: {  	[dreg:$0x3] =	wrdreg s5  }
0xaa: {  	[dreg:$0x4] =	wrdreg $0xC0  }
0xab: {  	_ =	task [dreg:s7], $0x5FFFF  }
0xac: {  	[dreg:$0x1] =	wrdreg $0xFFFFFFFF  }
0xad: {  	[dreg:$0x0] =	wrdreg $0x60  }
0xae: {  	[dreg:$0x2] =	wrdreg s24  }
0xaf: {  	[dreg:$0x3] =	wrdreg s2  }
0xb0: {  	[dreg:$0x4] =	wrdreg $0x9  }
0xb1: {  	_ =	task.clear_ibuf [dreg:s7], $0x5FFFF;
	_ =	strace $0x90000046  }
0xb2: {  	s29 =	simm.s32 $0x9;
	_ =	strace $0x80000048  }
0xb3: {  	_ =	swait.ge [sflag:s29], $0x1  }
0xb4: {  	[sflag:s29] =	ssyncadd.s32 $0xFFFFFFFF  }
0xb5: {  	_ =	strace $0x90000048  }
0xb6: {  	_ =	sfence  }
0xb7: {  	s30 =	sld [smem:$0x0];
	_ =	sdelay $0x2  }
0xb8: {  	s31 =	sshll.u32 s1, $0xD;
	s1 =	sshrl.u32 s1, $0x2  }
0xb9: {  	s3 =	sand.u32 $0x4000, s31;
	s1 =	sadd.s32 s1, s30  }
0xba: {  	s0 =	sor.u32 s3, s0;
	s1 =	sshll.u32 s1, $0x11  }
0xbb: {  	s0 =	sor.u32 s1, s0  }
0xbc: {  	s0 =	sadd.s32 $0x8F2B, s0  }
0xbd: {  	[sflag:s0] =	ssyncadd.remote.s32 $0x1  }
0xbe: {  	_ =	sfence.sel $0xFFFF  }
0xbf: {  	[dreg:$0x0] =	wrdreg $0xFFFFFFFF;
	(pc) =	sbr.abs _section_cstart, $3  }
0xc0: {  	[dreg:$0x1] =	wrdreg $0xFFFFFFFF  }
0xc1: {  	_ =	task.clear_ibuf [dreg:s7], $0x2FFFF;
	_ =	strace $0x9FFFFFFF  }
0xc2: {  	(tm) =	ssettm $0x7FFFFFFF  }
0xc3: {  	_ =	shalt  }
tec
execute0_lowered:
.L_overlay_start_1:
0x0: {  	(tag) =	ssettag $0x1  }
0x1: {  	s3 =	rddreg [dreg:$0x0]  }
0x2: {  	s6 =	rddreg [dreg:$0x1]  }
0x3: {  	s0 =	rddreg [dreg:$0x2];
	s1 =	stileid.u32  }
0x4: {  	s2 =	simm.s32 $0x0;
	s5 =	srdreg.scid;
	s4 =	smul.u32 $0x4F000, s1  }
0x5: {  	[smem:$0x7FF] =	sst s2;
	s5 =	sand.u32 $0x1, s5;
	s7 =	smul.u32 $0x4F00, s1  }
0x6: {  	_ =	strace $0x80000047;
	s8 =	ssub.s32 $0x2, s5;
	s9 =	smul.u32 $0x2780, s5  }
0x7: {  	s5 =	smul.u32 $0x27800, s5;
	s10 =	sadd.s32 s4, s3;
	s31 =	sshrl.u32 s8, $0x1  }
0x8: {  	s3 =	sadd.s32 $0x1600, s3;
	s4 =	ssub.s32 s8, s31;
	s7 =	sadd.s32 s9, s7  }
0x9: {  	s5 =	sadd.s32 s5, s10;
	s8 =	simm.s32 $0x80;
	s9 =	simm.s32 $0x1  }
0xa: {  	s10 =	simm.s32 $0x0;
	s4 =	smax.u32 s4, $0x1;
	s7 =	sshrl.u32 s7, $0x3  }
0xb: {  	s5 =	sadd.s32 $0x28E00, s5;
	s6 =	sadd.s32 s7, s6;
	s7 =	simm.s32 $0x2  }
.LBB2_1:
0xc: {  	s11 =	sadd.s32 $0x0, s6  }
0xd: {  	[tilespmem:s2], [sflag:$0x2] =	stream.linear.gather [hbm4b:s11+s2], $0x80, $0x38;
	[tilespmem:$0x4080] =	vst v63  }
0xe: {  	_ =	swait.ge [sflag:s7], $0x80  }
0xf: {  	[sflag:s7] =	ssyncset.done $0x0  }
0x10: {  	[sflag:s7] =	ssyncadd.s32 $0xFFFFFF80  }
0x11: {  	[tilespmem:s8], [sflag:$0x1] =	stream.indirect.gather [hbm4b:s3+s8], $0x80, s2, s8, $0xb8;
	[tilespmem:$0x4080] =	vst v63  }
0x12: {  	_ =	swait.ge [sflag:s9], $0x4000  }
0x13: {  	[sflag:s9] =	ssyncset.done $0x0  }
0x14: {  	[sflag:s9] =	ssyncadd.s32 $0xFFFFC000  }
0x15: {  	[hbm4b:s5+s2] =	stream.linear.scatter [tilespmem:s8], [sflag:$0x2], $0x4000, $0x38;
	[tilespmem:$0x4080] =	vst v63  }
0x16: {  	s12 =	simm.s32 $0x10;
	_ =	swait.ge [sflag:s7], $0x4000  }
0x17: {  	s13 =	simm.s32 $0x20;
	s11 =	sadd.s32 $0x800, s5;
	[sflag:s7] =	ssyncset.done $0x0  }
.LBB2_2:
0x18: {  	s14 =	sadd.s32 s12, s6  }
0x19: {  	[sflag:s7] =	ssyncadd.s32 $0xFFFFC000;
	s12 =	smov.u32 s13;
	s15 =	sadd.s32 $0x10, s13  }
0x1a: {  	[tilespmem:s2], [sflag:$0x2] =	stream.linear.gather [hbm4b:s14+s2], $0x80, $0x38;
	[tilespmem:$0x4080] =	vst v63  }
0x1b: {  	p0 =	sne.s32 s13, $0x4E0;
	_ =	swait.ge [sflag:s7], $0x80  }
0x1c: {  	[sflag:s7] =	ssyncset.done $0x0  }
0x1d: {  	[sflag:s7] =	ssyncadd.s32 $0xFFFFFF80  }
0x1e: {  	[tilespmem:s8], [sflag:$0x1] =	stream.indirect.gather [hbm4b:s3+s8], $0x80, s2, s8, $0xb8;
	[tilespmem:$0x4080] =	vst v63  }
0x1f: {  	_ =	swait.ge [sflag:s9], $0x4000  }
.Ltmp0:
0x20: {  	[sflag:s9] =	ssyncset.done $0x0;
	(pc) =	sbr.rel @p0 .LBB2_2-.Ltmp0, $4  }
0x21: {  	[sflag:s9] =	ssyncadd.s32 $0xFFFFC000  }
0x22: {  	[hbm4b:s11+s2] =	stream.linear.scatter [tilespmem:s8], [sflag:$0x2], $0x4000, $0x38;
	[tilespmem:$0x4080] =	vst v63  }
0x23: {  	_ =	swait.ge [sflag:s7], $0x4000  }
0x24: {  	s13 =	smov.u32 s15;
	s11 =	sadd.s32 $0x800, s11;
	[sflag:s7] =	ssyncset.done $0x0  }
0x25: {  	s12 =	sadd.s32 s12, s6;
	[sflag:s7] =	ssyncadd.s32 $0xFFFFC000  }
0x26: {  	[tilespmem:s2], [sflag:$0x2] =	stream.linear.gather [hbm4b:s12+s2], $0x80, $0x38;
	[tilespmem:$0x4080] =	vst v63  }
0x27: {  	_ =	swait.ge [sflag:s7], $0x80  }
0x28: {  	[sflag:s7] =	ssyncset.done $0x0  }
0x29: {  	[sflag:s7] =	ssyncadd.s32 $0xFFFFFF80  }
0x2a: {  	[tilespmem:s8], [sflag:$0x1] =	stream.indirect.gather [hbm4b:s3+s8], $0x80, s2, s8, $0xb8;
	[tilespmem:$0x4080] =	vst v63  }
0x2b: {  	s10 =	sadd.s32 $0x1, s10;
	_ =	swait.ge [sflag:s9], $0x4000  }
0x2c: {  	p0 =	sne.s32 s10, s4;
	[sflag:s9] =	ssyncset.done $0x0  }
.Ltmp1:
0x2d: {  	[sflag:s9] =	ssyncadd.s32 $0xFFFFC000;
	(pc) =	sbr.rel @p0 .LBB2_1-.Ltmp1, $4  }
0x2e: {  	[hbm4b:s11+s2] =	stream.linear.scatter [tilespmem:s8], [sflag:$0x2], $0x4000, $0x38;
	[tilespmem:$0x4080] =	vst v63  }
0x2f: {  	_ =	swait.ge [sflag:s7], $0x4000  }
0x30: {  	[sflag:s7] =	ssyncset.done $0x0  }
0x31: {  	[sflag:s7] =	ssyncadd.s32 $0xFFFFC000  }
0x32: {  	_ =	sfence.sel $0x180000  }
0x33: {  	[bflag:$0x0] =	sbarrier.arrive $0xFFFF  }
0x34: {  	p0 =	sne.s32 s1, $0x0;
	_ =	strace $0x90000047  }
0x35: {  	s0 =	sadd.s32 @!p0 $0x100000, s0;
	[bflag:$0x2] =	sbarrier.arrive $0xFFFF  }
0x36: {  	[sflag:s0] =	ssyncadd.tile.s32 @!p0 $0x1;
	_ =	shalt  }
.Lfunc_end2:
_tile_overlayer_lowered:
.L_overlay_start_2:
0x37: {  	(tag) =	ssettag $0x2  }
0x38: {  	s0 =	rddreg [dreg:$0x0];
	s2 =	stileid.u32  }
0x39: {  	s1 =	rddreg [dreg:$0x1];
	p0 =	sne.s32 s2, $0x0  }
0x3a: {  	s3 =	rddreg [dreg:$0x2];
	[bflag:$0x3] =	sbarrier.arrive $0xFFFF;
	s2 =	simm.s32 @!p0 $0x1C02  }
0x3b: {  	[timem:s3], [sflag:s2] =	dma.local @!p0 [hbm:s0], s1  }
0x3c: {  	s0 =	simm.s32 @!p0 $0x2  }
0x3d: {  	_ =	swait.ge @!p0 [sflag:s0], s1  }
0x3e: {  	s1 =	ssub.s32 @!p0 $0x0, s1;
	[sflag:s0] =	ssyncset.done @!p0 $0x0  }
0x3f: {  	[sflag:s0] =	ssyncadd.s32 @!p0 s1  }
0x40: {  	[bflag:$0x3] =	sbarrier.arrive $0xFFFF  }
0x41: {  	_ =	shalt  }

</sc_bundles>
